<compile_context>
chip_gen: v7x
topology: tpu7x:2x2x1
jax: 0.10.2.dev20260603
libtpu: 0.0.44.dev20260713+nightly
codegen_flags: <defaults>
</compile_context>

<pallas_src>
import functools

import jax
import jax.numpy as jnp
from jax import lax
from jax.experimental import pallas as pl
from jax.experimental.pallas import tpu as pltpu
from jax.experimental.pallas import tpu_sc as plsc

N = 10000
E = 320000
D = 128
G = 64

NC = 2
NS = 16
NW = NC * NS

CH = 128
CPW = 80
EPAD = NW * CPW * CH
WIN = 40
NWIN = CPW // WIN

ACC_ROWS = 10240
ZROWS = 40
ROWS_PER_TILE = ACC_ROWS // NS

BLK = 2000


def _sc_aggregate_body(h_hbm, ei_hbm, out_hbm,
                       acc, src_v, dst_v, rows_v, zbuf, sem0, sem1):
    cid = lax.axis_index("c")
    sid = lax.axis_index("s")
    wid = cid * NS + sid
    buf0 = rows_v.at[0]
    buf1 = rows_v.at[1]

    pltpu.sync_copy(ei_hbm.at[0].at[wid].at[pl.ds(0, WIN)], src_v)
    pltpu.sync_copy(ei_hbm.at[1].at[wid].at[pl.ds(0, WIN)], dst_v)
    pltpu.async_copy(h_hbm.at[src_v.at[0]], buf0, sem0)

    zeros16 = jnp.zeros((16,), jnp.float32)

    @pl.loop(0, ZROWS)
    def _zrow(i):
        @pl.loop(0, D // 16)
        def _zcol(j):
            zbuf[i, pl.ds(j * 16, 16)] = zeros16

    @pl.loop(0, ACC_ROWS // NS // ZROWS)
    def _zacc(r):
        pltpu.sync_copy(zbuf, acc.at[pl.ds(sid * (ACC_ROWS // NS) + r * ZROWS,
                                           ZROWS)])

    plsc.subcore_barrier()

    @pl.loop(0, NWIN)
    def _win(w):
        @pl.when(w > 0)
        def _stage():
            pltpu.sync_copy(ei_hbm.at[0].at[wid].at[pl.ds(w * WIN, WIN)],
                            src_v)
            pltpu.sync_copy(ei_hbm.at[1].at[wid].at[pl.ds(w * WIN, WIN)],
                            dst_v)
            pltpu.async_copy(h_hbm.at[src_v.at[0]], buf0, sem0)

        @pl.loop(0, WIN // 2)
        def _pair(g):
            j0 = 2 * g
            pltpu.async_copy(h_hbm.at[src_v.at[j0 + 1]], buf1, sem1)
            pltpu.make_async_copy(h_hbm.at[src_v.at[j0]], buf0, sem0).wait()
            pltpu.sync_copy(buf0, acc.at[dst_v.at[j0]], add=True)

            @pl.when(j0 + 2 < WIN)
            def _refill():
                pltpu.async_copy(h_hbm.at[src_v.at[j0 + 2]], buf0, sem0)

            pltpu.make_async_copy(h_hbm.at[src_v.at[j0 + 1]], buf1,
                                  sem1).wait()
            pltpu.sync_copy(buf1, acc.at[dst_v.at[j0 + 1]], add=True)

    plsc.subcore_barrier()

    pltpu.sync_copy(acc.at[pl.ds(sid * ROWS_PER_TILE, ROWS_PER_TILE)],
                    out_hbm.at[cid].at[pl.ds(sid * ROWS_PER_TILE,
                                             ROWS_PER_TILE)])


_sc_aggregate = functools.partial(
    pl.kernel,
    out_type=jax.ShapeDtypeStruct((NC, ACC_ROWS, D), jnp.float32),
    mesh=plsc.VectorSubcoreMesh(core_axis_name="c", subcore_axis_name="s",
                                num_cores=NC, num_subcores=NS),
    scratch_types=[
        pltpu.VMEM_SHARED((ACC_ROWS, D), jnp.float32),
        pltpu.VMEM((WIN, CH), jnp.int32),
        pltpu.VMEM((WIN, CH), jnp.int32),
        pltpu.VMEM((2, CH, D), jnp.float32),
        pltpu.VMEM((ZROWS, D), jnp.float32),
        pltpu.SemaphoreType.DMA,
        pltpu.SemaphoreType.DMA,
    ],
)(_sc_aggregate_body)


def _tc_layer_body(a0_ref, a1_ref, w_ref, b_ref, batch_ref, h_ref, pool_ref):
    i = pl.program_id(0)
    agg = a0_ref[0] + a1_ref[0]
    h = jnp.dot(agg, w_ref[...], preferred_element_type=jnp.float32)
    h = jnp.maximum(h + b_ref[...], 0.0)
    h_ref[...] = h
    bt = batch_ref[0, 0, :]
    onehot = (bt[:, None] ==
              lax.broadcasted_iota(jnp.int32, (BLK, G), 1)).astype(jnp.float32)
    part = lax.dot_general(onehot, h, (((0,), (0,)), ((), ())),
                           preferred_element_type=jnp.float32)

    @pl.when(i == 0)
    def _():
        pool_ref[...] = jnp.zeros_like(pool_ref)

    pool_ref[...] += part


def _tc_layer(parts, w, b, batch3):
    return pl.pallas_call(
        _tc_layer_body,
        grid=(N // BLK,),
        in_specs=[
            pl.BlockSpec((1, BLK, D), lambda i: (0, i, 0)),
            pl.BlockSpec((1, BLK, D), lambda i: (1, i, 0)),
            pl.BlockSpec((D, D), lambda i: (0, 0)),
            pl.BlockSpec((1, D), lambda i: (0, 0)),
            pl.BlockSpec((1, 1, BLK), lambda i: (i, 0, 0)),
        ],
        out_specs=[
            pl.BlockSpec((BLK, D), lambda i: (i, 0)),
            pl.BlockSpec((G, D), lambda i: (0, 0)),
        ],
        out_shape=[
            jax.ShapeDtypeStruct((N, D), jnp.float32),
            jax.ShapeDtypeStruct((G, D), jnp.float32),
        ],
    )(parts, parts, w, b, batch3)


def _head_body(p1_ref, p2_ref, p3_ref, wc_ref, bc_ref, out_ref):
    logits = (jnp.dot(p1_ref[...], wc_ref[0:D, :],
                      preferred_element_type=jnp.float32)
              + jnp.dot(p2_ref[...], wc_ref[D:2 * D, :],
                        preferred_element_type=jnp.float32)
              + jnp.dot(p3_ref[...], wc_ref[2 * D:3 * D, :],
                        preferred_element_type=jnp.float32))
    out_ref[...] = jax.nn.sigmoid(logits + bc_ref[0, 0])


def _head(p1, p2, p3, wc, bc):
    return pl.pallas_call(
        _head_body,
        out_shape=jax.ShapeDtypeStruct((G, 1), jnp.float32),
    )(p1, p2, p3, wc, bc)


def kernel(x, edge_index, batch, W1, b1, W2, b2, W3, b3, Wc, bc):
    pad = EPAD - E
    pad_iota = jnp.arange(pad, dtype=jnp.int32)
    pads2 = jnp.stack([pad_iota % N, N + (pad_iota % (ACC_ROWS - N))])
    ei_p = jnp.concatenate([edge_index, pads2], axis=1).reshape(
        2, NW, CPW, CH)
    batch3 = batch.reshape(N // BLK, 1, BLK)

    h = x
    pooled = []
    for W, b in ((W1, b1), (W2, b2), (W3, b3)):
        parts = _sc_aggregate(h, ei_p)
        h, pool = _tc_layer(parts, W, b.reshape(1, D), batch3)
        pooled.append(pool)

    out = _head(pooled[0], pooled[1], pooled[2], Wc, bc.reshape(1, 1))
    return out.reshape(-1)

# --- scband reference (transcript-rebuilt; emitter-appended) ---
"""Pipeline reference for scband-neural-network-36807869726746 (READ-ONLY COPY).

The authoritative reference and input builder live on the scoring server;
editing this copy changes nothing except your own understanding.
"""

import jax, jax.numpy as jnp
import numpy as np

N = 10000
E = 320000
D = 128
G = 64


def setup_inputs(seed: int = 0) -> dict:
    key = jax.random.key(seed)
    ks = jax.random.split(key, 8)
    x = jax.random.normal(ks[0], (N, D), dtype=jnp.float32)
    edge_index = jax.random.randint(ks[1], (2, E), 0, N, dtype=jnp.int32)
    batch = jnp.sort(jax.random.randint(ks[2], (N,), 0, G, dtype=jnp.int32))
    scale = 1.0 / np.sqrt(D)
    W1 = jax.random.normal(ks[3], (D, D), dtype=jnp.float32) * scale
    W2 = jax.random.normal(ks[4], (D, D), dtype=jnp.float32) * scale
    W3 = jax.random.normal(ks[5], (D, D), dtype=jnp.float32) * scale
    b1 = jnp.zeros((D,), dtype=jnp.float32)
    b2 = jnp.zeros((D,), dtype=jnp.float32)
    b3 = jnp.zeros((D,), dtype=jnp.float32)
    Wc = jax.random.normal(ks[6], (3 * D, 1), dtype=jnp.float32) * (1.0 / np.sqrt(3 * D))
    bc = jnp.zeros((1,), dtype=jnp.float32)
    return {
        "x": x,
        "edge_index": edge_index,
        "batch": batch,
        "W1": W1, "b1": b1,
        "W2": W2, "b2": b2,
        "W3": W3, "b3": b3,
        "Wc": Wc, "bc": bc,
    }


def reference(x, edge_index, batch, W1, b1, W2, b2, W3, b3, Wc, bc):
    # 3-layer message-passing GNN (sum aggregation + linear + ReLU per layer),
    # global_add_pool after every layer, concat of pooled reps, linear classifier,
    # sigmoid, reshape(-1) -- faithful to the torch forward.
    src = edge_index[0]
    dst = edge_index[1]
    h = x
    pooled = []
    for W, b in ((W1, b1), (W2, b2), (W3, b3)):
        msgs = jnp.take(h, src, axis=0)                      # gather [E, D]
        agg = jax.ops.segment_sum(msgs, dst, num_segments=N)  # scatter-add [N, D]
        h = jax.nn.relu(agg @ W + b)
        pooled.append(jax.ops.segment_sum(h, batch, num_segments=G))  # global_add_pool
    y = jnp.concatenate(pooled, axis=1)   # [G, 3*D]
    logits = y @ Wc + bc                  # [G, 1]
    return jax.nn.sigmoid(logits).reshape(-1)

if __name__ == "__main__":
    import jax
    _d = setup_inputs()
    print(jax.jit(kernel)(*tuple(_d.values())))

</pallas_src>

<mosaic_0001>
#map = affine_map<(d0, d1) -> (0, 0)>
#map1 = affine_map<(d0, d1) -> (0, 0, 0, 0)>
#map2 = affine_map<(d0, d1) -> (0, 0, 0)>
module attributes {stable_mosaic.version = 14 : i64} {
  func.func @_sc_aggregate_body(%arg0: i32, %arg1: i32, %arg2: memref<10000x128xf32, #tpu.memory_space<hbm>>, %arg3: memref<2x32x80x128xi32, #tpu.memory_space<hbm>>, %arg4: memref<2x10240x128xf32, #tpu.memory_space<hbm>>, %arg5: memref<10240x128xf32, #tpu.memory_space<vmem_shared>>, %arg6: memref<40x128xi32, #tpu.memory_space<vmem>>, %arg7: memref<40x128xi32, #tpu.memory_space<vmem>>, %arg8: memref<2x128x128xf32, #tpu.memory_space<vmem>>, %arg9: memref<40x128xf32, #tpu.memory_space<vmem>>, %arg10: memref<!tpu.dma_semaphore, #tpu.memory_space<semaphore_mem>>, %arg11: memref<!tpu.dma_semaphore, #tpu.memory_space<semaphore_mem>>) attributes {dimension_semantics = [#tpu.dimension_semantics<core_parallel>, #tpu.dimension_semantics<subcore_parallel>], iteration_bounds = array<i64: 2, 16>, scalar_prefetch = 0 : i64, scratch_operands = 7 : i64, tpu.core_type = #tpu.core_type<sc_vector_subcore>, window_params = [{transform_indices = #map}, {transform_indices = #map1}, {transform_indices = #map2}]} {
    %mul3A = arith.constant 16 : i32
    %mul3A_0 = arith.muli %arg0, %mul3A : i32
    %add3A = arith.addi %mul3A_0, %arg1 : i32
    %run_scoped3A = arith.constant 0 : i32
    "tpu.region"() ({
      %run_scoped3A_35 = tpu.sem_alloc : memref<!tpu.dma_semaphore, #tpu.memory_space<semaphore_mem>>
      %dma_start3A_36 = arith.constant 0 : i32
      %dma_start3A_37 = arith.constant 0 : i32
      %dma_start3A_38 = arith.constant 0 : i32
      %dma_start3A_39 = tpu.memref_slice %arg3[%run_scoped3A, %dma_start3A_36, %dma_start3A_37, %dma_start3A_38] : memref<2x32x80x128xi32, #tpu.memory_space<hbm>> -> memref<1x32x80x128xi32, #tpu.memory_space<hbm>>
      %dma_start3A_40 = tpu.memref_squeeze %dma_start3A_39 : memref<1x32x80x128xi32, #tpu.memory_space<hbm>> -> memref<32x80x128xi32, #tpu.memory_space<hbm>>
      %dma_start3A_41 = arith.constant 0 : i32
      %dma_start3A_42 = arith.constant 0 : i32
      %dma_start3A_43 = tpu.memref_slice %dma_start3A_40[%add3A, %dma_start3A_41, %dma_start3A_42] : memref<32x80x128xi32, #tpu.memory_space<hbm>> -> memref<1x80x128xi32, #tpu.memory_space<hbm>>
      %dma_start3A_44 = tpu.memref_squeeze %dma_start3A_43 : memref<1x80x128xi32, #tpu.memory_space<hbm>> -> memref<80x128xi32, #tpu.memory_space<hbm>>
      %dma_start3A_45 = arith.constant 0 : i32
      %dma_start3A_46 = arith.constant 0 : i32
      %dma_start3A_47 = tpu.memref_slice %dma_start3A_44[%dma_start3A_45, %dma_start3A_46] : memref<80x128xi32, #tpu.memory_space<hbm>> -> memref<40x128xi32, #tpu.memory_space<hbm>>
      %dma_start3A_48 = arith.constant 0 : i32
      %dma_start3A_49 = arith.constant 0 : i32
      %dma_start3A_50 = arith.constant 0 : i32
      %dma_start3A_51 = tpu.memref_slice %arg3[%run_scoped3A, %dma_start3A_48, %dma_start3A_49, %dma_start3A_50] : memref<2x32x80x128xi32, #tpu.memory_space<hbm>> -> memref<1x32x80x128xi32, #tpu.memory_space<hbm>>
      %dma_start3A_52 = tpu.memref_squeeze %dma_start3A_51 : memref<1x32x80x128xi32, #tpu.memory_space<hbm>> -> memref<32x80x128xi32, #tpu.memory_space<hbm>>
      %dma_start3A_53 = arith.constant 0 : i32
      %dma_start3A_54 = arith.constant 0 : i32
      %dma_start3A_55 = tpu.memref_slice %dma_start3A_52[%add3A, %dma_start3A_53, %dma_start3A_54] : memref<32x80x128xi32, #tpu.memory_space<hbm>> -> memref<1x80x128xi32, #tpu.memory_space<hbm>>
      %dma_start3A_56 = tpu.memref_squeeze %dma_start3A_55 : memref<1x80x128xi32, #tpu.memory_space<hbm>> -> memref<80x128xi32, #tpu.memory_space<hbm>>
      %dma_start3A_57 = arith.constant 0 : i32
      %dma_start3A_58 = arith.constant 0 : i32
      %dma_start3A_59 = tpu.memref_slice %dma_start3A_56[%dma_start3A_57, %dma_start3A_58] : memref<80x128xi32, #tpu.memory_space<hbm>> -> memref<40x128xi32, #tpu.memory_space<hbm>>
      tpu.enqueue_dma source(%dma_start3A_59 : memref<40x128xi32, #tpu.memory_space<hbm>>) target(%arg6 : memref<40x128xi32, #tpu.memory_space<vmem>>) target_semaphore(%run_scoped3A_35 : memref<!tpu.dma_semaphore, #tpu.memory_space<semaphore_mem>>)
      %dma_wait3A = arith.constant 0 : i32
      %dma_wait3A_60 = arith.constant 0 : i32
      %dma_wait3A_61 = arith.constant 0 : i32
      %dma_wait3A_62 = tpu.memref_slice %arg3[%run_scoped3A, %dma_wait3A, %dma_wait3A_60, %dma_wait3A_61] : memref<2x32x80x128xi32, #tpu.memory_space<hbm>> -> memref<1x32x80x128xi32, #tpu.memory_space<hbm>>
      %dma_wait3A_63 = tpu.memref_squeeze %dma_wait3A_62 : memref<1x32x80x128xi32, #tpu.memory_space<hbm>> -> memref<32x80x128xi32, #tpu.memory_space<hbm>>
      %dma_wait3A_64 = arith.constant 0 : i32
      %dma_wait3A_65 = arith.constant 0 : i32
      %dma_wait3A_66 = tpu.memref_slice %dma_wait3A_63[%add3A, %dma_wait3A_64, %dma_wait3A_65] : memref<32x80x128xi32, #tpu.memory_space<hbm>> -> memref<1x80x128xi32, #tpu.memory_space<hbm>>
      %dma_wait3A_67 = tpu.memref_squeeze %dma_wait3A_66 : memref<1x80x128xi32, #tpu.memory_space<hbm>> -> memref<80x128xi32, #tpu.memory_space<hbm>>
      %dma_wait3A_68 = arith.constant 0 : i32
      %dma_wait3A_69 = arith.constant 0 : i32
      %dma_wait3A_70 = tpu.memref_slice %dma_wait3A_67[%dma_wait3A_68, %dma_wait3A_69] : memref<80x128xi32, #tpu.memory_space<hbm>> -> memref<40x128xi32, #tpu.memory_space<hbm>>
      %dma_wait3A_71 = arith.constant 0 : i32
      %dma_wait3A_72 = arith.constant 0 : i32
      %dma_wait3A_73 = arith.constant 0 : i32
      %dma_wait3A_74 = tpu.memref_slice %arg3[%run_scoped3A, %dma_wait3A_71, %dma_wait3A_72, %dma_wait3A_73] : memref<2x32x80x128xi32, #tpu.memory_space<hbm>> -> memref<1x32x80x128xi32, #tpu.memory_space<hbm>>
      %dma_wait3A_75 = tpu.memref_squeeze %dma_wait3A_74 : memref<1x32x80x128xi32, #tpu.memory_space<hbm>> -> memref<32x80x128xi32, #tpu.memory_space<hbm>>
      %dma_wait3A_76 = arith.constant 0 : i32
      %dma_wait3A_77 = arith.constant 0 : i32
      %dma_wait3A_78 = tpu.memref_slice %dma_wait3A_75[%add3A, %dma_wait3A_76, %dma_wait3A_77] : memref<32x80x128xi32, #tpu.memory_space<hbm>> -> memref<1x80x128xi32, #tpu.memory_space<hbm>>
      %dma_wait3A_79 = tpu.memref_squeeze %dma_wait3A_78 : memref<1x80x128xi32, #tpu.memory_space<hbm>> -> memref<80x128xi32, #tpu.memory_space<hbm>>
      %dma_wait3A_80 = arith.constant 0 : i32
      %dma_wait3A_81 = arith.constant 0 : i32
      %dma_wait3A_82 = tpu.memref_slice %dma_wait3A_79[%dma_wait3A_80, %dma_wait3A_81] : memref<80x128xi32, #tpu.memory_space<hbm>> -> memref<40x128xi32, #tpu.memory_space<hbm>>
      tpu.wait_dma2 semaphore(%run_scoped3A_35 : memref<!tpu.dma_semaphore, #tpu.memory_space<semaphore_mem>>) src(%dma_wait3A_82 : memref<40x128xi32, #tpu.memory_space<hbm>>) dst(%arg6 : memref<40x128xi32, #tpu.memory_space<vmem>>)
      tpu.yield
    }) : () -> ()
    %run_scoped3A_1 = arith.constant 1 : i32
    "tpu.region"() ({
      %run_scoped3A_35 = tpu.sem_alloc : memref<!tpu.dma_semaphore, #tpu.memory_space<semaphore_mem>>
      %dma_start3A_36 = arith.constant 0 : i32
      %dma_start3A_37 = arith.constant 0 : i32
      %dma_start3A_38 = arith.constant 0 : i32
      %dma_start3A_39 = tpu.memref_slice %arg3[%run_scoped3A_1, %dma_start3A_36, %dma_start3A_37, %dma_start3A_38] : memref<2x32x80x128xi32, #tpu.memory_space<hbm>> -> memref<1x32x80x128xi32, #tpu.memory_space<hbm>>
      %dma_start3A_40 = tpu.memref_squeeze %dma_start3A_39 : memref<1x32x80x128xi32, #tpu.memory_space<hbm>> -> memref<32x80x128xi32, #tpu.memory_space<hbm>>
      %dma_start3A_41 = arith.constant 0 : i32
      %dma_start3A_42 = arith.constant 0 : i32
      %dma_start3A_43 = tpu.memref_slice %dma_start3A_40[%add3A, %dma_start3A_41, %dma_start3A_42] : memref<32x80x128xi32, #tpu.memory_space<hbm>> -> memref<1x80x128xi32, #tpu.memory_space<hbm>>
      %dma_start3A_44 = tpu.memref_squeeze %dma_start3A_43 : memref<1x80x128xi32, #tpu.memory_space<hbm>> -> memref<80x128xi32, #tpu.memory_space<hbm>>
      %dma_start3A_45 = arith.constant 0 : i32
      %dma_start3A_46 = arith.constant 0 : i32
      %dma_start3A_47 = tpu.memref_slice %dma_start3A_44[%dma_start3A_45, %dma_start3A_46] : memref<80x128xi32, #tpu.memory_space<hbm>> -> memref<40x128xi32, #tpu.memory_space<hbm>>
      %dma_start3A_48 = arith.constant 0 : i32
      %dma_start3A_49 = arith.constant 0 : i32
      %dma_start3A_50 = arith.constant 0 : i32
      %dma_start3A_51 = tpu.memref_slice %arg3[%run_scoped3A_1, %dma_start3A_48, %dma_start3A_49, %dma_start3A_50] : memref<2x32x80x128xi32, #tpu.memory_space<hbm>> -> memref<1x32x80x128xi32, #tpu.memory_space<hbm>>
      %dma_start3A_52 = tpu.memref_squeeze %dma_start3A_51 : memref<1x32x80x128xi32, #tpu.memory_space<hbm>> -> memref<32x80x128xi32, #tpu.memory_space<hbm>>
      %dma_start3A_53 = arith.constant 0 : i32
      %dma_start3A_54 = arith.constant 0 : i32
      %dma_start3A_55 = tpu.memref_slice %dma_start3A_52[%add3A, %dma_start3A_53, %dma_start3A_54] : memref<32x80x128xi32, #tpu.memory_space<hbm>> -> memref<1x80x128xi32, #tpu.memory_space<hbm>>
      %dma_start3A_56 = tpu.memref_squeeze %dma_start3A_55 : memref<1x80x128xi32, #tpu.memory_space<hbm>> -> memref<80x128xi32, #tpu.memory_space<hbm>>
      %dma_start3A_57 = arith.constant 0 : i32
      %dma_start3A_58 = arith.constant 0 : i32
      %dma_start3A_59 = tpu.memref_slice %dma_start3A_56[%dma_start3A_57, %dma_start3A_58] : memref<80x128xi32, #tpu.memory_space<hbm>> -> memref<40x128xi32, #tpu.memory_space<hbm>>
      tpu.enqueue_dma source(%dma_start3A_59 : memref<40x128xi32, #tpu.memory_space<hbm>>) target(%arg7 : memref<40x128xi32, #tpu.memory_space<vmem>>) target_semaphore(%run_scoped3A_35 : memref<!tpu.dma_semaphore, #tpu.memory_space<semaphore_mem>>)
      %dma_wait3A = arith.constant 0 : i32
      %dma_wait3A_60 = arith.constant 0 : i32
      %dma_wait3A_61 = arith.constant 0 : i32
      %dma_wait3A_62 = tpu.memref_slice %arg3[%run_scoped3A_1, %dma_wait3A, %dma_wait3A_60, %dma_wait3A_61] : memref<2x32x80x128xi32, #tpu.memory_space<hbm>> -> memref<1x32x80x128xi32, #tpu.memory_space<hbm>>
      %dma_wait3A_63 = tpu.memref_squeeze %dma_wait3A_62 : memref<1x32x80x128xi32, #tpu.memory_space<hbm>> -> memref<32x80x128xi32, #tpu.memory_space<hbm>>
      %dma_wait3A_64 = arith.constant 0 : i32
      %dma_wait3A_65 = arith.constant 0 : i32
      %dma_wait3A_66 = tpu.memref_slice %dma_wait3A_63[%add3A, %dma_wait3A_64, %dma_wait3A_65] : memref<32x80x128xi32, #tpu.memory_space<hbm>> -> memref<1x80x128xi32, #tpu.memory_space<hbm>>
      %dma_wait3A_67 = tpu.memref_squeeze %dma_wait3A_66 : memref<1x80x128xi32, #tpu.memory_space<hbm>> -> memref<80x128xi32, #tpu.memory_space<hbm>>
      %dma_wait3A_68 = arith.constant 0 : i32
      %dma_wait3A_69 = arith.constant 0 : i32
      %dma_wait3A_70 = tpu.memref_slice %dma_wait3A_67[%dma_wait3A_68, %dma_wait3A_69] : memref<80x128xi32, #tpu.memory_space<hbm>> -> memref<40x128xi32, #tpu.memory_space<hbm>>
      %dma_wait3A_71 = arith.constant 0 : i32
      %dma_wait3A_72 = arith.constant 0 : i32
      %dma_wait3A_73 = arith.constant 0 : i32
      %dma_wait3A_74 = tpu.memref_slice %arg3[%run_scoped3A_1, %dma_wait3A_71, %dma_wait3A_72, %dma_wait3A_73] : memref<2x32x80x128xi32, #tpu.memory_space<hbm>> -> memref<1x32x80x128xi32, #tpu.memory_space<hbm>>
      %dma_wait3A_75 = tpu.memref_squeeze %dma_wait3A_74 : memref<1x32x80x128xi32, #tpu.memory_space<hbm>> -> memref<32x80x128xi32, #tpu.memory_space<hbm>>
      %dma_wait3A_76 = arith.constant 0 : i32
      %dma_wait3A_77 = arith.constant 0 : i32
      %dma_wait3A_78 = tpu.memref_slice %dma_wait3A_75[%add3A, %dma_wait3A_76, %dma_wait3A_77] : memref<32x80x128xi32, #tpu.memory_space<hbm>> -> memref<1x80x128xi32, #tpu.memory_space<hbm>>
      %dma_wait3A_79 = tpu.memref_squeeze %dma_wait3A_78 : memref<1x80x128xi32, #tpu.memory_space<hbm>> -> memref<80x128xi32, #tpu.memory_space<hbm>>
      %dma_wait3A_80 = arith.constant 0 : i32
      %dma_wait3A_81 = arith.constant 0 : i32
      %dma_wait3A_82 = tpu.memref_slice %dma_wait3A_79[%dma_wait3A_80, %dma_wait3A_81] : memref<80x128xi32, #tpu.memory_space<hbm>> -> memref<40x128xi32, #tpu.memory_space<hbm>>
      tpu.wait_dma2 semaphore(%run_scoped3A_35 : memref<!tpu.dma_semaphore, #tpu.memory_space<semaphore_mem>>) src(%dma_wait3A_82 : memref<40x128xi32, #tpu.memory_space<hbm>>) dst(%arg7 : memref<40x128xi32, #tpu.memory_space<vmem>>)
      tpu.yield
    }) : () -> ()
    %dma_start3A = arith.constant 0 : i32
    %dma_start3A_2 = arith.constant 0 : i32
    %dma_start3A_3 = arith.constant 0 : i32
    %dma_start3A_4 = arith.constant 0 : i32
    %dma_start3A_5 = tpu.memref_slice %arg8[%dma_start3A_2, %dma_start3A_3, %dma_start3A_4] : memref<2x128x128xf32, #tpu.memory_space<vmem>> -> memref<1x128x128xf32, #tpu.memory_space<vmem>>
    %dma_start3A_6 = tpu.memref_squeeze %dma_start3A_5 : memref<1x128x128xf32, #tpu.memory_space<vmem>> -> memref<128x128xf32, #tpu.memory_space<vmem>>
    %dma_start3A_7 = arith.constant 0 : i32
    %dma_start3A_8 = tpu.memref_slice %arg6[%dma_start3A, %dma_start3A_7] : memref<40x128xi32, #tpu.memory_space<vmem>> -> memref<1x128xi32, #tpu.memory_space<vmem>>
    %dma_start3A_9 = tpu.memref_squeeze %dma_start3A_8 : memref<1x128xi32, #tpu.memory_space<vmem>> -> memref<128xi32, #tpu.memory_space<vmem>>
    %dma_start3A_10 = arith.constant 0 : i32
    %dma_start3A_11 = arith.constant 0 : i32
    %dma_start3A_12 = tpu.memref_slice %arg2[%dma_start3A_10, %dma_start3A_11] : memref<10000x128xf32, #tpu.memory_space<hbm>> -> memref<10000x128xf32, #tpu.memory_space<hbm>>
    tpu.enqueue_indirect_dma source(%dma_start3A_12 : memref<10000x128xf32, #tpu.memory_space<hbm>>) target(%dma_start3A_6 : memref<128x128xf32, #tpu.memory_space<vmem>>) offsets(%dma_start3A_9 : memref<128xi32, #tpu.memory_space<vmem>>) semaphore(%arg10 : memref<!tpu.dma_semaphore, #tpu.memory_space<semaphore_mem>>)
    %broadcast_in_dim3A = arith.constant 0.000000e+00 : f32
    %broadcast_in_dim3A_13 = vector.broadcast %broadcast_in_dim3A : f32 to vector<16xf32>
    %scan3A = arith.constant 0 : i32
    %scan3A_14 = arith.constant 40 : i32
    %scan3A_15 = arith.addi %scan3A, %scan3A_14 : i32
    %scan3A_16 = arith.constant 1 : i32
    scf.for %scan3A_35 = %scan3A to %scan3A_15 step %scan3A_16  : i32 {
      %mul3A_36 = arith.constant 1 : i32
      %mul3A_37 = arith.muli %scan3A_35, %mul3A_36 : i32
      %add3A_38 = arith.constant 0 : i32
      %add3A_39 = arith.addi %add3A_38, %mul3A_37 : i32
      %scan3A_40 = arith.constant 0 : i32
      %scan3A_41 = arith.constant 8 : i32
      %scan3A_42 = arith.addi %scan3A_40, %scan3A_41 : i32
      %scan3A_43 = arith.constant 1 : i32
      scf.for %scan3A_45 = %scan3A_40 to %scan3A_42 step %scan3A_43  : i32 {
        %mul3A_46 = arith.constant 1 : i32
        %mul3A_47 = arith.muli %scan3A_45, %mul3A_46 : i32
        %add3A_48 = arith.constant 0 : i32
        %add3A_49 = arith.addi %add3A_48, %mul3A_47 : i32
        %mul3A_50 = arith.constant 16 : i32
        %mul3A_51 = arith.muli %add3A_49, %mul3A_50 : i32
        %swap3A = arith.index_cast %add3A_39 : i32 to index
        %swap3A_52 = arith.index_cast %mul3A_51 : i32 to index
        %swap3A_53 = tpu.vector_load %arg9[%swap3A, %swap3A_52] {strides = array<i32>} : memref<40x128xf32, #tpu.memory_space<vmem>>, vector<1x16xf32>,
        %swap3A_54 = vector.shape_cast %swap3A_53 : vector<1x16xf32> to vector<16xf32>
        %swap3A_55 = vector.shape_cast %broadcast_in_dim3A_13 : vector<16xf32> to vector<1x16xf32>
        tpu.vector_store %arg9[%swap3A, %swap3A_52], %swap3A_55 {strides = array<i32>} : memref<40x128xf32, #tpu.memory_space<vmem>>, vector<1x16xf32>,
      }
      %scan3A_44 = arith.constant 8 : i32
    }
    %scan3A_17 = arith.constant 40 : i32
    %scan3A_18 = arith.constant 0 : i32
    %scan3A_19 = arith.constant 16 : i32
    %scan3A_20 = arith.addi %scan3A_18, %scan3A_19 : i32
    %scan3A_21 = arith.constant 1 : i32
    scf.for %scan3A_35 = %scan3A_18 to %scan3A_20 step %scan3A_21  : i32 {
      %mul3A_36 = arith.constant 1 : i32
      %mul3A_37 = arith.muli %scan3A_35, %mul3A_36 : i32
      %add3A_38 = arith.constant 0 : i32
      %add3A_39 = arith.addi %add3A_38, %mul3A_37 : i32
      %mul3A_40 = arith.constant 640 : i32
      %mul3A_41 = arith.muli %arg1, %mul3A_40 : i32
      %mul3A_42 = arith.constant 40 : i32
      %mul3A_43 = arith.muli %add3A_39, %mul3A_42 : i32
      %add3A_44 = arith.addi %mul3A_41, %mul3A_43 : i32
      "tpu.region"() ({
        %run_scoped3A_45 = tpu.sem_alloc : memref<!tpu.dma_semaphore, #tpu.memory_space<semaphore_mem>>
        %dma_start3A_46 = arith.constant 0 : i32
        %dma_start3A_47 = tpu.memref_slice %arg5[%add3A_44, %dma_start3A_46] : memref<10240x128xf32, #tpu.memory_space<vmem_shared>> -> memref<40x128xf32, #tpu.memory_space<vmem_shared>>
        %dma_start3A_48 = arith.constant 0 : i32
        %dma_start3A_49 = tpu.memref_slice %arg5[%add3A_44, %dma_start3A_48] : memref<10240x128xf32, #tpu.memory_space<vmem_shared>> -> memref<40x128xf32, #tpu.memory_space<vmem_shared>>
        tpu.enqueue_dma source(%arg9 : memref<40x128xf32, #tpu.memory_space<vmem>>) target(%dma_start3A_49 : memref<40x128xf32, #tpu.memory_space<vmem_shared>>) target_semaphore(%run_scoped3A_45 : memref<!tpu.dma_semaphore, #tpu.memory_space<semaphore_mem>>)
        %dma_wait3A = arith.constant 0 : i32
        %dma_wait3A_50 = tpu.memref_slice %arg5[%add3A_44, %dma_wait3A] : memref<10240x128xf32, #tpu.memory_space<vmem_shared>> -> memref<40x128xf32, #tpu.memory_space<vmem_shared>>
        %dma_wait3A_51 = arith.constant 0 : i32
        %dma_wait3A_52 = tpu.memref_slice %arg5[%add3A_44, %dma_wait3A_51] : memref<10240x128xf32, #tpu.memory_space<vmem_shared>> -> memref<40x128xf32, #tpu.memory_space<vmem_shared>>
        tpu.wait_dma2 semaphore(%run_scoped3A_45 : memref<!tpu.dma_semaphore, #tpu.memory_space<semaphore_mem>>) src(%arg9 : memref<40x128xf32, #tpu.memory_space<vmem>>) dst(%dma_wait3A_52 : memref<40x128xf32, #tpu.memory_space<vmem_shared>>)
        tpu.yield
      }) : () -> ()
    }
    %scan3A_22 = arith.constant 16 : i32
    %barrier3A = arith.constant 0 : index
    tpu.barrier barrier_id(%barrier3A)
    %scan3A_23 = arith.constant 0 : i32
    %scan3A_24 = arith.constant 1 : i32
    %scan3A_25 = arith.constant 0 : i32
    %scan3A_26 = arith.constant 2 : i32
    %scan3A_27 = arith.addi %scan3A_25, %scan3A_26 : i32
    %scan3A_28 = arith.constant 1 : i32
    scf.for %scan3A_35 = %scan3A_25 to %scan3A_27 step %scan3A_28  : i32 {
      %mul3A_36 = arith.constant 1 : i32
      %mul3A_37 = arith.muli %scan3A_35, %mul3A_36 : i32
      %add3A_38 = arith.constant 0 : i32
      %add3A_39 = arith.addi %add3A_38, %mul3A_37 : i32
      %gt3A = arith.constant 0 : i32
      %gt3A_40 = arith.cmpi sgt, %add3A_39, %gt3A : i32
      %convert_element_type3A = arith.extui %gt3A_40 : i1 to i32
      %cond3A = arith.constant 0 : i32
      %cond3A_41 = arith.cmpi ne, %convert_element_type3A, %cond3A : i32
      scf.if %cond3A_41 {
        %mul3A_47 = arith.constant 40 : i32
        %mul3A_48 = arith.muli %add3A_39, %mul3A_47 : i32
        %run_scoped3A_49 = arith.constant 0 : i32
        "tpu.region"() ({
          %run_scoped3A_64 = tpu.sem_alloc : memref<!tpu.dma_semaphore, #tpu.memory_space<semaphore_mem>>
          %dma_start3A_65 = arith.constant 0 : i32
          %dma_start3A_66 = arith.constant 0 : i32
          %dma_start3A_67 = arith.constant 0 : i32
          %dma_start3A_68 = tpu.memref_slice %arg3[%run_scoped3A_49, %dma_start3A_65, %dma_start3A_66, %dma_start3A_67] : memref<2x32x80x128xi32, #tpu.memory_space<hbm>> -> memref<1x32x80x128xi32, #tpu.memory_space<hbm>>
          %dma_start3A_69 = tpu.memref_squeeze %dma_start3A_68 : memref<1x32x80x128xi32, #tpu.memory_space<hbm>> -> memref<32x80x128xi32, #tpu.memory_space<hbm>>
          %dma_start3A_70 = arith.constant 0 : i32
          %dma_start3A_71 = arith.constant 0 : i32
          %dma_start3A_72 = tpu.memref_slice %dma_start3A_69[%add3A, %dma_start3A_70, %dma_start3A_71] : memref<32x80x128xi32, #tpu.memory_space<hbm>> -> memref<1x80x128xi32, #tpu.memory_space<hbm>>
          %dma_start3A_73 = tpu.memref_squeeze %dma_start3A_72 : memref<1x80x128xi32, #tpu.memory_space<hbm>> -> memref<80x128xi32, #tpu.memory_space<hbm>>
          %dma_start3A_74 = arith.constant 0 : i32
          %dma_start3A_75 = tpu.memref_slice %dma_start3A_73[%mul3A_48, %dma_start3A_74] : memref<80x128xi32, #tpu.memory_space<hbm>> -> memref<40x128xi32, #tpu.memory_space<hbm>>
          %dma_start3A_76 = arith.constant 0 : i32
          %dma_start3A_77 = arith.constant 0 : i32
          %dma_start3A_78 = arith.constant 0 : i32
          %dma_start3A_79 = tpu.memref_slice %arg3[%run_scoped3A_49, %dma_start3A_76, %dma_start3A_77, %dma_start3A_78] : memref<2x32x80x128xi32, #tpu.memory_space<hbm>> -> memref<1x32x80x128xi32, #tpu.memory_space<hbm>>
          %dma_start3A_80 = tpu.memref_squeeze %dma_start3A_79 : memref<1x32x80x128xi32, #tpu.memory_space<hbm>> -> memref<32x80x128xi32, #tpu.memory_space<hbm>>
          %dma_start3A_81 = arith.constant 0 : i32
          %dma_start3A_82 = arith.constant 0 : i32
          %dma_start3A_83 = tpu.memref_slice %dma_start3A_80[%add3A, %dma_start3A_81, %dma_start3A_82] : memref<32x80x128xi32, #tpu.memory_space<hbm>> -> memref<1x80x128xi32, #tpu.memory_space<hbm>>
          %dma_start3A_84 = tpu.memref_squeeze %dma_start3A_83 : memref<1x80x128xi32, #tpu.memory_space<hbm>> -> memref<80x128xi32, #tpu.memory_space<hbm>>
          %dma_start3A_85 = arith.constant 0 : i32
          %dma_start3A_86 = tpu.memref_slice %dma_start3A_84[%mul3A_48, %dma_start3A_85] : memref<80x128xi32, #tpu.memory_space<hbm>> -> memref<40x128xi32, #tpu.memory_space<hbm>>
          tpu.enqueue_dma source(%dma_start3A_86 : memref<40x128xi32, #tpu.memory_space<hbm>>) target(%arg6 : memref<40x128xi32, #tpu.memory_space<vmem>>) target_semaphore(%run_scoped3A_64 : memref<!tpu.dma_semaphore, #tpu.memory_space<semaphore_mem>>)
          %dma_wait3A = arith.constant 0 : i32
          %dma_wait3A_87 = arith.constant 0 : i32
          %dma_wait3A_88 = arith.constant 0 : i32
          %dma_wait3A_89 = tpu.memref_slice %arg3[%run_scoped3A_49, %dma_wait3A, %dma_wait3A_87, %dma_wait3A_88] : memref<2x32x80x128xi32, #tpu.memory_space<hbm>> -> memref<1x32x80x128xi32, #tpu.memory_space<hbm>>
          %dma_wait3A_90 = tpu.memref_squeeze %dma_wait3A_89 : memref<1x32x80x128xi32, #tpu.memory_space<hbm>> -> memref<32x80x128xi32, #tpu.memory_space<hbm>>
          %dma_wait3A_91 = arith.constant 0 : i32
          %dma_wait3A_92 = arith.constant 0 : i32
          %dma_wait3A_93 = tpu.memref_slice %dma_wait3A_90[%add3A, %dma_wait3A_91, %dma_wait3A_92] : memref<32x80x128xi32, #tpu.memory_space<hbm>> -> memref<1x80x128xi32, #tpu.memory_space<hbm>>
          %dma_wait3A_94 = tpu.memref_squeeze %dma_wait3A_93 : memref<1x80x128xi32, #tpu.memory_space<hbm>> -> memref<80x128xi32, #tpu.memory_space<hbm>>
          %dma_wait3A_95 = arith.constant 0 : i32
          %dma_wait3A_96 = tpu.memref_slice %dma_wait3A_94[%mul3A_48, %dma_wait3A_95] : memref<80x128xi32, #tpu.memory_space<hbm>> -> memref<40x128xi32, #tpu.memory_space<hbm>>
          %dma_wait3A_97 = arith.constant 0 : i32
          %dma_wait3A_98 = arith.constant 0 : i32
          %dma_wait3A_99 = arith.constant 0 : i32
          %dma_wait3A_100 = tpu.memref_slice %arg3[%run_scoped3A_49, %dma_wait3A_97, %dma_wait3A_98, %dma_wait3A_99] : memref<2x32x80x128xi32, #tpu.memory_space<hbm>> -> memref<1x32x80x128xi32, #tpu.memory_space<hbm>>
          %dma_wait3A_101 = tpu.memref_squeeze %dma_wait3A_100 : memref<1x32x80x128xi32, #tpu.memory_space<hbm>> -> memref<32x80x128xi32, #tpu.memory_space<hbm>>
          %dma_wait3A_102 = arith.constant 0 : i32
          %dma_wait3A_103 = arith.constant 0 : i32
          %dma_wait3A_104 = tpu.memref_slice %dma_wait3A_101[%add3A, %dma_wait3A_102, %dma_wait3A_103] : memref<32x80x128xi32, #tpu.memory_space<hbm>> -> memref<1x80x128xi32, #tpu.memory_space<hbm>>
          %dma_wait3A_105 = tpu.memref_squeeze %dma_wait3A_104 : memref<1x80x128xi32, #tpu.memory_space<hbm>> -> memref<80x128xi32, #tpu.memory_space<hbm>>
          %dma_wait3A_106 = arith.constant 0 : i32
          %dma_wait3A_107 = tpu.memref_slice %dma_wait3A_105[%mul3A_48, %dma_wait3A_106] : memref<80x128xi32, #tpu.memory_space<hbm>> -> memref<40x128xi32, #tpu.memory_space<hbm>>
          tpu.wait_dma2 semaphore(%run_scoped3A_64 : memref<!tpu.dma_semaphore, #tpu.memory_space<semaphore_mem>>) src(%dma_wait3A_107 : memref<40x128xi32, #tpu.memory_space<hbm>>) dst(%arg6 : memref<40x128xi32, #tpu.memory_space<vmem>>)
          tpu.yield
        }) : () -> ()
        %mul3A_50 = arith.constant 40 : i32
        %mul3A_51 = arith.muli %add3A_39, %mul3A_50 : i32
        %run_scoped3A_52 = arith.constant 1 : i32
        "tpu.region"() ({
          %run_scoped3A_64 = tpu.sem_alloc : memref<!tpu.dma_semaphore, #tpu.memory_space<semaphore_mem>>
          %dma_start3A_65 = arith.constant 0 : i32
          %dma_start3A_66 = arith.constant 0 : i32
          %dma_start3A_67 = arith.constant 0 : i32
          %dma_start3A_68 = tpu.memref_slice %arg3[%run_scoped3A_52, %dma_start3A_65, %dma_start3A_66, %dma_start3A_67] : memref<2x32x80x128xi32, #tpu.memory_space<hbm>> -> memref<1x32x80x128xi32, #tpu.memory_space<hbm>>
          %dma_start3A_69 = tpu.memref_squeeze %dma_start3A_68 : memref<1x32x80x128xi32, #tpu.memory_space<hbm>> -> memref<32x80x128xi32, #tpu.memory_space<hbm>>
          %dma_start3A_70 = arith.constant 0 : i32
          %dma_start3A_71 = arith.constant 0 : i32
          %dma_start3A_72 = tpu.memref_slice %dma_start3A_69[%add3A, %dma_start3A_70, %dma_start3A_71] : memref<32x80x128xi32, #tpu.memory_space<hbm>> -> memref<1x80x128xi32, #tpu.memory_space<hbm>>
          %dma_start3A_73 = tpu.memref_squeeze %dma_start3A_72 : memref<1x80x128xi32, #tpu.memory_space<hbm>> -> memref<80x128xi32, #tpu.memory_space<hbm>>
          %dma_start3A_74 = arith.constant 0 : i32
          %dma_start3A_75 = tpu.memref_slice %dma_start3A_73[%mul3A_51, %dma_start3A_74] : memref<80x128xi32, #tpu.memory_space<hbm>> -> memref<40x128xi32, #tpu.memory_space<hbm>>
          %dma_start3A_76 = arith.constant 0 : i32
          %dma_start3A_77 = arith.constant 0 : i32
          %dma_start3A_78 = arith.constant 0 : i32
          %dma_start3A_79 = tpu.memref_slice %arg3[%run_scoped3A_52, %dma_start3A_76, %dma_start3A_77, %dma_start3A_78] : memref<2x32x80x128xi32, #tpu.memory_space<hbm>> -> memref<1x32x80x128xi32, #tpu.memory_space<hbm>>
          %dma_start3A_80 = tpu.memref_squeeze %dma_start3A_79 : memref<1x32x80x128xi32, #tpu.memory_space<hbm>> -> memref<32x80x128xi32, #tpu.memory_space<hbm>>
          %dma_start3A_81 = arith.constant 0 : i32
          %dma_start3A_82 = arith.constant 0 : i32
          %dma_start3A_83 = tpu.memref_slice %dma_start3A_80[%add3A, %dma_start3A_81, %dma_start3A_82] : memref<32x80x128xi32, #tpu.memory_space<hbm>> -> memref<1x80x128xi32, #tpu.memory_space<hbm>>
          %dma_start3A_84 = tpu.memref_squeeze %dma_start3A_83 : memref<1x80x128xi32, #tpu.memory_space<hbm>> -> memref<80x128xi32, #tpu.memory_space<hbm>>
          %dma_start3A_85 = arith.constant 0 : i32
          %dma_start3A_86 = tpu.memref_slice %dma_start3A_84[%mul3A_51, %dma_start3A_85] : memref<80x128xi32, #tpu.memory_space<hbm>> -> memref<40x128xi32, #tpu.memory_space<hbm>>
          tpu.enqueue_dma source(%dma_start3A_86 : memref<40x128xi32, #tpu.memory_space<hbm>>) target(%arg7 : memref<40x128xi32, #tpu.memory_space<vmem>>) target_semaphore(%run_scoped3A_64 : memref<!tpu.dma_semaphore, #tpu.memory_space<semaphore_mem>>)
          %dma_wait3A = arith.constant 0 : i32
          %dma_wait3A_87 = arith.constant 0 : i32
          %dma_wait3A_88 = arith.constant 0 : i32
          %dma_wait3A_89 = tpu.memref_slice %arg3[%run_scoped3A_52, %dma_wait3A, %dma_wait3A_87, %dma_wait3A_88] : memref<2x32x80x128xi32, #tpu.memory_space<hbm>> -> memref<1x32x80x128xi32, #tpu.memory_space<hbm>>
          %dma_wait3A_90 = tpu.memref_squeeze %dma_wait3A_89 : memref<1x32x80x128xi32, #tpu.memory_space<hbm>> -> memref<32x80x128xi32, #tpu.memory_space<hbm>>
          %dma_wait3A_91 = arith.constant 0 : i32
          %dma_wait3A_92 = arith.constant 0 : i32
          %dma_wait3A_93 = tpu.memref_slice %dma_wait3A_90[%add3A, %dma_wait3A_91, %dma_wait3A_92] : memref<32x80x128xi32, #tpu.memory_space<hbm>> -> memref<1x80x128xi32, #tpu.memory_space<hbm>>
          %dma_wait3A_94 = tpu.memref_squeeze %dma_wait3A_93 : memref<1x80x128xi32, #tpu.memory_space<hbm>> -> memref<80x128xi32, #tpu.memory_space<hbm>>
          %dma_wait3A_95 = arith.constant 0 : i32
          %dma_wait3A_96 = tpu.memref_slice %dma_wait3A_94[%mul3A_51, %dma_wait3A_95] : memref<80x128xi32, #tpu.memory_space<hbm>> -> memref<40x128xi32, #tpu.memory_space<hbm>>
          %dma_wait3A_97 = arith.constant 0 : i32
          %dma_wait3A_98 = arith.constant 0 : i32
          %dma_wait3A_99 = arith.constant 0 : i32
          %dma_wait3A_100 = tpu.memref_slice %arg3[%run_scoped3A_52, %dma_wait3A_97, %dma_wait3A_98, %dma_wait3A_99] : memref<2x32x80x128xi32, #tpu.memory_space<hbm>> -> memref<1x32x80x128xi32, #tpu.memory_space<hbm>>
          %dma_wait3A_101 = tpu.memref_squeeze %dma_wait3A_100 : memref<1x32x80x128xi32, #tpu.memory_space<hbm>> -> memref<32x80x128xi32, #tpu.memory_space<hbm>>
          %dma_wait3A_102 = arith.constant 0 : i32
          %dma_wait3A_103 = arith.constant 0 : i32
          %dma_wait3A_104 = tpu.memref_slice %dma_wait3A_101[%add3A, %dma_wait3A_102, %dma_wait3A_103] : memref<32x80x128xi32, #tpu.memory_space<hbm>> -> memref<1x80x128xi32, #tpu.memory_space<hbm>>
          %dma_wait3A_105 = tpu.memref_squeeze %dma_wait3A_104 : memref<1x80x128xi32, #tpu.memory_space<hbm>> -> memref<80x128xi32, #tpu.memory_space<hbm>>
          %dma_wait3A_106 = arith.constant 0 : i32
          %dma_wait3A_107 = tpu.memref_slice %dma_wait3A_105[%mul3A_51, %dma_wait3A_106] : memref<80x128xi32, #tpu.memory_space<hbm>> -> memref<40x128xi32, #tpu.memory_space<hbm>>
          tpu.wait_dma2 semaphore(%run_scoped3A_64 : memref<!tpu.dma_semaphore, #tpu.memory_space<semaphore_mem>>) src(%dma_wait3A_107 : memref<40x128xi32, #tpu.memory_space<hbm>>) dst(%arg7 : memref<40x128xi32, #tpu.memory_space<vmem>>)
          tpu.yield
        }) : () -> ()
        %dma_start3A_53 = arith.constant 0 : i32
        %dma_start3A_54 = arith.constant 0 : i32
        %dma_start3A_55 = arith.constant 0 : i32
        %dma_start3A_56 = tpu.memref_slice %arg8[%scan3A_23, %dma_start3A_54, %dma_start3A_55] : memref<2x128x128xf32, #tpu.memory_space<vmem>> -> memref<1x128x128xf32, #tpu.memory_space<vmem>>
        %dma_start3A_57 = tpu.memref_squeeze %dma_start3A_56 : memref<1x128x128xf32, #tpu.memory_space<vmem>> -> memref<128x128xf32, #tpu.memory_space<vmem>>
        %dma_start3A_58 = arith.constant 0 : i32
        %dma_start3A_59 = tpu.memref_slice %arg6[%dma_start3A_53, %dma_start3A_58] : memref<40x128xi32, #tpu.memory_space<vmem>> -> memref<1x128xi32, #tpu.memory_space<vmem>>
        %dma_start3A_60 = tpu.memref_squeeze %dma_start3A_59 : memref<1x128xi32, #tpu.memory_space<vmem>> -> memref<128xi32, #tpu.memory_space<vmem>>
        %dma_start3A_61 = arith.constant 0 : i32
        %dma_start3A_62 = arith.constant 0 : i32
        %dma_start3A_63 = tpu.memref_slice %arg2[%dma_start3A_61, %dma_start3A_62] : memref<10000x128xf32, #tpu.memory_space<hbm>> -> memref<10000x128xf32, #tpu.memory_space<hbm>>
        tpu.enqueue_indirect_dma source(%dma_start3A_63 : memref<10000x128xf32, #tpu.memory_space<hbm>>) target(%dma_start3A_57 : memref<128x128xf32, #tpu.memory_space<vmem>>) offsets(%dma_start3A_60 : memref<128xi32, #tpu.memory_space<vmem>>) semaphore(%arg10 : memref<!tpu.dma_semaphore, #tpu.memory_space<semaphore_mem>>)
      } else {
      }
      %scan3A_42 = arith.constant 0 : i32
      %scan3A_43 = arith.constant 20 : i32
      %scan3A_44 = arith.addi %scan3A_42, %scan3A_43 : i32
      %scan3A_45 = arith.constant 1 : i32
      scf.for %scan3A_47 = %scan3A_42 to %scan3A_44 step %scan3A_45  : i32 {
        %mul3A_48 = arith.constant 1 : i32
        %mul3A_49 = arith.muli %scan3A_47, %mul3A_48 : i32
        %add3A_50 = arith.constant 0 : i32
        %add3A_51 = arith.addi %add3A_50, %mul3A_49 : i32
        %mul3A_52 = arith.constant 2 : i32
        %mul3A_53 = arith.muli %mul3A_52, %add3A_51 : i32
        %add3A_54 = arith.constant 1 : i32
        %add3A_55 = arith.addi %mul3A_53, %add3A_54 : i32
        %dma_start3A_56 = arith.constant 0 : i32
        %dma_start3A_57 = arith.constant 0 : i32
        %dma_start3A_58 = tpu.memref_slice %arg8[%scan3A_24, %dma_start3A_56, %dma_start3A_57] : memref<2x128x128xf32, #tpu.memory_space<vmem>> -> memref<1x128x128xf32, #tpu.memory_space<vmem>>
        %dma_start3A_59 = tpu.memref_squeeze %dma_start3A_58 : memref<1x128x128xf32, #tpu.memory_space<vmem>> -> memref<128x128xf32, #tpu.memory_space<vmem>>
        %dma_start3A_60 = arith.constant 0 : i32
        %dma_start3A_61 = tpu.memref_slice %arg6[%add3A_55, %dma_start3A_60] : memref<40x128xi32, #tpu.memory_space<vmem>> -> memref<1x128xi32, #tpu.memory_space<vmem>>
        %dma_start3A_62 = tpu.memref_squeeze %dma_start3A_61 : memref<1x128xi32, #tpu.memory_space<vmem>> -> memref<128xi32, #tpu.memory_space<vmem>>
        %dma_start3A_63 = arith.constant 0 : i32
        %dma_start3A_64 = arith.constant 0 : i32
        %dma_start3A_65 = tpu.memref_slice %arg2[%dma_start3A_63, %dma_start3A_64] : memref<10000x128xf32, #tpu.memory_space<hbm>> -> memref<10000x128xf32, #tpu.memory_space<hbm>>
        tpu.enqueue_indirect_dma source(%dma_start3A_65 : memref<10000x128xf32, #tpu.memory_space<hbm>>) target(%dma_start3A_59 : memref<128x128xf32, #tpu.memory_space<vmem>>) offsets(%dma_start3A_62 : memref<128xi32, #tpu.memory_space<vmem>>) semaphore(%arg11 : memref<!tpu.dma_semaphore, #tpu.memory_space<semaphore_mem>>)
        %dma_wait3A = arith.constant 0 : i32
        %dma_wait3A_66 = arith.constant 0 : i32
        %dma_wait3A_67 = tpu.memref_slice %arg8[%scan3A_23, %dma_wait3A, %dma_wait3A_66] : memref<2x128x128xf32, #tpu.memory_space<vmem>> -> memref<1x128x128xf32, #tpu.memory_space<vmem>>
        %dma_wait3A_68 = tpu.memref_squeeze %dma_wait3A_67 : memref<1x128x128xf32, #tpu.memory_space<vmem>> -> memref<128x128xf32, #tpu.memory_space<vmem>>
        %dma_wait3A_69 = arith.constant 0 : i32
        %dma_wait3A_70 = tpu.memref_slice %arg6[%mul3A_53, %dma_wait3A_69] : memref<40x128xi32, #tpu.memory_space<vmem>> -> memref<1x128xi32, #tpu.memory_space<vmem>>
        %dma_wait3A_71 = tpu.memref_squeeze %dma_wait3A_70 : memref<1x128xi32, #tpu.memory_space<vmem>> -> memref<128xi32, #tpu.memory_space<vmem>>
        %dma_wait3A_72 = arith.constant 0 : i32
        %dma_wait3A_73 = arith.constant 0 : i32
        %dma_wait3A_74 = tpu.memref_slice %arg2[%dma_wait3A_72, %dma_wait3A_73] : memref<10000x128xf32, #tpu.memory_space<hbm>> -> memref<10000x128xf32, #tpu.memory_space<hbm>>
        tpu.wait_indirect_dma semaphore(%arg10 : memref<!tpu.dma_semaphore, #tpu.memory_space<semaphore_mem>>) src(%dma_wait3A_74 : memref<10000x128xf32, #tpu.memory_space<hbm>>) dst(%dma_wait3A_68 : memref<128x128xf32, #tpu.memory_space<vmem>>)
        "tpu.region"() ({
          %run_scoped3A_95 = tpu.sem_alloc : memref<!tpu.dma_semaphore, #tpu.memory_space<semaphore_mem>>
          %dma_start3A_96 = arith.constant 0 : i32
          %dma_start3A_97 = arith.constant 0 : i32
          %dma_start3A_98 = tpu.memref_slice %arg8[%scan3A_23, %dma_start3A_96, %dma_start3A_97] : memref<2x128x128xf32, #tpu.memory_space<vmem>> -> memref<1x128x128xf32, #tpu.memory_space<vmem>>
          %dma_start3A_99 = tpu.memref_squeeze %dma_start3A_98 : memref<1x128x128xf32, #tpu.memory_space<vmem>> -> memref<128x128xf32, #tpu.memory_space<vmem>>
          %dma_start3A_100 = arith.constant 0 : i32
          %dma_start3A_101 = tpu.memref_slice %arg7[%mul3A_53, %dma_start3A_100] : memref<40x128xi32, #tpu.memory_space<vmem>> -> memref<1x128xi32, #tpu.memory_space<vmem>>
          %dma_start3A_102 = tpu.memref_squeeze %dma_start3A_101 : memref<1x128xi32, #tpu.memory_space<vmem>> -> memref<128xi32, #tpu.memory_space<vmem>>
          %dma_start3A_103 = arith.constant 0 : i32
          %dma_start3A_104 = arith.constant 0 : i32
          %dma_start3A_105 = tpu.memref_slice %arg5[%dma_start3A_103, %dma_start3A_104] : memref<10240x128xf32, #tpu.memory_space<vmem_shared>> -> memref<10240x128xf32, #tpu.memory_space<vmem_shared>>
          tpu.enqueue_indirect_dma source(%dma_start3A_99 : memref<128x128xf32, #tpu.memory_space<vmem>>) target(%dma_start3A_105 : memref<10240x128xf32, #tpu.memory_space<vmem_shared>>) offsets(%dma_start3A_102 : memref<128xi32, #tpu.memory_space<vmem>>) semaphore(%run_scoped3A_95 : memref<!tpu.dma_semaphore, #tpu.memory_space<semaphore_mem>>) {add = true}
          %dma_wait3A_106 = arith.constant 0 : i32
          %dma_wait3A_107 = arith.constant 0 : i32
          %dma_wait3A_108 = tpu.memref_slice %arg8[%scan3A_23, %dma_wait3A_106, %dma_wait3A_107] : memref<2x128x128xf32, #tpu.memory_space<vmem>> -> memref<1x128x128xf32, #tpu.memory_space<vmem>>
          %dma_wait3A_109 = tpu.memref_squeeze %dma_wait3A_108 : memref<1x128x128xf32, #tpu.memory_space<vmem>> -> memref<128x128xf32, #tpu.memory_space<vmem>>
          %dma_wait3A_110 = arith.constant 0 : i32
          %dma_wait3A_111 = tpu.memref_slice %arg7[%mul3A_53, %dma_wait3A_110] : memref<40x128xi32, #tpu.memory_space<vmem>> -> memref<1x128xi32, #tpu.memory_space<vmem>>
          %dma_wait3A_112 = tpu.memref_squeeze %dma_wait3A_111 : memref<1x128xi32, #tpu.memory_space<vmem>> -> memref<128xi32, #tpu.memory_space<vmem>>
          %dma_wait3A_113 = arith.constant 0 : i32
          %dma_wait3A_114 = arith.constant 0 : i32
          %dma_wait3A_115 = tpu.memref_slice %arg5[%dma_wait3A_113, %dma_wait3A_114] : memref<10240x128xf32, #tpu.memory_space<vmem_shared>> -> memref<10240x128xf32, #tpu.memory_space<vmem_shared>>
          tpu.wait_indirect_dma semaphore(%run_scoped3A_95 : memref<!tpu.dma_semaphore, #tpu.memory_space<semaphore_mem>>) src(%dma_wait3A_109 : memref<128x128xf32, #tpu.memory_space<vmem>>) dst(%dma_wait3A_115 : memref<10240x128xf32, #tpu.memory_space<vmem_shared>>)
          tpu.yield
        }) : () -> ()
        %add3A_75 = arith.constant 2 : i32
        %add3A_76 = arith.addi %mul3A_53, %add3A_75 : i32
        %lt3A = arith.constant 40 : i32
        %lt3A_77 = arith.cmpi slt, %add3A_76, %lt3A : i32
        %convert_element_type3A_78 = arith.extui %lt3A_77 : i1 to i32
        %cond3A_79 = arith.constant 0 : i32
        %cond3A_80 = arith.cmpi ne, %convert_element_type3A_78, %cond3A_79 : i32
        scf.if %cond3A_80 {
          %add3A_95 = arith.constant 2 : i32
          %add3A_96 = arith.addi %mul3A_53, %add3A_95 : i32
          %dma_start3A_97 = arith.constant 0 : i32
          %dma_start3A_98 = arith.constant 0 : i32
          %dma_start3A_99 = tpu.memref_slice %arg8[%scan3A_23, %dma_start3A_97, %dma_start3A_98] : memref<2x128x128xf32, #tpu.memory_space<vmem>> -> memref<1x128x128xf32, #tpu.memory_space<vmem>>
          %dma_start3A_100 = tpu.memref_squeeze %dma_start3A_99 : memref<1x128x128xf32, #tpu.memory_space<vmem>> -> memref<128x128xf32, #tpu.memory_space<vmem>>
          %dma_start3A_101 = arith.constant 0 : i32
          %dma_start3A_102 = tpu.memref_slice %arg6[%add3A_96, %dma_start3A_101] : memref<40x128xi32, #tpu.memory_space<vmem>> -> memref<1x128xi32, #tpu.memory_space<vmem>>
          %dma_start3A_103 = tpu.memref_squeeze %dma_start3A_102 : memref<1x128xi32, #tpu.memory_space<vmem>> -> memref<128xi32, #tpu.memory_space<vmem>>
          %dma_start3A_104 = arith.constant 0 : i32
          %dma_start3A_105 = arith.constant 0 : i32
          %dma_start3A_106 = tpu.memref_slice %arg2[%dma_start3A_104, %dma_start3A_105] : memref<10000x128xf32, #tpu.memory_space<hbm>> -> memref<10000x128xf32, #tpu.memory_space<hbm>>
          tpu.enqueue_indirect_dma source(%dma_start3A_106 : memref<10000x128xf32, #tpu.memory_space<hbm>>) target(%dma_start3A_100 : memref<128x128xf32, #tpu.memory_space<vmem>>) offsets(%dma_start3A_103 : memref<128xi32, #tpu.memory_space<vmem>>) semaphore(%arg10 : memref<!tpu.dma_semaphore, #tpu.memory_space<semaphore_mem>>)
        } else {
        }
        %add3A_81 = arith.constant 1 : i32
        %add3A_82 = arith.addi %mul3A_53, %add3A_81 : i32
        %dma_wait3A_83 = arith.constant 0 : i32
        %dma_wait3A_84 = arith.constant 0 : i32
        %dma_wait3A_85 = tpu.memref_slice %arg8[%scan3A_24, %dma_wait3A_83, %dma_wait3A_84] : memref<2x128x128xf32, #tpu.memory_space<vmem>> -> memref<1x128x128xf32, #tpu.memory_space<vmem>>
        %dma_wait3A_86 = tpu.memref_squeeze %dma_wait3A_85 : memref<1x128x128xf32, #tpu.memory_space<vmem>> -> memref<128x128xf32, #tpu.memory_space<vmem>>
        %dma_wait3A_87 = arith.constant 0 : i32
        %dma_wait3A_88 = tpu.memref_slice %arg6[%add3A_82, %dma_wait3A_87] : memref<40x128xi32, #tpu.memory_space<vmem>> -> memref<1x128xi32, #tpu.memory_space<vmem>>
        %dma_wait3A_89 = tpu.memref_squeeze %dma_wait3A_88 : memref<1x128xi32, #tpu.memory_space<vmem>> -> memref<128xi32, #tpu.memory_space<vmem>>
        %dma_wait3A_90 = arith.constant 0 : i32
        %dma_wait3A_91 = arith.constant 0 : i32
        %dma_wait3A_92 = tpu.memref_slice %arg2[%dma_wait3A_90, %dma_wait3A_91] : memref<10000x128xf32, #tpu.memory_space<hbm>> -> memref<10000x128xf32, #tpu.memory_space<hbm>>
        tpu.wait_indirect_dma semaphore(%arg11 : memref<!tpu.dma_semaphore, #tpu.memory_space<semaphore_mem>>) src(%dma_wait3A_92 : memref<10000x128xf32, #tpu.memory_space<hbm>>) dst(%dma_wait3A_86 : memref<128x128xf32, #tpu.memory_space<vmem>>)
        %add3A_93 = arith.constant 1 : i32
        %add3A_94 = arith.addi %mul3A_53, %add3A_93 : i32
        "tpu.region"() ({
          %run_scoped3A_95 = tpu.sem_alloc : memref<!tpu.dma_semaphore, #tpu.memory_space<semaphore_mem>>
          %dma_start3A_96 = arith.constant 0 : i32
          %dma_start3A_97 = arith.constant 0 : i32
          %dma_start3A_98 = tpu.memref_slice %arg8[%scan3A_24, %dma_start3A_96, %dma_start3A_97] : memref<2x128x128xf32, #tpu.memory_space<vmem>> -> memref<1x128x128xf32, #tpu.memory_space<vmem>>
          %dma_start3A_99 = tpu.memref_squeeze %dma_start3A_98 : memref<1x128x128xf32, #tpu.memory_space<vmem>> -> memref<128x128xf32, #tpu.memory_space<vmem>>
          %dma_start3A_100 = arith.constant 0 : i32
          %dma_start3A_101 = tpu.memref_slice %arg7[%add3A_94, %dma_start3A_100] : memref<40x128xi32, #tpu.memory_space<vmem>> -> memref<1x128xi32, #tpu.memory_space<vmem>>
          %dma_start3A_102 = tpu.memref_squeeze %dma_start3A_101 : memref<1x128xi32, #tpu.memory_space<vmem>> -> memref<128xi32, #tpu.memory_space<vmem>>
          %dma_start3A_103 = arith.constant 0 : i32
          %dma_start3A_104 = arith.constant 0 : i32
          %dma_start3A_105 = tpu.memref_slice %arg5[%dma_start3A_103, %dma_start3A_104] : memref<10240x128xf32, #tpu.memory_space<vmem_shared>> -> memref<10240x128xf32, #tpu.memory_space<vmem_shared>>
          tpu.enqueue_indirect_dma source(%dma_start3A_99 : memref<128x128xf32, #tpu.memory_space<vmem>>) target(%dma_start3A_105 : memref<10240x128xf32, #tpu.memory_space<vmem_shared>>) offsets(%dma_start3A_102 : memref<128xi32, #tpu.memory_space<vmem>>) semaphore(%run_scoped3A_95 : memref<!tpu.dma_semaphore, #tpu.memory_space<semaphore_mem>>) {add = true}
          %dma_wait3A_106 = arith.constant 0 : i32
          %dma_wait3A_107 = arith.constant 0 : i32
          %dma_wait3A_108 = tpu.memref_slice %arg8[%scan3A_24, %dma_wait3A_106, %dma_wait3A_107] : memref<2x128x128xf32, #tpu.memory_space<vmem>> -> memref<1x128x128xf32, #tpu.memory_space<vmem>>
          %dma_wait3A_109 = tpu.memref_squeeze %dma_wait3A_108 : memref<1x128x128xf32, #tpu.memory_space<vmem>> -> memref<128x128xf32, #tpu.memory_space<vmem>>
          %dma_wait3A_110 = arith.constant 0 : i32
          %dma_wait3A_111 = tpu.memref_slice %arg7[%add3A_94, %dma_wait3A_110] : memref<40x128xi32, #tpu.memory_space<vmem>> -> memref<1x128xi32, #tpu.memory_space<vmem>>
          %dma_wait3A_112 = tpu.memref_squeeze %dma_wait3A_111 : memref<1x128xi32, #tpu.memory_space<vmem>> -> memref<128xi32, #tpu.memory_space<vmem>>
          %dma_wait3A_113 = arith.constant 0 : i32
          %dma_wait3A_114 = arith.constant 0 : i32
          %dma_wait3A_115 = tpu.memref_slice %arg5[%dma_wait3A_113, %dma_wait3A_114] : memref<10240x128xf32, #tpu.memory_space<vmem_shared>> -> memref<10240x128xf32, #tpu.memory_space<vmem_shared>>
          tpu.wait_indirect_dma semaphore(%run_scoped3A_95 : memref<!tpu.dma_semaphore, #tpu.memory_space<semaphore_mem>>) src(%dma_wait3A_109 : memref<128x128xf32, #tpu.memory_space<vmem>>) dst(%dma_wait3A_115 : memref<10240x128xf32, #tpu.memory_space<vmem_shared>>)
          tpu.yield
        }) : () -> ()
      }
      %scan3A_46 = arith.constant 20 : i32
    }
    %scan3A_29 = arith.constant 2 : i32
    %barrier3A_30 = arith.constant 0 : index
    tpu.barrier barrier_id(%barrier3A_30)
    %mul3A_31 = arith.constant 640 : i32
    %mul3A_32 = arith.muli %arg1, %mul3A_31 : i32
    %mul3A_33 = arith.constant 640 : i32
    %mul3A_34 = arith.muli %arg1, %mul3A_33 : i32
    "tpu.region"() ({
      %run_scoped3A_35 = tpu.sem_alloc : memref<!tpu.dma_semaphore, #tpu.memory_space<semaphore_mem>>
      %dma_start3A_36 = arith.constant 0 : i32
      %dma_start3A_37 = arith.constant 0 : i32
      %dma_start3A_38 = tpu.memref_slice %arg4[%arg0, %dma_start3A_36, %dma_start3A_37] : memref<2x10240x128xf32, #tpu.memory_space<hbm>> -> memref<1x10240x128xf32, #tpu.memory_space<hbm>>
      %dma_start3A_39 = tpu.memref_squeeze %dma_start3A_38 : memref<1x10240x128xf32, #tpu.memory_space<hbm>> -> memref<10240x128xf32, #tpu.memory_space<hbm>>
      %dma_start3A_40 = arith.constant 0 : i32
      %dma_start3A_41 = tpu.memref_slice %dma_start3A_39[%mul3A_34, %dma_start3A_40] : memref<10240x128xf32, #tpu.memory_space<hbm>> -> memref<640x128xf32, #tpu.memory_space<hbm>>
      %dma_start3A_42 = arith.constant 0 : i32
      %dma_start3A_43 = tpu.memref_slice %arg5[%mul3A_32, %dma_start3A_42] : memref<10240x128xf32, #tpu.memory_space<vmem_shared>> -> memref<640x128xf32, #tpu.memory_space<vmem_shared>>
      tpu.enqueue_dma source(%dma_start3A_43 : memref<640x128xf32, #tpu.memory_space<vmem_shared>>) target(%dma_start3A_41 : memref<640x128xf32, #tpu.memory_space<hbm>>) target_semaphore(%run_scoped3A_35 : memref<!tpu.dma_semaphore, #tpu.memory_space<semaphore_mem>>)
      %dma_wait3A = arith.constant 0 : i32
      %dma_wait3A_44 = arith.constant 0 : i32
      %dma_wait3A_45 = tpu.memref_slice %arg4[%arg0, %dma_wait3A, %dma_wait3A_44] : memref<2x10240x128xf32, #tpu.memory_space<hbm>> -> memref<1x10240x128xf32, #tpu.memory_space<hbm>>
      %dma_wait3A_46 = tpu.memref_squeeze %dma_wait3A_45 : memref<1x10240x128xf32, #tpu.memory_space<hbm>> -> memref<10240x128xf32, #tpu.memory_space<hbm>>
      %dma_wait3A_47 = arith.constant 0 : i32
      %dma_wait3A_48 = tpu.memref_slice %dma_wait3A_46[%mul3A_34, %dma_wait3A_47] : memref<10240x128xf32, #tpu.memory_space<hbm>> -> memref<640x128xf32, #tpu.memory_space<hbm>>
      %dma_wait3A_49 = arith.constant 0 : i32
      %dma_wait3A_50 = tpu.memref_slice %arg5[%mul3A_32, %dma_wait3A_49] : memref<10240x128xf32, #tpu.memory_space<vmem_shared>> -> memref<640x128xf32, #tpu.memory_space<vmem_shared>>
      tpu.wait_dma2 semaphore(%run_scoped3A_35 : memref<!tpu.dma_semaphore, #tpu.memory_space<semaphore_mem>>) src(%dma_wait3A_50 : memref<640x128xf32, #tpu.memory_space<vmem_shared>>) dst(%dma_wait3A_48 : memref<640x128xf32, #tpu.memory_space<hbm>>)
      tpu.yield
    }) : () -> ()
    return
  }
}

#map = affine_map<(d0, d1) -> (0, 0)>
#map1 = affine_map<(d0, d1) -> (0, 0, 0, 0)>
#map2 = affine_map<(d0, d1) -> (0, 0, 0)>
module attributes {stable_mosaic.version = 14 : i64} {
  func.func @_sc_aggregate_body(%arg0: i32, %arg1: i32, %arg2: memref<10000x128xf32, #tpu.memory_space<hbm>>, %arg3: memref<2x32x80x128xi32, #tpu.memory_space<hbm>>, %arg4: memref<2x10240x128xf32, #tpu.memory_space<hbm>>, %arg5: memref<10240x128xf32, #tpu.memory_space<vmem_shared>>, %arg6: memref<40x128xi32, #tpu.memory_space<vmem>>, %arg7: memref<40x128xi32, #tpu.memory_space<vmem>>, %arg8: memref<2x128x128xf32, #tpu.memory_space<vmem>>, %arg9: memref<40x128xf32, #tpu.memory_space<vmem>>, %arg10: memref<!tpu.dma_semaphore, #tpu.memory_space<semaphore_mem>>, %arg11: memref<!tpu.dma_semaphore, #tpu.memory_space<semaphore_mem>>) attributes {dimension_semantics = [#tpu.dimension_semantics<core_parallel>, #tpu.dimension_semantics<subcore_parallel>], iteration_bounds = array<i64: 2, 16>, scalar_prefetch = 0 : i64, scratch_operands = 7 : i64, tpu.core_type = #tpu.core_type<sc_vector_subcore>, window_params = [{transform_indices = #map}, {transform_indices = #map1}, {transform_indices = #map2}]} {
    %mul3A = arith.constant 16 : i32
    %mul3A_0 = arith.muli %arg0, %mul3A : i32
    %add3A = arith.addi %mul3A_0, %arg1 : i32
    %run_scoped3A = arith.constant 0 : i32
    "tpu.region"() ({
      %run_scoped3A_35 = tpu.sem_alloc : memref<!tpu.dma_semaphore, #tpu.memory_space<semaphore_mem>>
      %dma_start3A_36 = arith.constant 0 : i32
      %dma_start3A_37 = arith.constant 0 : i32
      %dma_start3A_38 = arith.constant 0 : i32
      %dma_start3A_39 = tpu.memref_slice %arg3[%run_scoped3A, %dma_start3A_36, %dma_start3A_37, %dma_start3A_38] : memref<2x32x80x128xi32, #tpu.memory_space<hbm>> -> memref<1x32x80x128xi32, #tpu.memory_space<hbm>>
      %dma_start3A_40 = tpu.memref_squeeze %dma_start3A_39 : memref<1x32x80x128xi32, #tpu.memory_space<hbm>> -> memref<32x80x128xi32, #tpu.memory_space<hbm>>
      %dma_start3A_41 = arith.constant 0 : i32
      %dma_start3A_42 = arith.constant 0 : i32
      %dma_start3A_43 = tpu.memref_slice %dma_start3A_40[%add3A, %dma_start3A_41, %dma_start3A_42] : memref<32x80x128xi32, #tpu.memory_space<hbm>> -> memref<1x80x128xi32, #tpu.memory_space<hbm>>
      %dma_start3A_44 = tpu.memref_squeeze %dma_start3A_43 : memref<1x80x128xi32, #tpu.memory_space<hbm>> -> memref<80x128xi32, #tpu.memory_space<hbm>>
      %dma_start3A_45 = arith.constant 0 : i32
      %dma_start3A_46 = arith.constant 0 : i32
      %dma_start3A_47 = tpu.memref_slice %dma_start3A_44[%dma_start3A_45, %dma_start3A_46] : memref<80x128xi32, #tpu.memory_space<hbm>> -> memref<40x128xi32, #tpu.memory_space<hbm>>
      %dma_start3A_48 = arith.constant 0 : i32
      %dma_start3A_49 = arith.constant 0 : i32
      %dma_start3A_50 = arith.constant 0 : i32
      %dma_start3A_51 = tpu.memref_slice %arg3[%run_scoped3A, %dma_start3A_48, %dma_start3A_49, %dma_start3A_50] : memref<2x32x80x128xi32, #tpu.memory_space<hbm>> -> memref<1x32x80x128xi32, #tpu.memory_space<hbm>>
      %dma_start3A_52 = tpu.memref_squeeze %dma_start3A_51 : memref<1x32x80x128xi32, #tpu.memory_space<hbm>> -> memref<32x80x128xi32, #tpu.memory_space<hbm>>
      %dma_start3A_53 = arith.constant 0 : i32
      %dma_start3A_54 = arith.constant 0 : i32
      %dma_start3A_55 = tpu.memref_slice %dma_start3A_52[%add3A, %dma_start3A_53, %dma_start3A_54] : memref<32x80x128xi32, #tpu.memory_space<hbm>> -> memref<1x80x128xi32, #tpu.memory_space<hbm>>
      %dma_start3A_56 = tpu.memref_squeeze %dma_start3A_55 : memref<1x80x128xi32, #tpu.memory_space<hbm>> -> memref<80x128xi32, #tpu.memory_space<hbm>>
      %dma_start3A_57 = arith.constant 0 : i32
      %dma_start3A_58 = arith.constant 0 : i32
      %dma_start3A_59 = tpu.memref_slice %dma_start3A_56[%dma_start3A_57, %dma_start3A_58] : memref<80x128xi32, #tpu.memory_space<hbm>> -> memref<40x128xi32, #tpu.memory_space<hbm>>
      tpu.enqueue_dma source(%dma_start3A_59 : memref<40x128xi32, #tpu.memory_space<hbm>>) target(%arg6 : memref<40x128xi32, #tpu.memory_space<vmem>>) target_semaphore(%run_scoped3A_35 : memref<!tpu.dma_semaphore, #tpu.memory_space<semaphore_mem>>)
      %dma_wait3A = arith.constant 0 : i32
      %dma_wait3A_60 = arith.constant 0 : i32
      %dma_wait3A_61 = arith.constant 0 : i32
      %dma_wait3A_62 = tpu.memref_slice %arg3[%run_scoped3A, %dma_wait3A, %dma_wait3A_60, %dma_wait3A_61] : memref<2x32x80x128xi32, #tpu.memory_space<hbm>> -> memref<1x32x80x128xi32, #tpu.memory_space<hbm>>
      %dma_wait3A_63 = tpu.memref_squeeze %dma_wait3A_62 : memref<1x32x80x128xi32, #tpu.memory_space<hbm>> -> memref<32x80x128xi32, #tpu.memory_space<hbm>>
      %dma_wait3A_64 = arith.constant 0 : i32
      %dma_wait3A_65 = arith.constant 0 : i32
      %dma_wait3A_66 = tpu.memref_slice %dma_wait3A_63[%add3A, %dma_wait3A_64, %dma_wait3A_65] : memref<32x80x128xi32, #tpu.memory_space<hbm>> -> memref<1x80x128xi32, #tpu.memory_space<hbm>>
      %dma_wait3A_67 = tpu.memref_squeeze %dma_wait3A_66 : memref<1x80x128xi32, #tpu.memory_space<hbm>> -> memref<80x128xi32, #tpu.memory_space<hbm>>
      %dma_wait3A_68 = arith.constant 0 : i32
      %dma_wait3A_69 = arith.constant 0 : i32
      %dma_wait3A_70 = tpu.memref_slice %dma_wait3A_67[%dma_wait3A_68, %dma_wait3A_69] : memref<80x128xi32, #tpu.memory_space<hbm>> -> memref<40x128xi32, #tpu.memory_space<hbm>>
      %dma_wait3A_71 = arith.constant 0 : i32
      %dma_wait3A_72 = arith.constant 0 : i32
      %dma_wait3A_73 = arith.constant 0 : i32
      %dma_wait3A_74 = tpu.memref_slice %arg3[%run_scoped3A, %dma_wait3A_71, %dma_wait3A_72, %dma_wait3A_73] : memref<2x32x80x128xi32, #tpu.memory_space<hbm>> -> memref<1x32x80x128xi32, #tpu.memory_space<hbm>>
      %dma_wait3A_75 = tpu.memref_squeeze %dma_wait3A_74 : memref<1x32x80x128xi32, #tpu.memory_space<hbm>> -> memref<32x80x128xi32, #tpu.memory_space<hbm>>
      %dma_wait3A_76 = arith.constant 0 : i32
      %dma_wait3A_77 = arith.constant 0 : i32
      %dma_wait3A_78 = tpu.memref_slice %dma_wait3A_75[%add3A, %dma_wait3A_76, %dma_wait3A_77] : memref<32x80x128xi32, #tpu.memory_space<hbm>> -> memref<1x80x128xi32, #tpu.memory_space<hbm>>
      %dma_wait3A_79 = tpu.memref_squeeze %dma_wait3A_78 : memref<1x80x128xi32, #tpu.memory_space<hbm>> -> memref<80x128xi32, #tpu.memory_space<hbm>>
      %dma_wait3A_80 = arith.constant 0 : i32
      %dma_wait3A_81 = arith.constant 0 : i32
      %dma_wait3A_82 = tpu.memref_slice %dma_wait3A_79[%dma_wait3A_80, %dma_wait3A_81] : memref<80x128xi32, #tpu.memory_space<hbm>> -> memref<40x128xi32, #tpu.memory_space<hbm>>
      tpu.wait_dma2 semaphore(%run_scoped3A_35 : memref<!tpu.dma_semaphore, #tpu.memory_space<semaphore_mem>>) src(%dma_wait3A_82 : memref<40x128xi32, #tpu.memory_space<hbm>>) dst(%arg6 : memref<40x128xi32, #tpu.memory_space<vmem>>)
      tpu.yield
    }) : () -> ()
    %run_scoped3A_1 = arith.constant 1 : i32
    "tpu.region"() ({
      %run_scoped3A_35 = tpu.sem_alloc : memref<!tpu.dma_semaphore, #tpu.memory_space<semaphore_mem>>
      %dma_start3A_36 = arith.constant 0 : i32
      %dma_start3A_37 = arith.constant 0 : i32
      %dma_start3A_38 = arith.constant 0 : i32
      %dma_start3A_39 = tpu.memref_slice %arg3[%run_scoped3A_1, %dma_start3A_36, %dma_start3A_37, %dma_start3A_38] : memref<2x32x80x128xi32, #tpu.memory_space<hbm>> -> memref<1x32x80x128xi32, #tpu.memory_space<hbm>>
      %dma_start3A_40 = tpu.memref_squeeze %dma_start3A_39 : memref<1x32x80x128xi32, #tpu.memory_space<hbm>> -> memref<32x80x128xi32, #tpu.memory_space<hbm>>
      %dma_start3A_41 = arith.constant 0 : i32
      %dma_start3A_42 = arith.constant 0 : i32
      %dma_start3A_43 = tpu.memref_slice %dma_start3A_40[%add3A, %dma_start3A_41, %dma_start3A_42] : memref<32x80x128xi32, #tpu.memory_space<hbm>> -> memref<1x80x128xi32, #tpu.memory_space<hbm>>
      %dma_start3A_44 = tpu.memref_squeeze %dma_start3A_43 : memref<1x80x128xi32, #tpu.memory_space<hbm>> -> memref<80x128xi32, #tpu.memory_space<hbm>>
      %dma_start3A_45 = arith.constant 0 : i32
      %dma_start3A_46 = arith.constant 0 : i32
      %dma_start3A_47 = tpu.memref_slice %dma_start3A_44[%dma_start3A_45, %dma_start3A_46] : memref<80x128xi32, #tpu.memory_space<hbm>> -> memref<40x128xi32, #tpu.memory_space<hbm>>
      %dma_start3A_48 = arith.constant 0 : i32
      %dma_start3A_49 = arith.constant 0 : i32
      %dma_start3A_50 = arith.constant 0 : i32
      %dma_start3A_51 = tpu.memref_slice %arg3[%run_scoped3A_1, %dma_start3A_48, %dma_start3A_49, %dma_start3A_50] : memref<2x32x80x128xi32, #tpu.memory_space<hbm>> -> memref<1x32x80x128xi32, #tpu.memory_space<hbm>>
      %dma_start3A_52 = tpu.memref_squeeze %dma_start3A_51 : memref<1x32x80x128xi32, #tpu.memory_space<hbm>> -> memref<32x80x128xi32, #tpu.memory_space<hbm>>
      %dma_start3A_53 = arith.constant 0 : i32
      %dma_start3A_54 = arith.constant 0 : i32
      %dma_start3A_55 = tpu.memref_slice %dma_start3A_52[%add3A, %dma_start3A_53, %dma_start3A_54] : memref<32x80x128xi32, #tpu.memory_space<hbm>> -> memref<1x80x128xi32, #tpu.memory_space<hbm>>
      %dma_start3A_56 = tpu.memref_squeeze %dma_start3A_55 : memref<1x80x128xi32, #tpu.memory_space<hbm>> -> memref<80x128xi32, #tpu.memory_space<hbm>>
      %dma_start3A_57 = arith.constant 0 : i32
      %dma_start3A_58 = arith.constant 0 : i32
      %dma_start3A_59 = tpu.memref_slice %dma_start3A_56[%dma_start3A_57, %dma_start3A_58] : memref<80x128xi32, #tpu.memory_space<hbm>> -> memref<40x128xi32, #tpu.memory_space<hbm>>
      tpu.enqueue_dma source(%dma_start3A_59 : memref<40x128xi32, #tpu.memory_space<hbm>>) target(%arg7 : memref<40x128xi32, #tpu.memory_space<vmem>>) target_semaphore(%run_scoped3A_35 : memref<!tpu.dma_semaphore, #tpu.memory_space<semaphore_mem>>)
      %dma_wait3A = arith.constant 0 : i32
      %dma_wait3A_60 = arith.constant 0 : i32
      %dma_wait3A_61 = arith.constant 0 : i32
      %dma_wait3A_62 = tpu.memref_slice %arg3[%run_scoped3A_1, %dma_wait3A, %dma_wait3A_60, %dma_wait3A_61] : memref<2x32x80x128xi32, #tpu.memory_space<hbm>> -> memref<1x32x80x128xi32, #tpu.memory_space<hbm>>
      %dma_wait3A_63 = tpu.memref_squeeze %dma_wait3A_62 : memref<1x32x80x128xi32, #tpu.memory_space<hbm>> -> memref<32x80x128xi32, #tpu.memory_space<hbm>>
      %dma_wait3A_64 = arith.constant 0 : i32
      %dma_wait3A_65 = arith.constant 0 : i32
      %dma_wait3A_66 = tpu.memref_slice %dma_wait3A_63[%add3A, %dma_wait3A_64, %dma_wait3A_65] : memref<32x80x128xi32, #tpu.memory_space<hbm>> -> memref<1x80x128xi32, #tpu.memory_space<hbm>>
      %dma_wait3A_67 = tpu.memref_squeeze %dma_wait3A_66 : memref<1x80x128xi32, #tpu.memory_space<hbm>> -> memref<80x128xi32, #tpu.memory_space<hbm>>
      %dma_wait3A_68 = arith.constant 0 : i32
      %dma_wait3A_69 = arith.constant 0 : i32
      %dma_wait3A_70 = tpu.memref_slice %dma_wait3A_67[%dma_wait3A_68, %dma_wait3A_69] : memref<80x128xi32, #tpu.memory_space<hbm>> -> memref<40x128xi32, #tpu.memory_space<hbm>>
      %dma_wait3A_71 = arith.constant 0 : i32
      %dma_wait3A_72 = arith.constant 0 : i32
      %dma_wait3A_73 = arith.constant 0 : i32
      %dma_wait3A_74 = tpu.memref_slice %arg3[%run_scoped3A_1, %dma_wait3A_71, %dma_wait3A_72, %dma_wait3A_73] : memref<2x32x80x128xi32, #tpu.memory_space<hbm>> -> memref<1x32x80x128xi32, #tpu.memory_space<hbm>>
      %dma_wait3A_75 = tpu.memref_squeeze %dma_wait3A_74 : memref<1x32x80x128xi32, #tpu.memory_space<hbm>> -> memref<32x80x128xi32, #tpu.memory_space<hbm>>
      %dma_wait3A_76 = arith.constant 0 : i32
      %dma_wait3A_77 = arith.constant 0 : i32
      %dma_wait3A_78 = tpu.memref_slice %dma_wait3A_75[%add3A, %dma_wait3A_76, %dma_wait3A_77] : memref<32x80x128xi32, #tpu.memory_space<hbm>> -> memref<1x80x128xi32, #tpu.memory_space<hbm>>
      %dma_wait3A_79 = tpu.memref_squeeze %dma_wait3A_78 : memref<1x80x128xi32, #tpu.memory_space<hbm>> -> memref<80x128xi32, #tpu.memory_space<hbm>>
      %dma_wait3A_80 = arith.constant 0 : i32
      %dma_wait3A_81 = arith.constant 0 : i32
      %dma_wait3A_82 = tpu.memref_slice %dma_wait3A_79[%dma_wait3A_80, %dma_wait3A_81] : memref<80x128xi32, #tpu.memory_space<hbm>> -> memref<40x128xi32, #tpu.memory_space<hbm>>
      tpu.wait_dma2 semaphore(%run_scoped3A_35 : memref<!tpu.dma_semaphore, #tpu.memory_space<semaphore_mem>>) src(%dma_wait3A_82 : memref<40x128xi32, #tpu.memory_space<hbm>>) dst(%arg7 : memref<40x128xi32, #tpu.memory_space<vmem>>)
      tpu.yield
    }) : () -> ()
    %dma_start3A = arith.constant 0 : i32
    %dma_start3A_2 = arith.constant 0 : i32
    %dma_start3A_3 = arith.constant 0 : i32
    %dma_start3A_4 = arith.constant 0 : i32
    %dma_start3A_5 = tpu.memref_slice %arg8[%dma_start3A_2, %dma_start3A_3, %dma_start3A_4] : memref<2x128x128xf32, #tpu.memory_space<vmem>> -> memref<1x128x128xf32, #tpu.memory_space<vmem>>
    %dma_start3A_6 = tpu.memref_squeeze %dma_start3A_5 : memref<1x128x128xf32, #tpu.memory_space<vmem>> -> memref<128x128xf32, #tpu.memory_space<vmem>>
    %dma_start3A_7 = arith.constant 0 : i32
    %dma_start3A_8 = tpu.memref_slice %arg6[%dma_start3A, %dma_start3A_7] : memref<40x128xi32, #tpu.memory_space<vmem>> -> memref<1x128xi32, #tpu.memory_space<vmem>>
    %dma_start3A_9 = tpu.memref_squeeze %dma_start3A_8 : memref<1x128xi32, #tpu.memory_space<vmem>> -> memref<128xi32, #tpu.memory_space<vmem>>
    %dma_start3A_10 = arith.constant 0 : i32
    %dma_start3A_11 = arith.constant 0 : i32
    %dma_start3A_12 = tpu.memref_slice %arg2[%dma_start3A_10, %dma_start3A_11] : memref<10000x128xf32, #tpu.memory_space<hbm>> -> memref<10000x128xf32, #tpu.memory_space<hbm>>
    tpu.enqueue_indirect_dma source(%dma_start3A_12 : memref<10000x128xf32, #tpu.memory_space<hbm>>) target(%dma_start3A_6 : memref<128x128xf32, #tpu.memory_space<vmem>>) offsets(%dma_start3A_9 : memref<128xi32, #tpu.memory_space<vmem>>) semaphore(%arg10 : memref<!tpu.dma_semaphore, #tpu.memory_space<semaphore_mem>>)
    %broadcast_in_dim3A = arith.constant 0.000000e+00 : f32
    %broadcast_in_dim3A_13 = vector.broadcast %broadcast_in_dim3A : f32 to vector<16xf32>
    %scan3A = arith.constant 0 : i32
    %scan3A_14 = arith.constant 40 : i32
    %scan3A_15 = arith.addi %scan3A, %scan3A_14 : i32
    %scan3A_16 = arith.constant 1 : i32
    scf.for %scan3A_35 = %scan3A to %scan3A_15 step %scan3A_16  : i32 {
      %mul3A_36 = arith.constant 1 : i32
      %mul3A_37 = arith.muli %scan3A_35, %mul3A_36 : i32
      %add3A_38 = arith.constant 0 : i32
      %add3A_39 = arith.addi %add3A_38, %mul3A_37 : i32
      %scan3A_40 = arith.constant 0 : i32
      %scan3A_41 = arith.constant 8 : i32
      %scan3A_42 = arith.addi %scan3A_40, %scan3A_41 : i32
      %scan3A_43 = arith.constant 1 : i32
      scf.for %scan3A_45 = %scan3A_40 to %scan3A_42 step %scan3A_43  : i32 {
        %mul3A_46 = arith.constant 1 : i32
        %mul3A_47 = arith.muli %scan3A_45, %mul3A_46 : i32
        %add3A_48 = arith.constant 0 : i32
        %add3A_49 = arith.addi %add3A_48, %mul3A_47 : i32
        %mul3A_50 = arith.constant 16 : i32
        %mul3A_51 = arith.muli %add3A_49, %mul3A_50 : i32
        %swap3A = arith.index_cast %add3A_39 : i32 to index
        %swap3A_52 = arith.index_cast %mul3A_51 : i32 to index
        %swap3A_53 = tpu.vector_load %arg9[%swap3A, %swap3A_52] {strides = array<i32>} : memref<40x128xf32, #tpu.memory_space<vmem>>, vector<1x16xf32>,
        %swap3A_54 = vector.shape_cast %swap3A_53 : vector<1x16xf32> to vector<16xf32>
        %swap3A_55 = vector.shape_cast %broadcast_in_dim3A_13 : vector<16xf32> to vector<1x16xf32>
        tpu.vector_store %arg9[%swap3A, %swap3A_52], %swap3A_55 {strides = array<i32>} : memref<40x128xf32, #tpu.memory_space<vmem>>, vector<1x16xf32>,
      }
      %scan3A_44 = arith.constant 8 : i32
    }
    %scan3A_17 = arith.constant 40 : i32
    %scan3A_18 = arith.constant 0 : i32
    %scan3A_19 = arith.constant 16 : i32
    %scan3A_20 = arith.addi %scan3A_18, %scan3A_19 : i32
    %scan3A_21 = arith.constant 1 : i32
    scf.for %scan3A_35 = %scan3A_18 to %scan3A_20 step %scan3A_21  : i32 {
      %mul3A_36 = arith.constant 1 : i32
      %mul3A_37 = arith.muli %scan3A_35, %mul3A_36 : i32
      %add3A_38 = arith.constant 0 : i32
      %add3A_39 = arith.addi %add3A_38, %mul3A_37 : i32
      %mul3A_40 = arith.constant 640 : i32
      %mul3A_41 = arith.muli %arg1, %mul3A_40 : i32
      %mul3A_42 = arith.constant 40 : i32
      %mul3A_43 = arith.muli %add3A_39, %mul3A_42 : i32
      %add3A_44 = arith.addi %mul3A_41, %mul3A_43 : i32
      "tpu.region"() ({
        %run_scoped3A_45 = tpu.sem_alloc : memref<!tpu.dma_semaphore, #tpu.memory_space<semaphore_mem>>
        %dma_start3A_46 = arith.constant 0 : i32
        %dma_start3A_47 = tpu.memref_slice %arg5[%add3A_44, %dma_start3A_46] : memref<10240x128xf32, #tpu.memory_space<vmem_shared>> -> memref<40x128xf32, #tpu.memory_space<vmem_shared>>
        %dma_start3A_48 = arith.constant 0 : i32
        %dma_start3A_49 = tpu.memref_slice %arg5[%add3A_44, %dma_start3A_48] : memref<10240x128xf32, #tpu.memory_space<vmem_shared>> -> memref<40x128xf32, #tpu.memory_space<vmem_shared>>
        tpu.enqueue_dma source(%arg9 : memref<40x128xf32, #tpu.memory_space<vmem>>) target(%dma_start3A_49 : memref<40x128xf32, #tpu.memory_space<vmem_shared>>) target_semaphore(%run_scoped3A_45 : memref<!tpu.dma_semaphore, #tpu.memory_space<semaphore_mem>>)
        %dma_wait3A = arith.constant 0 : i32
        %dma_wait3A_50 = tpu.memref_slice %arg5[%add3A_44, %dma_wait3A] : memref<10240x128xf32, #tpu.memory_space<vmem_shared>> -> memref<40x128xf32, #tpu.memory_space<vmem_shared>>
        %dma_wait3A_51 = arith.constant 0 : i32
        %dma_wait3A_52 = tpu.memref_slice %arg5[%add3A_44, %dma_wait3A_51] : memref<10240x128xf32, #tpu.memory_space<vmem_shared>> -> memref<40x128xf32, #tpu.memory_space<vmem_shared>>
        tpu.wait_dma2 semaphore(%run_scoped3A_45 : memref<!tpu.dma_semaphore, #tpu.memory_space<semaphore_mem>>) src(%arg9 : memref<40x128xf32, #tpu.memory_space<vmem>>) dst(%dma_wait3A_52 : memref<40x128xf32, #tpu.memory_space<vmem_shared>>)
        tpu.yield
      }) : () -> ()
    }
    %scan3A_22 = arith.constant 16 : i32
    %barrier3A = arith.constant 0 : index
    tpu.barrier barrier_id(%barrier3A)
    %scan3A_23 = arith.constant 0 : i32
    %scan3A_24 = arith.constant 1 : i32
    %scan3A_25 = arith.constant 0 : i32
    %scan3A_26 = arith.constant 2 : i32
    %scan3A_27 = arith.addi %scan3A_25, %scan3A_26 : i32
    %scan3A_28 = arith.constant 1 : i32
    scf.for %scan3A_35 = %scan3A_25 to %scan3A_27 step %scan3A_28  : i32 {
      %mul3A_36 = arith.constant 1 : i32
      %mul3A_37 = arith.muli %scan3A_35, %mul3A_36 : i32
      %add3A_38 = arith.constant 0 : i32
      %add3A_39 = arith.addi %add3A_38, %mul3A_37 : i32
      %gt3A = arith.constant 0 : i32
      %gt3A_40 = arith.cmpi sgt, %add3A_39, %gt3A : i32
      %convert_element_type3A = arith.extui %gt3A_40 : i1 to i32
      %cond3A = arith.constant 0 : i32
      %cond3A_41 = arith.cmpi ne, %convert_element_type3A, %cond3A : i32
      scf.if %cond3A_41 {
        %mul3A_47 = arith.constant 40 : i32
        %mul3A_48 = arith.muli %add3A_39, %mul3A_47 : i32
        %run_scoped3A_49 = arith.constant 0 : i32
        "tpu.region"() ({
          %run_scoped3A_64 = tpu.sem_alloc : memref<!tpu.dma_semaphore, #tpu.memory_space<semaphore_mem>>
          %dma_start3A_65 = arith.constant 0 : i32
          %dma_start3A_66 = arith.constant 0 : i32
          %dma_start3A_67 = arith.constant 0 : i32
          %dma_start3A_68 = tpu.memref_slice %arg3[%run_scoped3A_49, %dma_start3A_65, %dma_start3A_66, %dma_start3A_67] : memref<2x32x80x128xi32, #tpu.memory_space<hbm>> -> memref<1x32x80x128xi32, #tpu.memory_space<hbm>>
          %dma_start3A_69 = tpu.memref_squeeze %dma_start3A_68 : memref<1x32x80x128xi32, #tpu.memory_space<hbm>> -> memref<32x80x128xi32, #tpu.memory_space<hbm>>
          %dma_start3A_70 = arith.constant 0 : i32
          %dma_start3A_71 = arith.constant 0 : i32
          %dma_start3A_72 = tpu.memref_slice %dma_start3A_69[%add3A, %dma_start3A_70, %dma_start3A_71] : memref<32x80x128xi32, #tpu.memory_space<hbm>> -> memref<1x80x128xi32, #tpu.memory_space<hbm>>
          %dma_start3A_73 = tpu.memref_squeeze %dma_start3A_72 : memref<1x80x128xi32, #tpu.memory_space<hbm>> -> memref<80x128xi32, #tpu.memory_space<hbm>>
          %dma_start3A_74 = arith.constant 0 : i32
          %dma_start3A_75 = tpu.memref_slice %dma_start3A_73[%mul3A_48, %dma_start3A_74] : memref<80x128xi32, #tpu.memory_space<hbm>> -> memref<40x128xi32, #tpu.memory_space<hbm>>
          %dma_start3A_76 = arith.constant 0 : i32
          %dma_start3A_77 = arith.constant 0 : i32
          %dma_start3A_78 = arith.constant 0 : i32
          %dma_start3A_79 = tpu.memref_slice %arg3[%run_scoped3A_49, %dma_start3A_76, %dma_start3A_77, %dma_start3A_78] : memref<2x32x80x128xi32, #tpu.memory_space<hbm>> -> memref<1x32x80x128xi32, #tpu.memory_space<hbm>>
          %dma_start3A_80 = tpu.memref_squeeze %dma_start3A_79 : memref<1x32x80x128xi32, #tpu.memory_space<hbm>> -> memref<32x80x128xi32, #tpu.memory_space<hbm>>
          %dma_start3A_81 = arith.constant 0 : i32
          %dma_start3A_82 = arith.constant 0 : i32
          %dma_start3A_83 = tpu.memref_slice %dma_start3A_80[%add3A, %dma_start3A_81, %dma_start3A_82] : memref<32x80x128xi32, #tpu.memory_space<hbm>> -> memref<1x80x128xi32, #tpu.memory_space<hbm>>
          %dma_start3A_84 = tpu.memref_squeeze %dma_start3A_83 : memref<1x80x128xi32, #tpu.memory_space<hbm>> -> memref<80x128xi32, #tpu.memory_space<hbm>>
          %dma_start3A_85 = arith.constant 0 : i32
          %dma_start3A_86 = tpu.memref_slice %dma_start3A_84[%mul3A_48, %dma_start3A_85] : memref<80x128xi32, #tpu.memory_space<hbm>> -> memref<40x128xi32, #tpu.memory_space<hbm>>
          tpu.enqueue_dma source(%dma_start3A_86 : memref<40x128xi32, #tpu.memory_space<hbm>>) target(%arg6 : memref<40x128xi32, #tpu.memory_space<vmem>>) target_semaphore(%run_scoped3A_64 : memref<!tpu.dma_semaphore, #tpu.memory_space<semaphore_mem>>)
          %dma_wait3A = arith.constant 0 : i32
          %dma_wait3A_87 = arith.constant 0 : i32
          %dma_wait3A_88 = arith.constant 0 : i32
          %dma_wait3A_89 = tpu.memref_slice %arg3[%run_scoped3A_49, %dma_wait3A, %dma_wait3A_87, %dma_wait3A_88] : memref<2x32x80x128xi32, #tpu.memory_space<hbm>> -> memref<1x32x80x128xi32, #tpu.memory_space<hbm>>
          %dma_wait3A_90 = tpu.memref_squeeze %dma_wait3A_89 : memref<1x32x80x128xi32, #tpu.memory_space<hbm>> -> memref<32x80x128xi32, #tpu.memory_space<hbm>>
          %dma_wait3A_91 = arith.constant 0 : i32
          %dma_wait3A_92 = arith.constant 0 : i32
          %dma_wait3A_93 = tpu.memref_slice %dma_wait3A_90[%add3A, %dma_wait3A_91, %dma_wait3A_92] : memref<32x80x128xi32, #tpu.memory_space<hbm>> -> memref<1x80x128xi32, #tpu.memory_space<hbm>>
          %dma_wait3A_94 = tpu.memref_squeeze %dma_wait3A_93 : memref<1x80x128xi32, #tpu.memory_space<hbm>> -> memref<80x128xi32, #tpu.memory_space<hbm>>
          %dma_wait3A_95 = arith.constant 0 : i32
          %dma_wait3A_96 = tpu.memref_slice %dma_wait3A_94[%mul3A_48, %dma_wait3A_95] : memref<80x128xi32, #tpu.memory_space<hbm>> -> memref<40x128xi32, #tpu.memory_space<hbm>>
          %dma_wait3A_97 = arith.constant 0 : i32
          %dma_wait3A_98 = arith.constant 0 : i32
          %dma_wait3A_99 = arith.constant 0 : i32
          %dma_wait3A_100 = tpu.memref_slice %arg3[%run_scoped3A_49, %dma_wait3A_97, %dma_wait3A_98, %dma_wait3A_99] : memref<2x32x80x128xi32, #tpu.memory_space<hbm>> -> memref<1x32x80x128xi32, #tpu.memory_space<hbm>>
          %dma_wait3A_101 = tpu.memref_squeeze %dma_wait3A_100 : memref<1x32x80x128xi32, #tpu.memory_space<hbm>> -> memref<32x80x128xi32, #tpu.memory_space<hbm>>
          %dma_wait3A_102 = arith.constant 0 : i32
          %dma_wait3A_103 = arith.constant 0 : i32
          %dma_wait3A_104 = tpu.memref_slice %dma_wait3A_101[%add3A, %dma_wait3A_102, %dma_wait3A_103] : memref<32x80x128xi32, #tpu.memory_space<hbm>> -> memref<1x80x128xi32, #tpu.memory_space<hbm>>
          %dma_wait3A_105 = tpu.memref_squeeze %dma_wait3A_104 : memref<1x80x128xi32, #tpu.memory_space<hbm>> -> memref<80x128xi32, #tpu.memory_space<hbm>>
          %dma_wait3A_106 = arith.constant 0 : i32
          %dma_wait3A_107 = tpu.memref_slice %dma_wait3A_105[%mul3A_48, %dma_wait3A_106] : memref<80x128xi32, #tpu.memory_space<hbm>> -> memref<40x128xi32, #tpu.memory_space<hbm>>
          tpu.wait_dma2 semaphore(%run_scoped3A_64 : memref<!tpu.dma_semaphore, #tpu.memory_space<semaphore_mem>>) src(%dma_wait3A_107 : memref<40x128xi32, #tpu.memory_space<hbm>>) dst(%arg6 : memref<40x128xi32, #tpu.memory_space<vmem>>)
          tpu.yield
        }) : () -> ()
        %mul3A_50 = arith.constant 40 : i32
        %mul3A_51 = arith.muli %add3A_39, %mul3A_50 : i32
        %run_scoped3A_52 = arith.constant 1 : i32
        "tpu.region"() ({
          %run_scoped3A_64 = tpu.sem_alloc : memref<!tpu.dma_semaphore, #tpu.memory_space<semaphore_mem>>
          %dma_start3A_65 = arith.constant 0 : i32
          %dma_start3A_66 = arith.constant 0 : i32
          %dma_start3A_67 = arith.constant 0 : i32
          %dma_start3A_68 = tpu.memref_slice %arg3[%run_scoped3A_52, %dma_start3A_65, %dma_start3A_66, %dma_start3A_67] : memref<2x32x80x128xi32, #tpu.memory_space<hbm>> -> memref<1x32x80x128xi32, #tpu.memory_space<hbm>>
          %dma_start3A_69 = tpu.memref_squeeze %dma_start3A_68 : memref<1x32x80x128xi32, #tpu.memory_space<hbm>> -> memref<32x80x128xi32, #tpu.memory_space<hbm>>
          %dma_start3A_70 = arith.constant 0 : i32
          %dma_start3A_71 = arith.constant 0 : i32
          %dma_start3A_72 = tpu.memref_slice %dma_start3A_69[%add3A, %dma_start3A_70, %dma_start3A_71] : memref<32x80x128xi32, #tpu.memory_space<hbm>> -> memref<1x80x128xi32, #tpu.memory_space<hbm>>
          %dma_start3A_73 = tpu.memref_squeeze %dma_start3A_72 : memref<1x80x128xi32, #tpu.memory_space<hbm>> -> memref<80x128xi32, #tpu.memory_space<hbm>>
          %dma_start3A_74 = arith.constant 0 : i32
          %dma_start3A_75 = tpu.memref_slice %dma_start3A_73[%mul3A_51, %dma_start3A_74] : memref<80x128xi32, #tpu.memory_space<hbm>> -> memref<40x128xi32, #tpu.memory_space<hbm>>
          %dma_start3A_76 = arith.constant 0 : i32
          %dma_start3A_77 = arith.constant 0 : i32
          %dma_start3A_78 = arith.constant 0 : i32
          %dma_start3A_79 = tpu.memref_slice %arg3[%run_scoped3A_52, %dma_start3A_76, %dma_start3A_77, %dma_start3A_78] : memref<2x32x80x128xi32, #tpu.memory_space<hbm>> -> memref<1x32x80x128xi32, #tpu.memory_space<hbm>>
          %dma_start3A_80 = tpu.memref_squeeze %dma_start3A_79 : memref<1x32x80x128xi32, #tpu.memory_space<hbm>> -> memref<32x80x128xi32, #tpu.memory_space<hbm>>
          %dma_start3A_81 = arith.constant 0 : i32
          %dma_start3A_82 = arith.constant 0 : i32
          %dma_start3A_83 = tpu.memref_slice %dma_start3A_80[%add3A, %dma_start3A_81, %dma_start3A_82] : memref<32x80x128xi32, #tpu.memory_space<hbm>> -> memref<1x80x128xi32, #tpu.memory_space<hbm>>
          %dma_start3A_84 = tpu.memref_squeeze %dma_start3A_83 : memref<1x80x128xi32, #tpu.memory_space<hbm>> -> memref<80x128xi32, #tpu.memory_space<hbm>>
          %dma_start3A_85 = arith.constant 0 : i32
          %dma_start3A_86 = tpu.memref_slice %dma_start3A_84[%mul3A_51, %dma_start3A_85] : memref<80x128xi32, #tpu.memory_space<hbm>> -> memref<40x128xi32, #tpu.memory_space<hbm>>
          tpu.enqueue_dma source(%dma_start3A_86 : memref<40x128xi32, #tpu.memory_space<hbm>>) target(%arg7 : memref<40x128xi32, #tpu.memory_space<vmem>>) target_semaphore(%run_scoped3A_64 : memref<!tpu.dma_semaphore, #tpu.memory_space<semaphore_mem>>)
          %dma_wait3A = arith.constant 0 : i32
          %dma_wait3A_87 = arith.constant 0 : i32
          %dma_wait3A_88 = arith.constant 0 : i32
          %dma_wait3A_89 = tpu.memref_slice %arg3[%run_scoped3A_52, %dma_wait3A, %dma_wait3A_87, %dma_wait3A_88] : memref<2x32x80x128xi32, #tpu.memory_space<hbm>> -> memref<1x32x80x128xi32, #tpu.memory_space<hbm>>
          %dma_wait3A_90 = tpu.memref_squeeze %dma_wait3A_89 : memref<1x32x80x128xi32, #tpu.memory_space<hbm>> -> memref<32x80x128xi32, #tpu.memory_space<hbm>>
          %dma_wait3A_91 = arith.constant 0 : i32
          %dma_wait3A_92 = arith.constant 0 : i32
          %dma_wait3A_93 = tpu.memref_slice %dma_wait3A_90[%add3A, %dma_wait3A_91, %dma_wait3A_92] : memref<32x80x128xi32, #tpu.memory_space<hbm>> -> memref<1x80x128xi32, #tpu.memory_space<hbm>>
          %dma_wait3A_94 = tpu.memref_squeeze %dma_wait3A_93 : memref<1x80x128xi32, #tpu.memory_space<hbm>> -> memref<80x128xi32, #tpu.memory_space<hbm>>
          %dma_wait3A_95 = arith.constant 0 : i32
          %dma_wait3A_96 = tpu.memref_slice %dma_wait3A_94[%mul3A_51, %dma_wait3A_95] : memref<80x128xi32, #tpu.memory_space<hbm>> -> memref<40x128xi32, #tpu.memory_space<hbm>>
          %dma_wait3A_97 = arith.constant 0 : i32
          %dma_wait3A_98 = arith.constant 0 : i32
          %dma_wait3A_99 = arith.constant 0 : i32
          %dma_wait3A_100 = tpu.memref_slice %arg3[%run_scoped3A_52, %dma_wait3A_97, %dma_wait3A_98, %dma_wait3A_99] : memref<2x32x80x128xi32, #tpu.memory_space<hbm>> -> memref<1x32x80x128xi32, #tpu.memory_space<hbm>>
          %dma_wait3A_101 = tpu.memref_squeeze %dma_wait3A_100 : memref<1x32x80x128xi32, #tpu.memory_space<hbm>> -> memref<32x80x128xi32, #tpu.memory_space<hbm>>
          %dma_wait3A_102 = arith.constant 0 : i32
          %dma_wait3A_103 = arith.constant 0 : i32
          %dma_wait3A_104 = tpu.memref_slice %dma_wait3A_101[%add3A, %dma_wait3A_102, %dma_wait3A_103] : memref<32x80x128xi32, #tpu.memory_space<hbm>> -> memref<1x80x128xi32, #tpu.memory_space<hbm>>
          %dma_wait3A_105 = tpu.memref_squeeze %dma_wait3A_104 : memref<1x80x128xi32, #tpu.memory_space<hbm>> -> memref<80x128xi32, #tpu.memory_space<hbm>>
          %dma_wait3A_106 = arith.constant 0 : i32
          %dma_wait3A_107 = tpu.memref_slice %dma_wait3A_105[%mul3A_51, %dma_wait3A_106] : memref<80x128xi32, #tpu.memory_space<hbm>> -> memref<40x128xi32, #tpu.memory_space<hbm>>
          tpu.wait_dma2 semaphore(%run_scoped3A_64 : memref<!tpu.dma_semaphore, #tpu.memory_space<semaphore_mem>>) src(%dma_wait3A_107 : memref<40x128xi32, #tpu.memory_space<hbm>>) dst(%arg7 : memref<40x128xi32, #tpu.memory_space<vmem>>)
          tpu.yield
        }) : () -> ()
        %dma_start3A_53 = arith.constant 0 : i32
        %dma_start3A_54 = arith.constant 0 : i32
        %dma_start3A_55 = arith.constant 0 : i32
        %dma_start3A_56 = tpu.memref_slice %arg8[%scan3A_23, %dma_start3A_54, %dma_start3A_55] : memref<2x128x128xf32, #tpu.memory_space<vmem>> -> memref<1x128x128xf32, #tpu.memory_space<vmem>>
        %dma_start3A_57 = tpu.memref_squeeze %dma_start3A_56 : memref<1x128x128xf32, #tpu.memory_space<vmem>> -> memref<128x128xf32, #tpu.memory_space<vmem>>
        %dma_start3A_58 = arith.constant 0 : i32
        %dma_start3A_59 = tpu.memref_slice %arg6[%dma_start3A_53, %dma_start3A_58] : memref<40x128xi32, #tpu.memory_space<vmem>> -> memref<1x128xi32, #tpu.memory_space<vmem>>
        %dma_start3A_60 = tpu.memref_squeeze %dma_start3A_59 : memref<1x128xi32, #tpu.memory_space<vmem>> -> memref<128xi32, #tpu.memory_space<vmem>>
        %dma_start3A_61 = arith.constant 0 : i32
        %dma_start3A_62 = arith.constant 0 : i32
        %dma_start3A_63 = tpu.memref_slice %arg2[%dma_start3A_61, %dma_start3A_62] : memref<10000x128xf32, #tpu.memory_space<hbm>> -> memref<10000x128xf32, #tpu.memory_space<hbm>>
        tpu.enqueue_indirect_dma source(%dma_start3A_63 : memref<10000x128xf32, #tpu.memory_space<hbm>>) target(%dma_start3A_57 : memref<128x128xf32, #tpu.memory_space<vmem>>) offsets(%dma_start3A_60 : memref<128xi32, #tpu.memory_space<vmem>>) semaphore(%arg10 : memref<!tpu.dma_semaphore, #tpu.memory_space<semaphore_mem>>)
      } else {
      }
      %scan3A_42 = arith.constant 0 : i32
      %scan3A_43 = arith.constant 20 : i32
      %scan3A_44 = arith.addi %scan3A_42, %scan3A_43 : i32
      %scan3A_45 = arith.constant 1 : i32
      scf.for %scan3A_47 = %scan3A_42 to %scan3A_44 step %scan3A_45  : i32 {
        %mul3A_48 = arith.constant 1 : i32
        %mul3A_49 = arith.muli %scan3A_47, %mul3A_48 : i32
        %add3A_50 = arith.constant 0 : i32
        %add3A_51 = arith.addi %add3A_50, %mul3A_49 : i32
        %mul3A_52 = arith.constant 2 : i32
        %mul3A_53 = arith.muli %mul3A_52, %add3A_51 : i32
        %add3A_54 = arith.constant 1 : i32
        %add3A_55 = arith.addi %mul3A_53, %add3A_54 : i32
        %dma_start3A_56 = arith.constant 0 : i32
        %dma_start3A_57 = arith.constant 0 : i32
        %dma_start3A_58 = tpu.memref_slice %arg8[%scan3A_24, %dma_start3A_56, %dma_start3A_57] : memref<2x128x128xf32, #tpu.memory_space<vmem>> -> memref<1x128x128xf32, #tpu.memory_space<vmem>>
        %dma_start3A_59 = tpu.memref_squeeze %dma_start3A_58 : memref<1x128x128xf32, #tpu.memory_space<vmem>> -> memref<128x128xf32, #tpu.memory_space<vmem>>
        %dma_start3A_60 = arith.constant 0 : i32
        %dma_start3A_61 = tpu.memref_slice %arg6[%add3A_55, %dma_start3A_60] : memref<40x128xi32, #tpu.memory_space<vmem>> -> memref<1x128xi32, #tpu.memory_space<vmem>>
        %dma_start3A_62 = tpu.memref_squeeze %dma_start3A_61 : memref<1x128xi32, #tpu.memory_space<vmem>> -> memref<128xi32, #tpu.memory_space<vmem>>
        %dma_start3A_63 = arith.constant 0 : i32
        %dma_start3A_64 = arith.constant 0 : i32
        %dma_start3A_65 = tpu.memref_slice %arg2[%dma_start3A_63, %dma_start3A_64] : memref<10000x128xf32, #tpu.memory_space<hbm>> -> memref<10000x128xf32, #tpu.memory_space<hbm>>
        tpu.enqueue_indirect_dma source(%dma_start3A_65 : memref<10000x128xf32, #tpu.memory_space<hbm>>) target(%dma_start3A_59 : memref<128x128xf32, #tpu.memory_space<vmem>>) offsets(%dma_start3A_62 : memref<128xi32, #tpu.memory_space<vmem>>) semaphore(%arg11 : memref<!tpu.dma_semaphore, #tpu.memory_space<semaphore_mem>>)
        %dma_wait3A = arith.constant 0 : i32
        %dma_wait3A_66 = arith.constant 0 : i32
        %dma_wait3A_67 = tpu.memref_slice %arg8[%scan3A_23, %dma_wait3A, %dma_wait3A_66] : memref<2x128x128xf32, #tpu.memory_space<vmem>> -> memref<1x128x128xf32, #tpu.memory_space<vmem>>
        %dma_wait3A_68 = tpu.memref_squeeze %dma_wait3A_67 : memref<1x128x128xf32, #tpu.memory_space<vmem>> -> memref<128x128xf32, #tpu.memory_space<vmem>>
        %dma_wait3A_69 = arith.constant 0 : i32
        %dma_wait3A_70 = tpu.memref_slice %arg6[%mul3A_53, %dma_wait3A_69] : memref<40x128xi32, #tpu.memory_space<vmem>> -> memref<1x128xi32, #tpu.memory_space<vmem>>
        %dma_wait3A_71 = tpu.memref_squeeze %dma_wait3A_70 : memref<1x128xi32, #tpu.memory_space<vmem>> -> memref<128xi32, #tpu.memory_space<vmem>>
        %dma_wait3A_72 = arith.constant 0 : i32
        %dma_wait3A_73 = arith.constant 0 : i32
        %dma_wait3A_74 = tpu.memref_slice %arg2[%dma_wait3A_72, %dma_wait3A_73] : memref<10000x128xf32, #tpu.memory_space<hbm>> -> memref<10000x128xf32, #tpu.memory_space<hbm>>
        tpu.wait_indirect_dma semaphore(%arg10 : memref<!tpu.dma_semaphore, #tpu.memory_space<semaphore_mem>>) src(%dma_wait3A_74 : memref<10000x128xf32, #tpu.memory_space<hbm>>) dst(%dma_wait3A_68 : memref<128x128xf32, #tpu.memory_space<vmem>>)
        "tpu.region"() ({
          %run_scoped3A_95 = tpu.sem_alloc : memref<!tpu.dma_semaphore, #tpu.memory_space<semaphore_mem>>
          %dma_start3A_96 = arith.constant 0 : i32
          %dma_start3A_97 = arith.constant 0 : i32
          %dma_start3A_98 = tpu.memref_slice %arg8[%scan3A_23, %dma_start3A_96, %dma_start3A_97] : memref<2x128x128xf32, #tpu.memory_space<vmem>> -> memref<1x128x128xf32, #tpu.memory_space<vmem>>
          %dma_start3A_99 = tpu.memref_squeeze %dma_start3A_98 : memref<1x128x128xf32, #tpu.memory_space<vmem>> -> memref<128x128xf32, #tpu.memory_space<vmem>>
          %dma_start3A_100 = arith.constant 0 : i32
          %dma_start3A_101 = tpu.memref_slice %arg7[%mul3A_53, %dma_start3A_100] : memref<40x128xi32, #tpu.memory_space<vmem>> -> memref<1x128xi32, #tpu.memory_space<vmem>>
          %dma_start3A_102 = tpu.memref_squeeze %dma_start3A_101 : memref<1x128xi32, #tpu.memory_space<vmem>> -> memref<128xi32, #tpu.memory_space<vmem>>
          %dma_start3A_103 = arith.constant 0 : i32
          %dma_start3A_104 = arith.constant 0 : i32
          %dma_start3A_105 = tpu.memref_slice %arg5[%dma_start3A_103, %dma_start3A_104] : memref<10240x128xf32, #tpu.memory_space<vmem_shared>> -> memref<10240x128xf32, #tpu.memory_space<vmem_shared>>
          tpu.enqueue_indirect_dma source(%dma_start3A_99 : memref<128x128xf32, #tpu.memory_space<vmem>>) target(%dma_start3A_105 : memref<10240x128xf32, #tpu.memory_space<vmem_shared>>) offsets(%dma_start3A_102 : memref<128xi32, #tpu.memory_space<vmem>>) semaphore(%run_scoped3A_95 : memref<!tpu.dma_semaphore, #tpu.memory_space<semaphore_mem>>) {add = true}
          %dma_wait3A_106 = arith.constant 0 : i32
          %dma_wait3A_107 = arith.constant 0 : i32
          %dma_wait3A_108 = tpu.memref_slice %arg8[%scan3A_23, %dma_wait3A_106, %dma_wait3A_107] : memref<2x128x128xf32, #tpu.memory_space<vmem>> -> memref<1x128x128xf32, #tpu.memory_space<vmem>>
          %dma_wait3A_109 = tpu.memref_squeeze %dma_wait3A_108 : memref<1x128x128xf32, #tpu.memory_space<vmem>> -> memref<128x128xf32, #tpu.memory_space<vmem>>
          %dma_wait3A_110 = arith.constant 0 : i32
          %dma_wait3A_111 = tpu.memref_slice %arg7[%mul3A_53, %dma_wait3A_110] : memref<40x128xi32, #tpu.memory_space<vmem>> -> memref<1x128xi32, #tpu.memory_space<vmem>>
          %dma_wait3A_112 = tpu.memref_squeeze %dma_wait3A_111 : memref<1x128xi32, #tpu.memory_space<vmem>> -> memref<128xi32, #tpu.memory_space<vmem>>
          %dma_wait3A_113 = arith.constant 0 : i32
          %dma_wait3A_114 = arith.constant 0 : i32
          %dma_wait3A_115 = tpu.memref_slice %arg5[%dma_wait3A_113, %dma_wait3A_114] : memref<10240x128xf32, #tpu.memory_space<vmem_shared>> -> memref<10240x128xf32, #tpu.memory_space<vmem_shared>>
          tpu.wait_indirect_dma semaphore(%run_scoped3A_95 : memref<!tpu.dma_semaphore, #tpu.memory_space<semaphore_mem>>) src(%dma_wait3A_109 : memref<128x128xf32, #tpu.memory_space<vmem>>) dst(%dma_wait3A_115 : memref<10240x128xf32, #tpu.memory_space<vmem_shared>>)
          tpu.yield
        }) : () -> ()
        %add3A_75 = arith.constant 2 : i32
        %add3A_76 = arith.addi %mul3A_53, %add3A_75 : i32
        %lt3A = arith.constant 40 : i32
        %lt3A_77 = arith.cmpi slt, %add3A_76, %lt3A : i32
        %convert_element_type3A_78 = arith.extui %lt3A_77 : i1 to i32
        %cond3A_79 = arith.constant 0 : i32
        %cond3A_80 = arith.cmpi ne, %convert_element_type3A_78, %cond3A_79 : i32
        scf.if %cond3A_80 {
          %add3A_95 = arith.constant 2 : i32
          %add3A_96 = arith.addi %mul3A_53, %add3A_95 : i32
          %dma_start3A_97 = arith.constant 0 : i32
          %dma_start3A_98 = arith.constant 0 : i32
          %dma_start3A_99 = tpu.memref_slice %arg8[%scan3A_23, %dma_start3A_97, %dma_start3A_98] : memref<2x128x128xf32, #tpu.memory_space<vmem>> -> memref<1x128x128xf32, #tpu.memory_space<vmem>>
          %dma_start3A_100 = tpu.memref_squeeze %dma_start3A_99 : memref<1x128x128xf32, #tpu.memory_space<vmem>> -> memref<128x128xf32, #tpu.memory_space<vmem>>
          %dma_start3A_101 = arith.constant 0 : i32
          %dma_start3A_102 = tpu.memref_slice %arg6[%add3A_96, %dma_start3A_101] : memref<40x128xi32, #tpu.memory_space<vmem>> -> memref<1x128xi32, #tpu.memory_space<vmem>>
          %dma_start3A_103 = tpu.memref_squeeze %dma_start3A_102 : memref<1x128xi32, #tpu.memory_space<vmem>> -> memref<128xi32, #tpu.memory_space<vmem>>
          %dma_start3A_104 = arith.constant 0 : i32
          %dma_start3A_105 = arith.constant 0 : i32
          %dma_start3A_106 = tpu.memref_slice %arg2[%dma_start3A_104, %dma_start3A_105] : memref<10000x128xf32, #tpu.memory_space<hbm>> -> memref<10000x128xf32, #tpu.memory_space<hbm>>
          tpu.enqueue_indirect_dma source(%dma_start3A_106 : memref<10000x128xf32, #tpu.memory_space<hbm>>) target(%dma_start3A_100 : memref<128x128xf32, #tpu.memory_space<vmem>>) offsets(%dma_start3A_103 : memref<128xi32, #tpu.memory_space<vmem>>) semaphore(%arg10 : memref<!tpu.dma_semaphore, #tpu.memory_space<semaphore_mem>>)
        } else {
        }
        %add3A_81 = arith.constant 1 : i32
        %add3A_82 = arith.addi %mul3A_53, %add3A_81 : i32
        %dma_wait3A_83 = arith.constant 0 : i32
        %dma_wait3A_84 = arith.constant 0 : i32
        %dma_wait3A_85 = tpu.memref_slice %arg8[%scan3A_24, %dma_wait3A_83, %dma_wait3A_84] : memref<2x128x128xf32, #tpu.memory_space<vmem>> -> memref<1x128x128xf32, #tpu.memory_space<vmem>>
        %dma_wait3A_86 = tpu.memref_squeeze %dma_wait3A_85 : memref<1x128x128xf32, #tpu.memory_space<vmem>> -> memref<128x128xf32, #tpu.memory_space<vmem>>
        %dma_wait3A_87 = arith.constant 0 : i32
        %dma_wait3A_88 = tpu.memref_slice %arg6[%add3A_82, %dma_wait3A_87] : memref<40x128xi32, #tpu.memory_space<vmem>> -> memref<1x128xi32, #tpu.memory_space<vmem>>
        %dma_wait3A_89 = tpu.memref_squeeze %dma_wait3A_88 : memref<1x128xi32, #tpu.memory_space<vmem>> -> memref<128xi32, #tpu.memory_space<vmem>>
        %dma_wait3A_90 = arith.constant 0 : i32
        %dma_wait3A_91 = arith.constant 0 : i32
        %dma_wait3A_92 = tpu.memref_slice %arg2[%dma_wait3A_90, %dma_wait3A_91] : memref<10000x128xf32, #tpu.memory_space<hbm>> -> memref<10000x128xf32, #tpu.memory_space<hbm>>
        tpu.wait_indirect_dma semaphore(%arg11 : memref<!tpu.dma_semaphore, #tpu.memory_space<semaphore_mem>>) src(%dma_wait3A_92 : memref<10000x128xf32, #tpu.memory_space<hbm>>) dst(%dma_wait3A_86 : memref<128x128xf32, #tpu.memory_space<vmem>>)
        %add3A_93 = arith.constant 1 : i32
        %add3A_94 = arith.addi %mul3A_53, %add3A_93 : i32
        "tpu.region"() ({
          %run_scoped3A_95 = tpu.sem_alloc : memref<!tpu.dma_semaphore, #tpu.memory_space<semaphore_mem>>
          %dma_start3A_96 = arith.constant 0 : i32
          %dma_start3A_97 = arith.constant 0 : i32
          %dma_start3A_98 = tpu.memref_slice %arg8[%scan3A_24, %dma_start3A_96, %dma_start3A_97] : memref<2x128x128xf32, #tpu.memory_space<vmem>> -> memref<1x128x128xf32, #tpu.memory_space<vmem>>
          %dma_start3A_99 = tpu.memref_squeeze %dma_start3A_98 : memref<1x128x128xf32, #tpu.memory_space<vmem>> -> memref<128x128xf32, #tpu.memory_space<vmem>>
          %dma_start3A_100 = arith.constant 0 : i32
          %dma_start3A_101 = tpu.memref_slice %arg7[%add3A_94, %dma_start3A_100] : memref<40x128xi32, #tpu.memory_space<vmem>> -> memref<1x128xi32, #tpu.memory_space<vmem>>
          %dma_start3A_102 = tpu.memref_squeeze %dma_start3A_101 : memref<1x128xi32, #tpu.memory_space<vmem>> -> memref<128xi32, #tpu.memory_space<vmem>>
          %dma_start3A_103 = arith.constant 0 : i32
          %dma_start3A_104 = arith.constant 0 : i32
          %dma_start3A_105 = tpu.memref_slice %arg5[%dma_start3A_103, %dma_start3A_104] : memref<10240x128xf32, #tpu.memory_space<vmem_shared>> -> memref<10240x128xf32, #tpu.memory_space<vmem_shared>>
          tpu.enqueue_indirect_dma source(%dma_start3A_99 : memref<128x128xf32, #tpu.memory_space<vmem>>) target(%dma_start3A_105 : memref<10240x128xf32, #tpu.memory_space<vmem_shared>>) offsets(%dma_start3A_102 : memref<128xi32, #tpu.memory_space<vmem>>) semaphore(%run_scoped3A_95 : memref<!tpu.dma_semaphore, #tpu.memory_space<semaphore_mem>>) {add = true}
          %dma_wait3A_106 = arith.constant 0 : i32
          %dma_wait3A_107 = arith.constant 0 : i32
          %dma_wait3A_108 = tpu.memref_slice %arg8[%scan3A_24, %dma_wait3A_106, %dma_wait3A_107] : memref<2x128x128xf32, #tpu.memory_space<vmem>> -> memref<1x128x128xf32, #tpu.memory_space<vmem>>
          %dma_wait3A_109 = tpu.memref_squeeze %dma_wait3A_108 : memref<1x128x128xf32, #tpu.memory_space<vmem>> -> memref<128x128xf32, #tpu.memory_space<vmem>>
          %dma_wait3A_110 = arith.constant 0 : i32
          %dma_wait3A_111 = tpu.memref_slice %arg7[%add3A_94, %dma_wait3A_110] : memref<40x128xi32, #tpu.memory_space<vmem>> -> memref<1x128xi32, #tpu.memory_space<vmem>>
          %dma_wait3A_112 = tpu.memref_squeeze %dma_wait3A_111 : memref<1x128xi32, #tpu.memory_space<vmem>> -> memref<128xi32, #tpu.memory_space<vmem>>
          %dma_wait3A_113 = arith.constant 0 : i32
          %dma_wait3A_114 = arith.constant 0 : i32
          %dma_wait3A_115 = tpu.memref_slice %arg5[%dma_wait3A_113, %dma_wait3A_114] : memref<10240x128xf32, #tpu.memory_space<vmem_shared>> -> memref<10240x128xf32, #tpu.memory_space<vmem_shared>>
          tpu.wait_indirect_dma semaphore(%run_scoped3A_95 : memref<!tpu.dma_semaphore, #tpu.memory_space<semaphore_mem>>) src(%dma_wait3A_109 : memref<128x128xf32, #tpu.memory_space<vmem>>) dst(%dma_wait3A_115 : memref<10240x128xf32, #tpu.memory_space<vmem_shared>>)
          tpu.yield
        }) : () -> ()
      }
      %scan3A_46 = arith.constant 20 : i32
    }
    %scan3A_29 = arith.constant 2 : i32
    %barrier3A_30 = arith.constant 0 : index
    tpu.barrier barrier_id(%barrier3A_30)
    %mul3A_31 = arith.constant 640 : i32
    %mul3A_32 = arith.muli %arg1, %mul3A_31 : i32
    %mul3A_33 = arith.constant 640 : i32
    %mul3A_34 = arith.muli %arg1, %mul3A_33 : i32
    "tpu.region"() ({
      %run_scoped3A_35 = tpu.sem_alloc : memref<!tpu.dma_semaphore, #tpu.memory_space<semaphore_mem>>
      %dma_start3A_36 = arith.constant 0 : i32
      %dma_start3A_37 = arith.constant 0 : i32
      %dma_start3A_38 = tpu.memref_slice %arg4[%arg0, %dma_start3A_36, %dma_start3A_37] : memref<2x10240x128xf32, #tpu.memory_space<hbm>> -> memref<1x10240x128xf32, #tpu.memory_space<hbm>>
      %dma_start3A_39 = tpu.memref_squeeze %dma_start3A_38 : memref<1x10240x128xf32, #tpu.memory_space<hbm>> -> memref<10240x128xf32, #tpu.memory_space<hbm>>
      %dma_start3A_40 = arith.constant 0 : i32
      %dma_start3A_41 = tpu.memref_slice %dma_start3A_39[%mul3A_34, %dma_start3A_40] : memref<10240x128xf32, #tpu.memory_space<hbm>> -> memref<640x128xf32, #tpu.memory_space<hbm>>
      %dma_start3A_42 = arith.constant 0 : i32
      %dma_start3A_43 = tpu.memref_slice %arg5[%mul3A_32, %dma_start3A_42] : memref<10240x128xf32, #tpu.memory_space<vmem_shared>> -> memref<640x128xf32, #tpu.memory_space<vmem_shared>>
      tpu.enqueue_dma source(%dma_start3A_43 : memref<640x128xf32, #tpu.memory_space<vmem_shared>>) target(%dma_start3A_41 : memref<640x128xf32, #tpu.memory_space<hbm>>) target_semaphore(%run_scoped3A_35 : memref<!tpu.dma_semaphore, #tpu.memory_space<semaphore_mem>>)
      %dma_wait3A = arith.constant 0 : i32
      %dma_wait3A_44 = arith.constant 0 : i32
      %dma_wait3A_45 = tpu.memref_slice %arg4[%arg0, %dma_wait3A, %dma_wait3A_44] : memref<2x10240x128xf32, #tpu.memory_space<hbm>> -> memref<1x10240x128xf32, #tpu.memory_space<hbm>>
      %dma_wait3A_46 = tpu.memref_squeeze %dma_wait3A_45 : memref<1x10240x128xf32, #tpu.memory_space<hbm>> -> memref<10240x128xf32, #tpu.memory_space<hbm>>
      %dma_wait3A_47 = arith.constant 0 : i32
      %dma_wait3A_48 = tpu.memref_slice %dma_wait3A_46[%mul3A_34, %dma_wait3A_47] : memref<10240x128xf32, #tpu.memory_space<hbm>> -> memref<640x128xf32, #tpu.memory_space<hbm>>
      %dma_wait3A_49 = arith.constant 0 : i32
      %dma_wait3A_50 = tpu.memref_slice %arg5[%mul3A_32, %dma_wait3A_49] : memref<10240x128xf32, #tpu.memory_space<vmem_shared>> -> memref<640x128xf32, #tpu.memory_space<vmem_shared>>
      tpu.wait_dma2 semaphore(%run_scoped3A_35 : memref<!tpu.dma_semaphore, #tpu.memory_space<semaphore_mem>>) src(%dma_wait3A_50 : memref<640x128xf32, #tpu.memory_space<vmem_shared>>) dst(%dma_wait3A_48 : memref<640x128xf32, #tpu.memory_space<hbm>>)
      tpu.yield
    }) : () -> ()
    return
  }
}

#map = affine_map<(d0, d1) -> (0, 0)>
#map1 = affine_map<(d0, d1) -> (0, 0, 0, 0)>
#map2 = affine_map<(d0, d1) -> (0, 0, 0)>
module attributes {stable_mosaic.version = 14 : i64} {
  func.func @_sc_aggregate_body(%arg0: i32, %arg1: i32, %arg2: memref<10000x128xf32, #tpu.memory_space<hbm>>, %arg3: memref<2x32x80x128xi32, #tpu.memory_space<hbm>>, %arg4: memref<2x10240x128xf32, #tpu.memory_space<hbm>>, %arg5: memref<10240x128xf32, #tpu.memory_space<vmem_shared>>, %arg6: memref<40x128xi32, #tpu.memory_space<vmem>>, %arg7: memref<40x128xi32, #tpu.memory_space<vmem>>, %arg8: memref<2x128x128xf32, #tpu.memory_space<vmem>>, %arg9: memref<40x128xf32, #tpu.memory_space<vmem>>, %arg10: memref<!tpu.dma_semaphore, #tpu.memory_space<semaphore_mem>>, %arg11: memref<!tpu.dma_semaphore, #tpu.memory_space<semaphore_mem>>) attributes {dimension_semantics = [#tpu.dimension_semantics<core_parallel>, #tpu.dimension_semantics<subcore_parallel>], iteration_bounds = array<i64: 2, 16>, scalar_prefetch = 0 : i64, scratch_operands = 7 : i64, tpu.core_type = #tpu.core_type<sc_vector_subcore>, window_params = [{transform_indices = #map}, {transform_indices = #map1}, {transform_indices = #map2}]} {
    %mul3A = arith.constant 16 : i32
    %mul3A_0 = arith.muli %arg0, %mul3A : i32
    %add3A = arith.addi %mul3A_0, %arg1 : i32
    %run_scoped3A = arith.constant 0 : i32
    "tpu.region"() ({
      %run_scoped3A_35 = tpu.sem_alloc : memref<!tpu.dma_semaphore, #tpu.memory_space<semaphore_mem>>
      %dma_start3A_36 = arith.constant 0 : i32
      %dma_start3A_37 = arith.constant 0 : i32
      %dma_start3A_38 = arith.constant 0 : i32
      %dma_start3A_39 = tpu.memref_slice %arg3[%run_scoped3A, %dma_start3A_36, %dma_start3A_37, %dma_start3A_38] : memref<2x32x80x128xi32, #tpu.memory_space<hbm>> -> memref<1x32x80x128xi32, #tpu.memory_space<hbm>>
      %dma_start3A_40 = tpu.memref_squeeze %dma_start3A_39 : memref<1x32x80x128xi32, #tpu.memory_space<hbm>> -> memref<32x80x128xi32, #tpu.memory_space<hbm>>
      %dma_start3A_41 = arith.constant 0 : i32
      %dma_start3A_42 = arith.constant 0 : i32
      %dma_start3A_43 = tpu.memref_slice %dma_start3A_40[%add3A, %dma_start3A_41, %dma_start3A_42] : memref<32x80x128xi32, #tpu.memory_space<hbm>> -> memref<1x80x128xi32, #tpu.memory_space<hbm>>
      %dma_start3A_44 = tpu.memref_squeeze %dma_start3A_43 : memref<1x80x128xi32, #tpu.memory_space<hbm>> -> memref<80x128xi32, #tpu.memory_space<hbm>>
      %dma_start3A_45 = arith.constant 0 : i32
      %dma_start3A_46 = arith.constant 0 : i32
      %dma_start3A_47 = tpu.memref_slice %dma_start3A_44[%dma_start3A_45, %dma_start3A_46] : memref<80x128xi32, #tpu.memory_space<hbm>> -> memref<40x128xi32, #tpu.memory_space<hbm>>
      %dma_start3A_48 = arith.constant 0 : i32
      %dma_start3A_49 = arith.constant 0 : i32
      %dma_start3A_50 = arith.constant 0 : i32
      %dma_start3A_51 = tpu.memref_slice %arg3[%run_scoped3A, %dma_start3A_48, %dma_start3A_49, %dma_start3A_50] : memref<2x32x80x128xi32, #tpu.memory_space<hbm>> -> memref<1x32x80x128xi32, #tpu.memory_space<hbm>>
      %dma_start3A_52 = tpu.memref_squeeze %dma_start3A_51 : memref<1x32x80x128xi32, #tpu.memory_space<hbm>> -> memref<32x80x128xi32, #tpu.memory_space<hbm>>
      %dma_start3A_53 = arith.constant 0 : i32
      %dma_start3A_54 = arith.constant 0 : i32
      %dma_start3A_55 = tpu.memref_slice %dma_start3A_52[%add3A, %dma_start3A_53, %dma_start3A_54] : memref<32x80x128xi32, #tpu.memory_space<hbm>> -> memref<1x80x128xi32, #tpu.memory_space<hbm>>
      %dma_start3A_56 = tpu.memref_squeeze %dma_start3A_55 : memref<1x80x128xi32, #tpu.memory_space<hbm>> -> memref<80x128xi32, #tpu.memory_space<hbm>>
      %dma_start3A_57 = arith.constant 0 : i32
      %dma_start3A_58 = arith.constant 0 : i32
      %dma_start3A_59 = tpu.memref_slice %dma_start3A_56[%dma_start3A_57, %dma_start3A_58] : memref<80x128xi32, #tpu.memory_space<hbm>> -> memref<40x128xi32, #tpu.memory_space<hbm>>
      tpu.enqueue_dma source(%dma_start3A_59 : memref<40x128xi32, #tpu.memory_space<hbm>>) target(%arg6 : memref<40x128xi32, #tpu.memory_space<vmem>>) target_semaphore(%run_scoped3A_35 : memref<!tpu.dma_semaphore, #tpu.memory_space<semaphore_mem>>)
      %dma_wait3A = arith.constant 0 : i32
      %dma_wait3A_60 = arith.constant 0 : i32
      %dma_wait3A_61 = arith.constant 0 : i32
      %dma_wait3A_62 = tpu.memref_slice %arg3[%run_scoped3A, %dma_wait3A, %dma_wait3A_60, %dma_wait3A_61] : memref<2x32x80x128xi32, #tpu.memory_space<hbm>> -> memref<1x32x80x128xi32, #tpu.memory_space<hbm>>
      %dma_wait3A_63 = tpu.memref_squeeze %dma_wait3A_62 : memref<1x32x80x128xi32, #tpu.memory_space<hbm>> -> memref<32x80x128xi32, #tpu.memory_space<hbm>>
      %dma_wait3A_64 = arith.constant 0 : i32
      %dma_wait3A_65 = arith.constant 0 : i32
      %dma_wait3A_66 = tpu.memref_slice %dma_wait3A_63[%add3A, %dma_wait3A_64, %dma_wait3A_65] : memref<32x80x128xi32, #tpu.memory_space<hbm>> -> memref<1x80x128xi32, #tpu.memory_space<hbm>>
      %dma_wait3A_67 = tpu.memref_squeeze %dma_wait3A_66 : memref<1x80x128xi32, #tpu.memory_space<hbm>> -> memref<80x128xi32, #tpu.memory_space<hbm>>
      %dma_wait3A_68 = arith.constant 0 : i32
      %dma_wait3A_69 = arith.constant 0 : i32
      %dma_wait3A_70 = tpu.memref_slice %dma_wait3A_67[%dma_wait3A_68, %dma_wait3A_69] : memref<80x128xi32, #tpu.memory_space<hbm>> -> memref<40x128xi32, #tpu.memory_space<hbm>>
      %dma_wait3A_71 = arith.constant 0 : i32
      %dma_wait3A_72 = arith.constant 0 : i32
      %dma_wait3A_73 = arith.constant 0 : i32
      %dma_wait3A_74 = tpu.memref_slice %arg3[%run_scoped3A, %dma_wait3A_71, %dma_wait3A_72, %dma_wait3A_73] : memref<2x32x80x128xi32, #tpu.memory_space<hbm>> -> memref<1x32x80x128xi32, #tpu.memory_space<hbm>>
      %dma_wait3A_75 = tpu.memref_squeeze %dma_wait3A_74 : memref<1x32x80x128xi32, #tpu.memory_space<hbm>> -> memref<32x80x128xi32, #tpu.memory_space<hbm>>
      %dma_wait3A_76 = arith.constant 0 : i32
      %dma_wait3A_77 = arith.constant 0 : i32
      %dma_wait3A_78 = tpu.memref_slice %dma_wait3A_75[%add3A, %dma_wait3A_76, %dma_wait3A_77] : memref<32x80x128xi32, #tpu.memory_space<hbm>> -> memref<1x80x128xi32, #tpu.memory_space<hbm>>
      %dma_wait3A_79 = tpu.memref_squeeze %dma_wait3A_78 : memref<1x80x128xi32, #tpu.memory_space<hbm>> -> memref<80x128xi32, #tpu.memory_space<hbm>>
      %dma_wait3A_80 = arith.constant 0 : i32
      %dma_wait3A_81 = arith.constant 0 : i32
      %dma_wait3A_82 = tpu.memref_slice %dma_wait3A_79[%dma_wait3A_80, %dma_wait3A_81] : memref<80x128xi32, #tpu.memory_space<hbm>> -> memref<40x128xi32, #tpu.memory_space<hbm>>
      tpu.wait_dma2 semaphore(%run_scoped3A_35 : memref<!tpu.dma_semaphore, #tpu.memory_space<semaphore_mem>>) src(%dma_wait3A_82 : memref<40x128xi32, #tpu.memory_space<hbm>>) dst(%arg6 : memref<40x128xi32, #tpu.memory_space<vmem>>)
      tpu.yield
    }) : () -> ()
    %run_scoped3A_1 = arith.constant 1 : i32
    "tpu.region"() ({
      %run_scoped3A_35 = tpu.sem_alloc : memref<!tpu.dma_semaphore, #tpu.memory_space<semaphore_mem>>
      %dma_start3A_36 = arith.constant 0 : i32
      %dma_start3A_37 = arith.constant 0 : i32
      %dma_start3A_38 = arith.constant 0 : i32
      %dma_start3A_39 = tpu.memref_slice %arg3[%run_scoped3A_1, %dma_start3A_36, %dma_start3A_37, %dma_start3A_38] : memref<2x32x80x128xi32, #tpu.memory_space<hbm>> -> memref<1x32x80x128xi32, #tpu.memory_space<hbm>>
      %dma_start3A_40 = tpu.memref_squeeze %dma_start3A_39 : memref<1x32x80x128xi32, #tpu.memory_space<hbm>> -> memref<32x80x128xi32, #tpu.memory_space<hbm>>
      %dma_start3A_41 = arith.constant 0 : i32
      %dma_start3A_42 = arith.constant 0 : i32
      %dma_start3A_43 = tpu.memref_slice %dma_start3A_40[%add3A, %dma_start3A_41, %dma_start3A_42] : memref<32x80x128xi32, #tpu.memory_space<hbm>> -> memref<1x80x128xi32, #tpu.memory_space<hbm>>
      %dma_start3A_44 = tpu.memref_squeeze %dma_start3A_43 : memref<1x80x128xi32, #tpu.memory_space<hbm>> -> memref<80x128xi32, #tpu.memory_space<hbm>>
      %dma_start3A_45 = arith.constant 0 : i32
      %dma_start3A_46 = arith.constant 0 : i32
      %dma_start3A_47 = tpu.memref_slice %dma_start3A_44[%dma_start3A_45, %dma_start3A_46] : memref<80x128xi32, #tpu.memory_space<hbm>> -> memref<40x128xi32, #tpu.memory_space<hbm>>
      %dma_start3A_48 = arith.constant 0 : i32
      %dma_start3A_49 = arith.constant 0 : i32
      %dma_start3A_50 = arith.constant 0 : i32
      %dma_start3A_51 = tpu.memref_slice %arg3[%run_scoped3A_1, %dma_start3A_48, %dma_start3A_49, %dma_start3A_50] : memref<2x32x80x128xi32, #tpu.memory_space<hbm>> -> memref<1x32x80x128xi32, #tpu.memory_space<hbm>>
      %dma_start3A_52 = tpu.memref_squeeze %dma_start3A_51 : memref<1x32x80x128xi32, #tpu.memory_space<hbm>> -> memref<32x80x128xi32, #tpu.memory_space<hbm>>
      %dma_start3A_53 = arith.constant 0 : i32
      %dma_start3A_54 = arith.constant 0 : i32
      %dma_start3A_55 = tpu.memref_slice %dma_start3A_52[%add3A, %dma_start3A_53, %dma_start3A_54] : memref<32x80x128xi32, #tpu.memory_space<hbm>> -> memref<1x80x128xi32, #tpu.memory_space<hbm>>
      %dma_start3A_56 = tpu.memref_squeeze %dma_start3A_55 : memref<1x80x128xi32, #tpu.memory_space<hbm>> -> memref<80x128xi32, #tpu.memory_space<hbm>>
      %dma_start3A_57 = arith.constant 0 : i32
      %dma_start3A_58 = arith.constant 0 : i32
      %dma_start3A_59 = tpu.memref_slice %dma_start3A_56[%dma_start3A_57, %dma_start3A_58] : memref<80x128xi32, #tpu.memory_space<hbm>> -> memref<40x128xi32, #tpu.memory_space<hbm>>
      tpu.enqueue_dma source(%dma_start3A_59 : memref<40x128xi32, #tpu.memory_space<hbm>>) target(%arg7 : memref<40x128xi32, #tpu.memory_space<vmem>>) target_semaphore(%run_scoped3A_35 : memref<!tpu.dma_semaphore, #tpu.memory_space<semaphore_mem>>)
      %dma_wait3A = arith.constant 0 : i32
      %dma_wait3A_60 = arith.constant 0 : i32
      %dma_wait3A_61 = arith.constant 0 : i32
      %dma_wait3A_62 = tpu.memref_slice %arg3[%run_scoped3A_1, %dma_wait3A, %dma_wait3A_60, %dma_wait3A_61] : memref<2x32x80x128xi32, #tpu.memory_space<hbm>> -> memref<1x32x80x128xi32, #tpu.memory_space<hbm>>
      %dma_wait3A_63 = tpu.memref_squeeze %dma_wait3A_62 : memref<1x32x80x128xi32, #tpu.memory_space<hbm>> -> memref<32x80x128xi32, #tpu.memory_space<hbm>>
      %dma_wait3A_64 = arith.constant 0 : i32
      %dma_wait3A_65 = arith.constant 0 : i32
      %dma_wait3A_66 = tpu.memref_slice %dma_wait3A_63[%add3A, %dma_wait3A_64, %dma_wait3A_65] : memref<32x80x128xi32, #tpu.memory_space<hbm>> -> memref<1x80x128xi32, #tpu.memory_space<hbm>>
      %dma_wait3A_67 = tpu.memref_squeeze %dma_wait3A_66 : memref<1x80x128xi32, #tpu.memory_space<hbm>> -> memref<80x128xi32, #tpu.memory_space<hbm>>
      %dma_wait3A_68 = arith.constant 0 : i32
      %dma_wait3A_69 = arith.constant 0 : i32
      %dma_wait3A_70 = tpu.memref_slice %dma_wait3A_67[%dma_wait3A_68, %dma_wait3A_69] : memref<80x128xi32, #tpu.memory_space<hbm>> -> memref<40x128xi32, #tpu.memory_space<hbm>>
      %dma_wait3A_71 = arith.constant 0 : i32
      %dma_wait3A_72 = arith.constant 0 : i32
      %dma_wait3A_73 = arith.constant 0 : i32
      %dma_wait3A_74 = tpu.memref_slice %arg3[%run_scoped3A_1, %dma_wait3A_71, %dma_wait3A_72, %dma_wait3A_73] : memref<2x32x80x128xi32, #tpu.memory_space<hbm>> -> memref<1x32x80x128xi32, #tpu.memory_space<hbm>>
      %dma_wait3A_75 = tpu.memref_squeeze %dma_wait3A_74 : memref<1x32x80x128xi32, #tpu.memory_space<hbm>> -> memref<32x80x128xi32, #tpu.memory_space<hbm>>
      %dma_wait3A_76 = arith.constant 0 : i32
      %dma_wait3A_77 = arith.constant 0 : i32
      %dma_wait3A_78 = tpu.memref_slice %dma_wait3A_75[%add3A, %dma_wait3A_76, %dma_wait3A_77] : memref<32x80x128xi32, #tpu.memory_space<hbm>> -> memref<1x80x128xi32, #tpu.memory_space<hbm>>
      %dma_wait3A_79 = tpu.memref_squeeze %dma_wait3A_78 : memref<1x80x128xi32, #tpu.memory_space<hbm>> -> memref<80x128xi32, #tpu.memory_space<hbm>>
      %dma_wait3A_80 = arith.constant 0 : i32
      %dma_wait3A_81 = arith.constant 0 : i32
      %dma_wait3A_82 = tpu.memref_slice %dma_wait3A_79[%dma_wait3A_80, %dma_wait3A_81] : memref<80x128xi32, #tpu.memory_space<hbm>> -> memref<40x128xi32, #tpu.memory_space<hbm>>
      tpu.wait_dma2 semaphore(%run_scoped3A_35 : memref<!tpu.dma_semaphore, #tpu.memory_space<semaphore_mem>>) src(%dma_wait3A_82 : memref<40x128xi32, #tpu.memory_space<hbm>>) dst(%arg7 : memref<40x128xi32, #tpu.memory_space<vmem>>)
      tpu.yield
    }) : () -> ()
    %dma_start3A = arith.constant 0 : i32
    %dma_start3A_2 = arith.constant 0 : i32
    %dma_start3A_3 = arith.constant 0 : i32
    %dma_start3A_4 = arith.constant 0 : i32
    %dma_start3A_5 = tpu.memref_slice %arg8[%dma_start3A_2, %dma_start3A_3, %dma_start3A_4] : memref<2x128x128xf32, #tpu.memory_space<vmem>> -> memref<1x128x128xf32, #tpu.memory_space<vmem>>
    %dma_start3A_6 = tpu.memref_squeeze %dma_start3A_5 : memref<1x128x128xf32, #tpu.memory_space<vmem>> -> memref<128x128xf32, #tpu.memory_space<vmem>>
    %dma_start3A_7 = arith.constant 0 : i32
    %dma_start3A_8 = tpu.memref_slice %arg6[%dma_start3A, %dma_start3A_7] : memref<40x128xi32, #tpu.memory_space<vmem>> -> memref<1x128xi32, #tpu.memory_space<vmem>>
    %dma_start3A_9 = tpu.memref_squeeze %dma_start3A_8 : memref<1x128xi32, #tpu.memory_space<vmem>> -> memref<128xi32, #tpu.memory_space<vmem>>
    %dma_start3A_10 = arith.constant 0 : i32
    %dma_start3A_11 = arith.constant 0 : i32
    %dma_start3A_12 = tpu.memref_slice %arg2[%dma_start3A_10, %dma_start3A_11] : memref<10000x128xf32, #tpu.memory_space<hbm>> -> memref<10000x128xf32, #tpu.memory_space<hbm>>
    tpu.enqueue_indirect_dma source(%dma_start3A_12 : memref<10000x128xf32, #tpu.memory_space<hbm>>) target(%dma_start3A_6 : memref<128x128xf32, #tpu.memory_space<vmem>>) offsets(%dma_start3A_9 : memref<128xi32, #tpu.memory_space<vmem>>) semaphore(%arg10 : memref<!tpu.dma_semaphore, #tpu.memory_space<semaphore_mem>>)
    %broadcast_in_dim3A = arith.constant 0.000000e+00 : f32
    %broadcast_in_dim3A_13 = vector.broadcast %broadcast_in_dim3A : f32 to vector<16xf32>
    %scan3A = arith.constant 0 : i32
    %scan3A_14 = arith.constant 40 : i32
    %scan3A_15 = arith.addi %scan3A, %scan3A_14 : i32
    %scan3A_16 = arith.constant 1 : i32
    scf.for %scan3A_35 = %scan3A to %scan3A_15 step %scan3A_16  : i32 {
      %mul3A_36 = arith.constant 1 : i32
      %mul3A_37 = arith.muli %scan3A_35, %mul3A_36 : i32
      %add3A_38 = arith.constant 0 : i32
      %add3A_39 = arith.addi %add3A_38, %mul3A_37 : i32
      %scan3A_40 = arith.constant 0 : i32
      %scan3A_41 = arith.constant 8 : i32
      %scan3A_42 = arith.addi %scan3A_40, %scan3A_41 : i32
      %scan3A_43 = arith.constant 1 : i32
      scf.for %scan3A_45 = %scan3A_40 to %scan3A_42 step %scan3A_43  : i32 {
        %mul3A_46 = arith.constant 1 : i32
        %mul3A_47 = arith.muli %scan3A_45, %mul3A_46 : i32
        %add3A_48 = arith.constant 0 : i32
        %add3A_49 = arith.addi %add3A_48, %mul3A_47 : i32
        %mul3A_50 = arith.constant 16 : i32
        %mul3A_51 = arith.muli %add3A_49, %mul3A_50 : i32
        %swap3A = arith.index_cast %add3A_39 : i32 to index
        %swap3A_52 = arith.index_cast %mul3A_51 : i32 to index
        %swap3A_53 = tpu.vector_load %arg9[%swap3A, %swap3A_52] {strides = array<i32>} : memref<40x128xf32, #tpu.memory_space<vmem>>, vector<1x16xf32>,
        %swap3A_54 = vector.shape_cast %swap3A_53 : vector<1x16xf32> to vector<16xf32>
        %swap3A_55 = vector.shape_cast %broadcast_in_dim3A_13 : vector<16xf32> to vector<1x16xf32>
        tpu.vector_store %arg9[%swap3A, %swap3A_52], %swap3A_55 {strides = array<i32>} : memref<40x128xf32, #tpu.memory_space<vmem>>, vector<1x16xf32>,
      }
      %scan3A_44 = arith.constant 8 : i32
    }
    %scan3A_17 = arith.constant 40 : i32
    %scan3A_18 = arith.constant 0 : i32
    %scan3A_19 = arith.constant 16 : i32
    %scan3A_20 = arith.addi %scan3A_18, %scan3A_19 : i32
    %scan3A_21 = arith.constant 1 : i32
    scf.for %scan3A_35 = %scan3A_18 to %scan3A_20 step %scan3A_21  : i32 {
      %mul3A_36 = arith.constant 1 : i32
      %mul3A_37 = arith.muli %scan3A_35, %mul3A_36 : i32
      %add3A_38 = arith.constant 0 : i32
      %add3A_39 = arith.addi %add3A_38, %mul3A_37 : i32
      %mul3A_40 = arith.constant 640 : i32
      %mul3A_41 = arith.muli %arg1, %mul3A_40 : i32
      %mul3A_42 = arith.constant 40 : i32
      %mul3A_43 = arith.muli %add3A_39, %mul3A_42 : i32
      %add3A_44 = arith.addi %mul3A_41, %mul3A_43 : i32
      "tpu.region"() ({
        %run_scoped3A_45 = tpu.sem_alloc : memref<!tpu.dma_semaphore, #tpu.memory_space<semaphore_mem>>
        %dma_start3A_46 = arith.constant 0 : i32
        %dma_start3A_47 = tpu.memref_slice %arg5[%add3A_44, %dma_start3A_46] : memref<10240x128xf32, #tpu.memory_space<vmem_shared>> -> memref<40x128xf32, #tpu.memory_space<vmem_shared>>
        %dma_start3A_48 = arith.constant 0 : i32
        %dma_start3A_49 = tpu.memref_slice %arg5[%add3A_44, %dma_start3A_48] : memref<10240x128xf32, #tpu.memory_space<vmem_shared>> -> memref<40x128xf32, #tpu.memory_space<vmem_shared>>
        tpu.enqueue_dma source(%arg9 : memref<40x128xf32, #tpu.memory_space<vmem>>) target(%dma_start3A_49 : memref<40x128xf32, #tpu.memory_space<vmem_shared>>) target_semaphore(%run_scoped3A_45 : memref<!tpu.dma_semaphore, #tpu.memory_space<semaphore_mem>>)
        %dma_wait3A = arith.constant 0 : i32
        %dma_wait3A_50 = tpu.memref_slice %arg5[%add3A_44, %dma_wait3A] : memref<10240x128xf32, #tpu.memory_space<vmem_shared>> -> memref<40x128xf32, #tpu.memory_space<vmem_shared>>
        %dma_wait3A_51 = arith.constant 0 : i32
        %dma_wait3A_52 = tpu.memref_slice %arg5[%add3A_44, %dma_wait3A_51] : memref<10240x128xf32, #tpu.memory_space<vmem_shared>> -> memref<40x128xf32, #tpu.memory_space<vmem_shared>>
        tpu.wait_dma2 semaphore(%run_scoped3A_45 : memref<!tpu.dma_semaphore, #tpu.memory_space<semaphore_mem>>) src(%arg9 : memref<40x128xf32, #tpu.memory_space<vmem>>) dst(%dma_wait3A_52 : memref<40x128xf32, #tpu.memory_space<vmem_shared>>)
        tpu.yield
      }) : () -> ()
    }
    %scan3A_22 = arith.constant 16 : i32
    %barrier3A = arith.constant 0 : index
    tpu.barrier barrier_id(%barrier3A)
    %scan3A_23 = arith.constant 0 : i32
    %scan3A_24 = arith.constant 1 : i32
    %scan3A_25 = arith.constant 0 : i32
    %scan3A_26 = arith.constant 2 : i32
    %scan3A_27 = arith.addi %scan3A_25, %scan3A_26 : i32
    %scan3A_28 = arith.constant 1 : i32
    scf.for %scan3A_35 = %scan3A_25 to %scan3A_27 step %scan3A_28  : i32 {
      %mul3A_36 = arith.constant 1 : i32
      %mul3A_37 = arith.muli %scan3A_35, %mul3A_36 : i32
      %add3A_38 = arith.constant 0 : i32
      %add3A_39 = arith.addi %add3A_38, %mul3A_37 : i32
      %gt3A = arith.constant 0 : i32
      %gt3A_40 = arith.cmpi sgt, %add3A_39, %gt3A : i32
      %convert_element_type3A = arith.extui %gt3A_40 : i1 to i32
      %cond3A = arith.constant 0 : i32
      %cond3A_41 = arith.cmpi ne, %convert_element_type3A, %cond3A : i32
      scf.if %cond3A_41 {
        %mul3A_47 = arith.constant 40 : i32
        %mul3A_48 = arith.muli %add3A_39, %mul3A_47 : i32
        %run_scoped3A_49 = arith.constant 0 : i32
        "tpu.region"() ({
          %run_scoped3A_64 = tpu.sem_alloc : memref<!tpu.dma_semaphore, #tpu.memory_space<semaphore_mem>>
          %dma_start3A_65 = arith.constant 0 : i32
          %dma_start3A_66 = arith.constant 0 : i32
          %dma_start3A_67 = arith.constant 0 : i32
          %dma_start3A_68 = tpu.memref_slice %arg3[%run_scoped3A_49, %dma_start3A_65, %dma_start3A_66, %dma_start3A_67] : memref<2x32x80x128xi32, #tpu.memory_space<hbm>> -> memref<1x32x80x128xi32, #tpu.memory_space<hbm>>
          %dma_start3A_69 = tpu.memref_squeeze %dma_start3A_68 : memref<1x32x80x128xi32, #tpu.memory_space<hbm>> -> memref<32x80x128xi32, #tpu.memory_space<hbm>>
          %dma_start3A_70 = arith.constant 0 : i32
          %dma_start3A_71 = arith.constant 0 : i32
          %dma_start3A_72 = tpu.memref_slice %dma_start3A_69[%add3A, %dma_start3A_70, %dma_start3A_71] : memref<32x80x128xi32, #tpu.memory_space<hbm>> -> memref<1x80x128xi32, #tpu.memory_space<hbm>>
          %dma_start3A_73 = tpu.memref_squeeze %dma_start3A_72 : memref<1x80x128xi32, #tpu.memory_space<hbm>> -> memref<80x128xi32, #tpu.memory_space<hbm>>
          %dma_start3A_74 = arith.constant 0 : i32
          %dma_start3A_75 = tpu.memref_slice %dma_start3A_73[%mul3A_48, %dma_start3A_74] : memref<80x128xi32, #tpu.memory_space<hbm>> -> memref<40x128xi32, #tpu.memory_space<hbm>>
          %dma_start3A_76 = arith.constant 0 : i32
          %dma_start3A_77 = arith.constant 0 : i32
          %dma_start3A_78 = arith.constant 0 : i32
          %dma_start3A_79 = tpu.memref_slice %arg3[%run_scoped3A_49, %dma_start3A_76, %dma_start3A_77, %dma_start3A_78] : memref<2x32x80x128xi32, #tpu.memory_space<hbm>> -> memref<1x32x80x128xi32, #tpu.memory_space<hbm>>
          %dma_start3A_80 = tpu.memref_squeeze %dma_start3A_79 : memref<1x32x80x128xi32, #tpu.memory_space<hbm>> -> memref<32x80x128xi32, #tpu.memory_space<hbm>>
          %dma_start3A_81 = arith.constant 0 : i32
          %dma_start3A_82 = arith.constant 0 : i32
          %dma_start3A_83 = tpu.memref_slice %dma_start3A_80[%add3A, %dma_start3A_81, %dma_start3A_82] : memref<32x80x128xi32, #tpu.memory_space<hbm>> -> memref<1x80x128xi32, #tpu.memory_space<hbm>>
          %dma_start3A_84 = tpu.memref_squeeze %dma_start3A_83 : memref<1x80x128xi32, #tpu.memory_space<hbm>> -> memref<80x128xi32, #tpu.memory_space<hbm>>
          %dma_start3A_85 = arith.constant 0 : i32
          %dma_start3A_86 = tpu.memref_slice %dma_start3A_84[%mul3A_48, %dma_start3A_85] : memref<80x128xi32, #tpu.memory_space<hbm>> -> memref<40x128xi32, #tpu.memory_space<hbm>>
          tpu.enqueue_dma source(%dma_start3A_86 : memref<40x128xi32, #tpu.memory_space<hbm>>) target(%arg6 : memref<40x128xi32, #tpu.memory_space<vmem>>) target_semaphore(%run_scoped3A_64 : memref<!tpu.dma_semaphore, #tpu.memory_space<semaphore_mem>>)
          %dma_wait3A = arith.constant 0 : i32
          %dma_wait3A_87 = arith.constant 0 : i32
          %dma_wait3A_88 = arith.constant 0 : i32
          %dma_wait3A_89 = tpu.memref_slice %arg3[%run_scoped3A_49, %dma_wait3A, %dma_wait3A_87, %dma_wait3A_88] : memref<2x32x80x128xi32, #tpu.memory_space<hbm>> -> memref<1x32x80x128xi32, #tpu.memory_space<hbm>>
          %dma_wait3A_90 = tpu.memref_squeeze %dma_wait3A_89 : memref<1x32x80x128xi32, #tpu.memory_space<hbm>> -> memref<32x80x128xi32, #tpu.memory_space<hbm>>
          %dma_wait3A_91 = arith.constant 0 : i32
          %dma_wait3A_92 = arith.constant 0 : i32
          %dma_wait3A_93 = tpu.memref_slice %dma_wait3A_90[%add3A, %dma_wait3A_91, %dma_wait3A_92] : memref<32x80x128xi32, #tpu.memory_space<hbm>> -> memref<1x80x128xi32, #tpu.memory_space<hbm>>
          %dma_wait3A_94 = tpu.memref_squeeze %dma_wait3A_93 : memref<1x80x128xi32, #tpu.memory_space<hbm>> -> memref<80x128xi32, #tpu.memory_space<hbm>>
          %dma_wait3A_95 = arith.constant 0 : i32
          %dma_wait3A_96 = tpu.memref_slice %dma_wait3A_94[%mul3A_48, %dma_wait3A_95] : memref<80x128xi32, #tpu.memory_space<hbm>> -> memref<40x128xi32, #tpu.memory_space<hbm>>
          %dma_wait3A_97 = arith.constant 0 : i32
          %dma_wait3A_98 = arith.constant 0 : i32
          %dma_wait3A_99 = arith.constant 0 : i32
          %dma_wait3A_100 = tpu.memref_slice %arg3[%run_scoped3A_49, %dma_wait3A_97, %dma_wait3A_98, %dma_wait3A_99] : memref<2x32x80x128xi32, #tpu.memory_space<hbm>> -> memref<1x32x80x128xi32, #tpu.memory_space<hbm>>
          %dma_wait3A_101 = tpu.memref_squeeze %dma_wait3A_100 : memref<1x32x80x128xi32, #tpu.memory_space<hbm>> -> memref<32x80x128xi32, #tpu.memory_space<hbm>>
          %dma_wait3A_102 = arith.constant 0 : i32
          %dma_wait3A_103 = arith.constant 0 : i32
          %dma_wait3A_104 = tpu.memref_slice %dma_wait3A_101[%add3A, %dma_wait3A_102, %dma_wait3A_103] : memref<32x80x128xi32, #tpu.memory_space<hbm>> -> memref<1x80x128xi32, #tpu.memory_space<hbm>>
          %dma_wait3A_105 = tpu.memref_squeeze %dma_wait3A_104 : memref<1x80x128xi32, #tpu.memory_space<hbm>> -> memref<80x128xi32, #tpu.memory_space<hbm>>
          %dma_wait3A_106 = arith.constant 0 : i32
          %dma_wait3A_107 = tpu.memref_slice %dma_wait3A_105[%mul3A_48, %dma_wait3A_106] : memref<80x128xi32, #tpu.memory_space<hbm>> -> memref<40x128xi32, #tpu.memory_space<hbm>>
          tpu.wait_dma2 semaphore(%run_scoped3A_64 : memref<!tpu.dma_semaphore, #tpu.memory_space<semaphore_mem>>) src(%dma_wait3A_107 : memref<40x128xi32, #tpu.memory_space<hbm>>) dst(%arg6 : memref<40x128xi32, #tpu.memory_space<vmem>>)
          tpu.yield
        }) : () -> ()
        %mul3A_50 = arith.constant 40 : i32
        %mul3A_51 = arith.muli %add3A_39, %mul3A_50 : i32
        %run_scoped3A_52 = arith.constant 1 : i32
        "tpu.region"() ({
          %run_scoped3A_64 = tpu.sem_alloc : memref<!tpu.dma_semaphore, #tpu.memory_space<semaphore_mem>>
          %dma_start3A_65 = arith.constant 0 : i32
          %dma_start3A_66 = arith.constant 0 : i32
          %dma_start3A_67 = arith.constant 0 : i32
          %dma_start3A_68 = tpu.memref_slice %arg3[%run_scoped3A_52, %dma_start3A_65, %dma_start3A_66, %dma_start3A_67] : memref<2x32x80x128xi32, #tpu.memory_space<hbm>> -> memref<1x32x80x128xi32, #tpu.memory_space<hbm>>
          %dma_start3A_69 = tpu.memref_squeeze %dma_start3A_68 : memref<1x32x80x128xi32, #tpu.memory_space<hbm>> -> memref<32x80x128xi32, #tpu.memory_space<hbm>>
          %dma_start3A_70 = arith.constant 0 : i32
          %dma_start3A_71 = arith.constant 0 : i32
          %dma_start3A_72 = tpu.memref_slice %dma_start3A_69[%add3A, %dma_start3A_70, %dma_start3A_71] : memref<32x80x128xi32, #tpu.memory_space<hbm>> -> memref<1x80x128xi32, #tpu.memory_space<hbm>>
          %dma_start3A_73 = tpu.memref_squeeze %dma_start3A_72 : memref<1x80x128xi32, #tpu.memory_space<hbm>> -> memref<80x128xi32, #tpu.memory_space<hbm>>
          %dma_start3A_74 = arith.constant 0 : i32
          %dma_start3A_75 = tpu.memref_slice %dma_start3A_73[%mul3A_51, %dma_start3A_74] : memref<80x128xi32, #tpu.memory_space<hbm>> -> memref<40x128xi32, #tpu.memory_space<hbm>>
          %dma_start3A_76 = arith.constant 0 : i32
          %dma_start3A_77 = arith.constant 0 : i32
          %dma_start3A_78 = arith.constant 0 : i32
          %dma_start3A_79 = tpu.memref_slice %arg3[%run_scoped3A_52, %dma_start3A_76, %dma_start3A_77, %dma_start3A_78] : memref<2x32x80x128xi32, #tpu.memory_space<hbm>> -> memref<1x32x80x128xi32, #tpu.memory_space<hbm>>
          %dma_start3A_80 = tpu.memref_squeeze %dma_start3A_79 : memref<1x32x80x128xi32, #tpu.memory_space<hbm>> -> memref<32x80x128xi32, #tpu.memory_space<hbm>>
          %dma_start3A_81 = arith.constant 0 : i32
          %dma_start3A_82 = arith.constant 0 : i32
          %dma_start3A_83 = tpu.memref_slice %dma_start3A_80[%add3A, %dma_start3A_81, %dma_start3A_82] : memref<32x80x128xi32, #tpu.memory_space<hbm>> -> memref<1x80x128xi32, #tpu.memory_space<hbm>>
          %dma_start3A_84 = tpu.memref_squeeze %dma_start3A_83 : memref<1x80x128xi32, #tpu.memory_space<hbm>> -> memref<80x128xi32, #tpu.memory_space<hbm>>
          %dma_start3A_85 = arith.constant 0 : i32
          %dma_start3A_86 = tpu.memref_slice %dma_start3A_84[%mul3A_51, %dma_start3A_85] : memref<80x128xi32, #tpu.memory_space<hbm>> -> memref<40x128xi32, #tpu.memory_space<hbm>>
          tpu.enqueue_dma source(%dma_start3A_86 : memref<40x128xi32, #tpu.memory_space<hbm>>) target(%arg7 : memref<40x128xi32, #tpu.memory_space<vmem>>) target_semaphore(%run_scoped3A_64 : memref<!tpu.dma_semaphore, #tpu.memory_space<semaphore_mem>>)
          %dma_wait3A = arith.constant 0 : i32
          %dma_wait3A_87 = arith.constant 0 : i32
          %dma_wait3A_88 = arith.constant 0 : i32
          %dma_wait3A_89 = tpu.memref_slice %arg3[%run_scoped3A_52, %dma_wait3A, %dma_wait3A_87, %dma_wait3A_88] : memref<2x32x80x128xi32, #tpu.memory_space<hbm>> -> memref<1x32x80x128xi32, #tpu.memory_space<hbm>>
          %dma_wait3A_90 = tpu.memref_squeeze %dma_wait3A_89 : memref<1x32x80x128xi32, #tpu.memory_space<hbm>> -> memref<32x80x128xi32, #tpu.memory_space<hbm>>
          %dma_wait3A_91 = arith.constant 0 : i32
          %dma_wait3A_92 = arith.constant 0 : i32
          %dma_wait3A_93 = tpu.memref_slice %dma_wait3A_90[%add3A, %dma_wait3A_91, %dma_wait3A_92] : memref<32x80x128xi32, #tpu.memory_space<hbm>> -> memref<1x80x128xi32, #tpu.memory_space<hbm>>
          %dma_wait3A_94 = tpu.memref_squeeze %dma_wait3A_93 : memref<1x80x128xi32, #tpu.memory_space<hbm>> -> memref<80x128xi32, #tpu.memory_space<hbm>>
          %dma_wait3A_95 = arith.constant 0 : i32
          %dma_wait3A_96 = tpu.memref_slice %dma_wait3A_94[%mul3A_51, %dma_wait3A_95] : memref<80x128xi32, #tpu.memory_space<hbm>> -> memref<40x128xi32, #tpu.memory_space<hbm>>
          %dma_wait3A_97 = arith.constant 0 : i32
          %dma_wait3A_98 = arith.constant 0 : i32
          %dma_wait3A_99 = arith.constant 0 : i32
          %dma_wait3A_100 = tpu.memref_slice %arg3[%run_scoped3A_52, %dma_wait3A_97, %dma_wait3A_98, %dma_wait3A_99] : memref<2x32x80x128xi32, #tpu.memory_space<hbm>> -> memref<1x32x80x128xi32, #tpu.memory_space<hbm>>
          %dma_wait3A_101 = tpu.memref_squeeze %dma_wait3A_100 : memref<1x32x80x128xi32, #tpu.memory_space<hbm>> -> memref<32x80x128xi32, #tpu.memory_space<hbm>>
          %dma_wait3A_102 = arith.constant 0 : i32
          %dma_wait3A_103 = arith.constant 0 : i32
          %dma_wait3A_104 = tpu.memref_slice %dma_wait3A_101[%add3A, %dma_wait3A_102, %dma_wait3A_103] : memref<32x80x128xi32, #tpu.memory_space<hbm>> -> memref<1x80x128xi32, #tpu.memory_space<hbm>>
          %dma_wait3A_105 = tpu.memref_squeeze %dma_wait3A_104 : memref<1x80x128xi32, #tpu.memory_space<hbm>> -> memref<80x128xi32, #tpu.memory_space<hbm>>
          %dma_wait3A_106 = arith.constant 0 : i32
          %dma_wait3A_107 = tpu.memref_slice %dma_wait3A_105[%mul3A_51, %dma_wait3A_106] : memref<80x128xi32, #tpu.memory_space<hbm>> -> memref<40x128xi32, #tpu.memory_space<hbm>>
          tpu.wait_dma2 semaphore(%run_scoped3A_64 : memref<!tpu.dma_semaphore, #tpu.memory_space<semaphore_mem>>) src(%dma_wait3A_107 : memref<40x128xi32, #tpu.memory_space<hbm>>) dst(%arg7 : memref<40x128xi32, #tpu.memory_space<vmem>>)
          tpu.yield
        }) : () -> ()
        %dma_start3A_53 = arith.constant 0 : i32
        %dma_start3A_54 = arith.constant 0 : i32
        %dma_start3A_55 = arith.constant 0 : i32
        %dma_start3A_56 = tpu.memref_slice %arg8[%scan3A_23, %dma_start3A_54, %dma_start3A_55] : memref<2x128x128xf32, #tpu.memory_space<vmem>> -> memref<1x128x128xf32, #tpu.memory_space<vmem>>
        %dma_start3A_57 = tpu.memref_squeeze %dma_start3A_56 : memref<1x128x128xf32, #tpu.memory_space<vmem>> -> memref<128x128xf32, #tpu.memory_space<vmem>>
        %dma_start3A_58 = arith.constant 0 : i32
        %dma_start3A_59 = tpu.memref_slice %arg6[%dma_start3A_53, %dma_start3A_58] : memref<40x128xi32, #tpu.memory_space<vmem>> -> memref<1x128xi32, #tpu.memory_space<vmem>>
        %dma_start3A_60 = tpu.memref_squeeze %dma_start3A_59 : memref<1x128xi32, #tpu.memory_space<vmem>> -> memref<128xi32, #tpu.memory_space<vmem>>
        %dma_start3A_61 = arith.constant 0 : i32
        %dma_start3A_62 = arith.constant 0 : i32
        %dma_start3A_63 = tpu.memref_slice %arg2[%dma_start3A_61, %dma_start3A_62] : memref<10000x128xf32, #tpu.memory_space<hbm>> -> memref<10000x128xf32, #tpu.memory_space<hbm>>
        tpu.enqueue_indirect_dma source(%dma_start3A_63 : memref<10000x128xf32, #tpu.memory_space<hbm>>) target(%dma_start3A_57 : memref<128x128xf32, #tpu.memory_space<vmem>>) offsets(%dma_start3A_60 : memref<128xi32, #tpu.memory_space<vmem>>) semaphore(%arg10 : memref<!tpu.dma_semaphore, #tpu.memory_space<semaphore_mem>>)
      } else {
      }
      %scan3A_42 = arith.constant 0 : i32
      %scan3A_43 = arith.constant 20 : i32
      %scan3A_44 = arith.addi %scan3A_42, %scan3A_43 : i32
      %scan3A_45 = arith.constant 1 : i32
      scf.for %scan3A_47 = %scan3A_42 to %scan3A_44 step %scan3A_45  : i32 {
        %mul3A_48 = arith.constant 1 : i32
        %mul3A_49 = arith.muli %scan3A_47, %mul3A_48 : i32
        %add3A_50 = arith.constant 0 : i32
        %add3A_51 = arith.addi %add3A_50, %mul3A_49 : i32
        %mul3A_52 = arith.constant 2 : i32
        %mul3A_53 = arith.muli %mul3A_52, %add3A_51 : i32
        %add3A_54 = arith.constant 1 : i32
        %add3A_55 = arith.addi %mul3A_53, %add3A_54 : i32
        %dma_start3A_56 = arith.constant 0 : i32
        %dma_start3A_57 = arith.constant 0 : i32
        %dma_start3A_58 = tpu.memref_slice %arg8[%scan3A_24, %dma_start3A_56, %dma_start3A_57] : memref<2x128x128xf32, #tpu.memory_space<vmem>> -> memref<1x128x128xf32, #tpu.memory_space<vmem>>
        %dma_start3A_59 = tpu.memref_squeeze %dma_start3A_58 : memref<1x128x128xf32, #tpu.memory_space<vmem>> -> memref<128x128xf32, #tpu.memory_space<vmem>>
        %dma_start3A_60 = arith.constant 0 : i32
        %dma_start3A_61 = tpu.memref_slice %arg6[%add3A_55, %dma_start3A_60] : memref<40x128xi32, #tpu.memory_space<vmem>> -> memref<1x128xi32, #tpu.memory_space<vmem>>
        %dma_start3A_62 = tpu.memref_squeeze %dma_start3A_61 : memref<1x128xi32, #tpu.memory_space<vmem>> -> memref<128xi32, #tpu.memory_space<vmem>>
        %dma_start3A_63 = arith.constant 0 : i32
        %dma_start3A_64 = arith.constant 0 : i32
        %dma_start3A_65 = tpu.memref_slice %arg2[%dma_start3A_63, %dma_start3A_64] : memref<10000x128xf32, #tpu.memory_space<hbm>> -> memref<10000x128xf32, #tpu.memory_space<hbm>>
        tpu.enqueue_indirect_dma source(%dma_start3A_65 : memref<10000x128xf32, #tpu.memory_space<hbm>>) target(%dma_start3A_59 : memref<128x128xf32, #tpu.memory_space<vmem>>) offsets(%dma_start3A_62 : memref<128xi32, #tpu.memory_space<vmem>>) semaphore(%arg11 : memref<!tpu.dma_semaphore, #tpu.memory_space<semaphore_mem>>)
        %dma_wait3A = arith.constant 0 : i32
        %dma_wait3A_66 = arith.constant 0 : i32
        %dma_wait3A_67 = tpu.memref_slice %arg8[%scan3A_23, %dma_wait3A, %dma_wait3A_66] : memref<2x128x128xf32, #tpu.memory_space<vmem>> -> memref<1x128x128xf32, #tpu.memory_space<vmem>>
        %dma_wait3A_68 = tpu.memref_squeeze %dma_wait3A_67 : memref<1x128x128xf32, #tpu.memory_space<vmem>> -> memref<128x128xf32, #tpu.memory_space<vmem>>
        %dma_wait3A_69 = arith.constant 0 : i32
        %dma_wait3A_70 = tpu.memref_slice %arg6[%mul3A_53, %dma_wait3A_69] : memref<40x128xi32, #tpu.memory_space<vmem>> -> memref<1x128xi32, #tpu.memory_space<vmem>>
        %dma_wait3A_71 = tpu.memref_squeeze %dma_wait3A_70 : memref<1x128xi32, #tpu.memory_space<vmem>> -> memref<128xi32, #tpu.memory_space<vmem>>
        %dma_wait3A_72 = arith.constant 0 : i32
        %dma_wait3A_73 = arith.constant 0 : i32
        %dma_wait3A_74 = tpu.memref_slice %arg2[%dma_wait3A_72, %dma_wait3A_73] : memref<10000x128xf32, #tpu.memory_space<hbm>> -> memref<10000x128xf32, #tpu.memory_space<hbm>>
        tpu.wait_indirect_dma semaphore(%arg10 : memref<!tpu.dma_semaphore, #tpu.memory_space<semaphore_mem>>) src(%dma_wait3A_74 : memref<10000x128xf32, #tpu.memory_space<hbm>>) dst(%dma_wait3A_68 : memref<128x128xf32, #tpu.memory_space<vmem>>)
        "tpu.region"() ({
          %run_scoped3A_95 = tpu.sem_alloc : memref<!tpu.dma_semaphore, #tpu.memory_space<semaphore_mem>>
          %dma_start3A_96 = arith.constant 0 : i32
          %dma_start3A_97 = arith.constant 0 : i32
          %dma_start3A_98 = tpu.memref_slice %arg8[%scan3A_23, %dma_start3A_96, %dma_start3A_97] : memref<2x128x128xf32, #tpu.memory_space<vmem>> -> memref<1x128x128xf32, #tpu.memory_space<vmem>>
          %dma_start3A_99 = tpu.memref_squeeze %dma_start3A_98 : memref<1x128x128xf32, #tpu.memory_space<vmem>> -> memref<128x128xf32, #tpu.memory_space<vmem>>
          %dma_start3A_100 = arith.constant 0 : i32
          %dma_start3A_101 = tpu.memref_slice %arg7[%mul3A_53, %dma_start3A_100] : memref<40x128xi32, #tpu.memory_space<vmem>> -> memref<1x128xi32, #tpu.memory_space<vmem>>
          %dma_start3A_102 = tpu.memref_squeeze %dma_start3A_101 : memref<1x128xi32, #tpu.memory_space<vmem>> -> memref<128xi32, #tpu.memory_space<vmem>>
          %dma_start3A_103 = arith.constant 0 : i32
          %dma_start3A_104 = arith.constant 0 : i32
          %dma_start3A_105 = tpu.memref_slice %arg5[%dma_start3A_103, %dma_start3A_104] : memref<10240x128xf32, #tpu.memory_space<vmem_shared>> -> memref<10240x128xf32, #tpu.memory_space<vmem_shared>>
          tpu.enqueue_indirect_dma source(%dma_start3A_99 : memref<128x128xf32, #tpu.memory_space<vmem>>) target(%dma_start3A_105 : memref<10240x128xf32, #tpu.memory_space<vmem_shared>>) offsets(%dma_start3A_102 : memref<128xi32, #tpu.memory_space<vmem>>) semaphore(%run_scoped3A_95 : memref<!tpu.dma_semaphore, #tpu.memory_space<semaphore_mem>>) {add = true}
          %dma_wait3A_106 = arith.constant 0 : i32
          %dma_wait3A_107 = arith.constant 0 : i32
          %dma_wait3A_108 = tpu.memref_slice %arg8[%scan3A_23, %dma_wait3A_106, %dma_wait3A_107] : memref<2x128x128xf32, #tpu.memory_space<vmem>> -> memref<1x128x128xf32, #tpu.memory_space<vmem>>
          %dma_wait3A_109 = tpu.memref_squeeze %dma_wait3A_108 : memref<1x128x128xf32, #tpu.memory_space<vmem>> -> memref<128x128xf32, #tpu.memory_space<vmem>>
          %dma_wait3A_110 = arith.constant 0 : i32
          %dma_wait3A_111 = tpu.memref_slice %arg7[%mul3A_53, %dma_wait3A_110] : memref<40x128xi32, #tpu.memory_space<vmem>> -> memref<1x128xi32, #tpu.memory_space<vmem>>
          %dma_wait3A_112 = tpu.memref_squeeze %dma_wait3A_111 : memref<1x128xi32, #tpu.memory_space<vmem>> -> memref<128xi32, #tpu.memory_space<vmem>>
          %dma_wait3A_113 = arith.constant 0 : i32
          %dma_wait3A_114 = arith.constant 0 : i32
          %dma_wait3A_115 = tpu.memref_slice %arg5[%dma_wait3A_113, %dma_wait3A_114] : memref<10240x128xf32, #tpu.memory_space<vmem_shared>> -> memref<10240x128xf32, #tpu.memory_space<vmem_shared>>
          tpu.wait_indirect_dma semaphore(%run_scoped3A_95 : memref<!tpu.dma_semaphore, #tpu.memory_space<semaphore_mem>>) src(%dma_wait3A_109 : memref<128x128xf32, #tpu.memory_space<vmem>>) dst(%dma_wait3A_115 : memref<10240x128xf32, #tpu.memory_space<vmem_shared>>)
          tpu.yield
        }) : () -> ()
        %add3A_75 = arith.constant 2 : i32
        %add3A_76 = arith.addi %mul3A_53, %add3A_75 : i32
        %lt3A = arith.constant 40 : i32
        %lt3A_77 = arith.cmpi slt, %add3A_76, %lt3A : i32
        %convert_element_type3A_78 = arith.extui %lt3A_77 : i1 to i32
        %cond3A_79 = arith.constant 0 : i32
        %cond3A_80 = arith.cmpi ne, %convert_element_type3A_78, %cond3A_79 : i32
        scf.if %cond3A_80 {
          %add3A_95 = arith.constant 2 : i32
          %add3A_96 = arith.addi %mul3A_53, %add3A_95 : i32
          %dma_start3A_97 = arith.constant 0 : i32
          %dma_start3A_98 = arith.constant 0 : i32
          %dma_start3A_99 = tpu.memref_slice %arg8[%scan3A_23, %dma_start3A_97, %dma_start3A_98] : memref<2x128x128xf32, #tpu.memory_space<vmem>> -> memref<1x128x128xf32, #tpu.memory_space<vmem>>
          %dma_start3A_100 = tpu.memref_squeeze %dma_start3A_99 : memref<1x128x128xf32, #tpu.memory_space<vmem>> -> memref<128x128xf32, #tpu.memory_space<vmem>>
          %dma_start3A_101 = arith.constant 0 : i32
          %dma_start3A_102 = tpu.memref_slice %arg6[%add3A_96, %dma_start3A_101] : memref<40x128xi32, #tpu.memory_space<vmem>> -> memref<1x128xi32, #tpu.memory_space<vmem>>
          %dma_start3A_103 = tpu.memref_squeeze %dma_start3A_102 : memref<1x128xi32, #tpu.memory_space<vmem>> -> memref<128xi32, #tpu.memory_space<vmem>>
          %dma_start3A_104 = arith.constant 0 : i32
          %dma_start3A_105 = arith.constant 0 : i32
          %dma_start3A_106 = tpu.memref_slice %arg2[%dma_start3A_104, %dma_start3A_105] : memref<10000x128xf32, #tpu.memory_space<hbm>> -> memref<10000x128xf32, #tpu.memory_space<hbm>>
          tpu.enqueue_indirect_dma source(%dma_start3A_106 : memref<10000x128xf32, #tpu.memory_space<hbm>>) target(%dma_start3A_100 : memref<128x128xf32, #tpu.memory_space<vmem>>) offsets(%dma_start3A_103 : memref<128xi32, #tpu.memory_space<vmem>>) semaphore(%arg10 : memref<!tpu.dma_semaphore, #tpu.memory_space<semaphore_mem>>)
        } else {
        }
        %add3A_81 = arith.constant 1 : i32
        %add3A_82 = arith.addi %mul3A_53, %add3A_81 : i32
        %dma_wait3A_83 = arith.constant 0 : i32
        %dma_wait3A_84 = arith.constant 0 : i32
        %dma_wait3A_85 = tpu.memref_slice %arg8[%scan3A_24, %dma_wait3A_83, %dma_wait3A_84] : memref<2x128x128xf32, #tpu.memory_space<vmem>> -> memref<1x128x128xf32, #tpu.memory_space<vmem>>
        %dma_wait3A_86 = tpu.memref_squeeze %dma_wait3A_85 : memref<1x128x128xf32, #tpu.memory_space<vmem>> -> memref<128x128xf32, #tpu.memory_space<vmem>>
        %dma_wait3A_87 = arith.constant 0 : i32
        %dma_wait3A_88 = tpu.memref_slice %arg6[%add3A_82, %dma_wait3A_87] : memref<40x128xi32, #tpu.memory_space<vmem>> -> memref<1x128xi32, #tpu.memory_space<vmem>>
        %dma_wait3A_89 = tpu.memref_squeeze %dma_wait3A_88 : memref<1x128xi32, #tpu.memory_space<vmem>> -> memref<128xi32, #tpu.memory_space<vmem>>
        %dma_wait3A_90 = arith.constant 0 : i32
        %dma_wait3A_91 = arith.constant 0 : i32
        %dma_wait3A_92 = tpu.memref_slice %arg2[%dma_wait3A_90, %dma_wait3A_91] : memref<10000x128xf32, #tpu.memory_space<hbm>> -> memref<10000x128xf32, #tpu.memory_space<hbm>>
        tpu.wait_indirect_dma semaphore(%arg11 : memref<!tpu.dma_semaphore, #tpu.memory_space<semaphore_mem>>) src(%dma_wait3A_92 : memref<10000x128xf32, #tpu.memory_space<hbm>>) dst(%dma_wait3A_86 : memref<128x128xf32, #tpu.memory_space<vmem>>)
        %add3A_93 = arith.constant 1 : i32
        %add3A_94 = arith.addi %mul3A_53, %add3A_93 : i32
        "tpu.region"() ({
          %run_scoped3A_95 = tpu.sem_alloc : memref<!tpu.dma_semaphore, #tpu.memory_space<semaphore_mem>>
          %dma_start3A_96 = arith.constant 0 : i32
          %dma_start3A_97 = arith.constant 0 : i32
          %dma_start3A_98 = tpu.memref_slice %arg8[%scan3A_24, %dma_start3A_96, %dma_start3A_97] : memref<2x128x128xf32, #tpu.memory_space<vmem>> -> memref<1x128x128xf32, #tpu.memory_space<vmem>>
          %dma_start3A_99 = tpu.memref_squeeze %dma_start3A_98 : memref<1x128x128xf32, #tpu.memory_space<vmem>> -> memref<128x128xf32, #tpu.memory_space<vmem>>
          %dma_start3A_100 = arith.constant 0 : i32
          %dma_start3A_101 = tpu.memref_slice %arg7[%add3A_94, %dma_start3A_100] : memref<40x128xi32, #tpu.memory_space<vmem>> -> memref<1x128xi32, #tpu.memory_space<vmem>>
          %dma_start3A_102 = tpu.memref_squeeze %dma_start3A_101 : memref<1x128xi32, #tpu.memory_space<vmem>> -> memref<128xi32, #tpu.memory_space<vmem>>
          %dma_start3A_103 = arith.constant 0 : i32
          %dma_start3A_104 = arith.constant 0 : i32
          %dma_start3A_105 = tpu.memref_slice %arg5[%dma_start3A_103, %dma_start3A_104] : memref<10240x128xf32, #tpu.memory_space<vmem_shared>> -> memref<10240x128xf32, #tpu.memory_space<vmem_shared>>
          tpu.enqueue_indirect_dma source(%dma_start3A_99 : memref<128x128xf32, #tpu.memory_space<vmem>>) target(%dma_start3A_105 : memref<10240x128xf32, #tpu.memory_space<vmem_shared>>) offsets(%dma_start3A_102 : memref<128xi32, #tpu.memory_space<vmem>>) semaphore(%run_scoped3A_95 : memref<!tpu.dma_semaphore, #tpu.memory_space<semaphore_mem>>) {add = true}
          %dma_wait3A_106 = arith.constant 0 : i32
          %dma_wait3A_107 = arith.constant 0 : i32
          %dma_wait3A_108 = tpu.memref_slice %arg8[%scan3A_24, %dma_wait3A_106, %dma_wait3A_107] : memref<2x128x128xf32, #tpu.memory_space<vmem>> -> memref<1x128x128xf32, #tpu.memory_space<vmem>>
          %dma_wait3A_109 = tpu.memref_squeeze %dma_wait3A_108 : memref<1x128x128xf32, #tpu.memory_space<vmem>> -> memref<128x128xf32, #tpu.memory_space<vmem>>
          %dma_wait3A_110 = arith.constant 0 : i32
          %dma_wait3A_111 = tpu.memref_slice %arg7[%add3A_94, %dma_wait3A_110] : memref<40x128xi32, #tpu.memory_space<vmem>> -> memref<1x128xi32, #tpu.memory_space<vmem>>
          %dma_wait3A_112 = tpu.memref_squeeze %dma_wait3A_111 : memref<1x128xi32, #tpu.memory_space<vmem>> -> memref<128xi32, #tpu.memory_space<vmem>>
          %dma_wait3A_113 = arith.constant 0 : i32
          %dma_wait3A_114 = arith.constant 0 : i32
          %dma_wait3A_115 = tpu.memref_slice %arg5[%dma_wait3A_113, %dma_wait3A_114] : memref<10240x128xf32, #tpu.memory_space<vmem_shared>> -> memref<10240x128xf32, #tpu.memory_space<vmem_shared>>
          tpu.wait_indirect_dma semaphore(%run_scoped3A_95 : memref<!tpu.dma_semaphore, #tpu.memory_space<semaphore_mem>>) src(%dma_wait3A_109 : memref<128x128xf32, #tpu.memory_space<vmem>>) dst(%dma_wait3A_115 : memref<10240x128xf32, #tpu.memory_space<vmem_shared>>)
          tpu.yield
        }) : () -> ()
      }
      %scan3A_46 = arith.constant 20 : i32
    }
    %scan3A_29 = arith.constant 2 : i32
    %barrier3A_30 = arith.constant 0 : index
    tpu.barrier barrier_id(%barrier3A_30)
    %mul3A_31 = arith.constant 640 : i32
    %mul3A_32 = arith.muli %arg1, %mul3A_31 : i32
    %mul3A_33 = arith.constant 640 : i32
    %mul3A_34 = arith.muli %arg1, %mul3A_33 : i32
    "tpu.region"() ({
      %run_scoped3A_35 = tpu.sem_alloc : memref<!tpu.dma_semaphore, #tpu.memory_space<semaphore_mem>>
      %dma_start3A_36 = arith.constant 0 : i32
      %dma_start3A_37 = arith.constant 0 : i32
      %dma_start3A_38 = tpu.memref_slice %arg4[%arg0, %dma_start3A_36, %dma_start3A_37] : memref<2x10240x128xf32, #tpu.memory_space<hbm>> -> memref<1x10240x128xf32, #tpu.memory_space<hbm>>
      %dma_start3A_39 = tpu.memref_squeeze %dma_start3A_38 : memref<1x10240x128xf32, #tpu.memory_space<hbm>> -> memref<10240x128xf32, #tpu.memory_space<hbm>>
      %dma_start3A_40 = arith.constant 0 : i32
      %dma_start3A_41 = tpu.memref_slice %dma_start3A_39[%mul3A_34, %dma_start3A_40] : memref<10240x128xf32, #tpu.memory_space<hbm>> -> memref<640x128xf32, #tpu.memory_space<hbm>>
      %dma_start3A_42 = arith.constant 0 : i32
      %dma_start3A_43 = tpu.memref_slice %arg5[%mul3A_32, %dma_start3A_42] : memref<10240x128xf32, #tpu.memory_space<vmem_shared>> -> memref<640x128xf32, #tpu.memory_space<vmem_shared>>
      tpu.enqueue_dma source(%dma_start3A_43 : memref<640x128xf32, #tpu.memory_space<vmem_shared>>) target(%dma_start3A_41 : memref<640x128xf32, #tpu.memory_space<hbm>>) target_semaphore(%run_scoped3A_35 : memref<!tpu.dma_semaphore, #tpu.memory_space<semaphore_mem>>)
      %dma_wait3A = arith.constant 0 : i32
      %dma_wait3A_44 = arith.constant 0 : i32
      %dma_wait3A_45 = tpu.memref_slice %arg4[%arg0, %dma_wait3A, %dma_wait3A_44] : memref<2x10240x128xf32, #tpu.memory_space<hbm>> -> memref<1x10240x128xf32, #tpu.memory_space<hbm>>
      %dma_wait3A_46 = tpu.memref_squeeze %dma_wait3A_45 : memref<1x10240x128xf32, #tpu.memory_space<hbm>> -> memref<10240x128xf32, #tpu.memory_space<hbm>>
      %dma_wait3A_47 = arith.constant 0 : i32
      %dma_wait3A_48 = tpu.memref_slice %dma_wait3A_46[%mul3A_34, %dma_wait3A_47] : memref<10240x128xf32, #tpu.memory_space<hbm>> -> memref<640x128xf32, #tpu.memory_space<hbm>>
      %dma_wait3A_49 = arith.constant 0 : i32
      %dma_wait3A_50 = tpu.memref_slice %arg5[%mul3A_32, %dma_wait3A_49] : memref<10240x128xf32, #tpu.memory_space<vmem_shared>> -> memref<640x128xf32, #tpu.memory_space<vmem_shared>>
      tpu.wait_dma2 semaphore(%run_scoped3A_35 : memref<!tpu.dma_semaphore, #tpu.memory_space<semaphore_mem>>) src(%dma_wait3A_50 : memref<640x128xf32, #tpu.memory_space<vmem_shared>>) dst(%dma_wait3A_48 : memref<640x128xf32, #tpu.memory_space<hbm>>)
      tpu.yield
    }) : () -> ()
    return
  }
}

module attributes {stable_mosaic.version = 14 : i64} {
  func.func @_tc_layer_body(%arg0: i32, %arg1: memref<1x2000x128xf32, #tpu.memory_space<vmem>>, %arg2: memref<1x2000x128xf32, #tpu.memory_space<vmem>>, %arg3: memref<128x128xf32, #tpu.memory_space<vmem>>, %arg4: memref<1x128xf32, #tpu.memory_space<vmem>>, %arg5: memref<1x1x2000xi32, #tpu.memory_space<vmem>>, %arg6: memref<2000x128xf32, #tpu.memory_space<vmem>>, %arg7: memref<64x128xf32, #tpu.memory_space<vmem>>) attributes {dimension_semantics = [#tpu.dimension_semantics<arbitrary>], iteration_bounds = array<i64: 5>, scalar_prefetch = 0 : i64, scratch_operands = 0 : i64, tpu.core_type = #tpu.core_type<tc>, window_params = [{transform_indices = @transform_0, window_bounds = array<i64: 1, 2000, 128>}, {transform_indices = @transform_1, window_bounds = array<i64: 1, 2000, 128>}, {pipeline_mode = #tpu.pipeline_mode<synchronous>, transform_indices = @transform_2, window_bounds = array<i64: 128, 128>}, {pipeline_mode = #tpu.pipeline_mode<synchronous>, transform_indices = @transform_3, window_bounds = array<i64: 1, 128>}, {transform_indices = @transform_4, window_bounds = array<i64: 1, 1, 2000>}, {transform_indices = @transform_5, window_bounds = array<i64: 2000, 128>}, {pipeline_mode = #tpu.pipeline_mode<synchronous>, transform_indices = @transform_6, window_bounds = array<i64: 64, 128>}]} {
    %get3A = arith.constant 0 : index
    %get3A_0 = arith.constant 0 : index
    %get3A_1 = arith.constant 0 : index
    %get3A_2 = vector.load %arg1[%get3A, %get3A_0, %get3A_1] : memref<1x2000x128xf32, #tpu.memory_space<vmem>>, vector<1x2000x128xf32>
    %get3A_3 = vector.shape_cast %get3A_2 : vector<1x2000x128xf32> to vector<2000x128xf32>
    %get3A_4 = arith.constant 0 : index
    %get3A_5 = arith.constant 0 : index
    %get3A_6 = arith.constant 0 : index
    %get3A_7 = vector.load %arg2[%get3A_4, %get3A_5, %get3A_6] : memref<1x2000x128xf32, #tpu.memory_space<vmem>>, vector<1x2000x128xf32>
    %get3A_8 = vector.shape_cast %get3A_7 : vector<1x2000x128xf32> to vector<2000x128xf32>
    %add3A = arith.addf %get3A_3, %get3A_8 : vector<2000x128xf32>
    %get3A_9 = arith.constant 0 : index
    %get3A_10 = arith.constant 0 : index
    %get3A_11 = vector.load %arg3[%get3A_9, %get3A_10] : memref<128x128xf32, #tpu.memory_space<vmem>>, vector<128x128xf32>
    %dot_general3A = arith.constant dense<0.000000e+00> : vector<2000x128xf32>
    %dot_general3A_12 = tpu.matmul %add3A, %get3A_11, %dot_general3A {dimension_numbers = #tpu.dot_dimension_numbers<[1], [0], [0], [1], [0, 0, 1, 1], [], []>, transpose_lhs_hint = false} : vector<2000x128xf32>, vector<128x128xf32>, vector<2000x128xf32> -> vector<2000x128xf32>
    %get3A_13 = arith.constant 0 : index
    %get3A_14 = arith.constant 0 : index
    %get3A_15 = vector.load %arg4[%get3A_13, %get3A_14] : memref<1x128xf32, #tpu.memory_space<vmem>>, vector<1x128xf32>
    %add3A_16 = vector.broadcast %get3A_15 : vector<1x128xf32> to vector<2000x128xf32>
    %add3A_17 = arith.addf %dot_general3A_12, %add3A_16 : vector<2000x128xf32>
    %max3A = arith.constant 0.000000e+00 : f32
    %max3A_18 = vector.broadcast %max3A : f32 to vector<2000x128xf32>
    %max3A_19 = arith.maximumf %add3A_17, %max3A_18 : vector<2000x128xf32>
    %swap3A = arith.constant 0 : index
    %swap3A_20 = arith.constant 0 : index
    %swap3A_21 = vector.load %arg6[%swap3A, %swap3A_20] : memref<2000x128xf32, #tpu.memory_space<vmem>>, vector<2000x128xf32>
    tpu.vector_store %arg6[%swap3A, %swap3A_20], %max3A_19 {strides = array<i32>} : memref<2000x128xf32, #tpu.memory_space<vmem>>, vector<2000x128xf32>,
    %get3A_22 = arith.constant 0 : index
    %get3A_23 = arith.constant 0 : index
    %get3A_24 = arith.constant 0 : index
    %get3A_25 = vector.load %arg5[%get3A_22, %get3A_23, %get3A_24] : memref<1x1x2000xi32, #tpu.memory_space<vmem>>, vector<1x1x2000xi32>
    %get3A_26 = vector.shape_cast %get3A_25 : vector<1x1x2000xi32> to vector<2000xi32>
    %broadcast_in_dim3A = vector.shape_cast %get3A_26 : vector<2000xi32> to vector<2000x1xi32>
    %iota3A = tpu.iota {dimensions = array<i32: 1>} : vector<2000x64xi32>
    %eq3A = vector.broadcast %broadcast_in_dim3A : vector<2000x1xi32> to vector<2000x64xi32>
    %eq3A_27 = arith.cmpi eq, %eq3A, %iota3A : vector<2000x64xi32>
    %convert_element_type3A = arith.extui %eq3A_27 : vector<2000x64xi1> to vector<2000x64xi32>
    %convert_element_type3A_28 = arith.sitofp %convert_element_type3A : vector<2000x64xi32> to vector<2000x64xf32>
    %dot_general3A_29 = arith.constant dense<0.000000e+00> : vector<64x128xf32>
    %dot_general3A_30 = tpu.matmul %convert_element_type3A_28, %max3A_19, %dot_general3A_29 {dimension_numbers = #tpu.dot_dimension_numbers<[0], [0], [1], [1], [0, 1, 1, 1], [], []>, transpose_lhs_hint = false} : vector<2000x64xf32>, vector<2000x128xf32>, vector<64x128xf32> -> vector<64x128xf32>
    %eq3A_31 = arith.constant 0 : i32
    %eq3A_32 = arith.cmpi eq, %arg0, %eq3A_31 : i32
    %convert_element_type3A_33 = arith.extui %eq3A_32 : i1 to i32
    %cond3A = arith.constant 0 : i32
    %cond3A_34 = arith.cmpi ne, %convert_element_type3A_33, %cond3A : i32
    scf.if %cond3A_34 {
      %broadcast_in_dim3A_42 = arith.constant 0.000000e+00 : f32
      %broadcast_in_dim3A_43 = vector.broadcast %broadcast_in_dim3A_42 : f32 to vector<64x128xf32>
      %swap3A_44 = arith.constant 0 : index
      %swap3A_45 = arith.constant 0 : index
      %swap3A_46 = vector.load %arg7[%swap3A_44, %swap3A_45] : memref<64x128xf32, #tpu.memory_space<vmem>>, vector<64x128xf32>
      tpu.vector_store %arg7[%swap3A_44, %swap3A_45], %broadcast_in_dim3A_43 {strides = array<i32>} : memref<64x128xf32, #tpu.memory_space<vmem>>, vector<64x128xf32>,
    } else {
    }
    %get3A_35 = arith.constant 0 : index
    %get3A_36 = arith.constant 0 : index
    %get3A_37 = vector.load %arg7[%get3A_35, %get3A_36] : memref<64x128xf32, #tpu.memory_space<vmem>>, vector<64x128xf32>
    %add3A_38 = arith.addf %get3A_37, %dot_general3A_30 : vector<64x128xf32>
    %swap3A_39 = arith.constant 0 : index
    %swap3A_40 = arith.constant 0 : index
    %swap3A_41 = vector.load %arg7[%swap3A_39, %swap3A_40] : memref<64x128xf32, #tpu.memory_space<vmem>>, vector<64x128xf32>
    tpu.vector_store %arg7[%swap3A_39, %swap3A_40], %add3A_38 {strides = array<i32>} : memref<64x128xf32, #tpu.memory_space<vmem>>, vector<64x128xf32>,
    return
  }
  func.func @transform_0(%arg0: i32) -> (i32, i32, i32) {
    %c0_i32 = arith.constant 0 : i32
    %c0_i32_0 = arith.constant 0 : i32
    %c0_i32_1 = arith.constant 0 : i32
    return %c0_i32, %arg0, %c0_i32_0 : i32, i32, i32
  }
  func.func @transform_1(%arg0: i32) -> (i32, i32, i32) {
    %c1_i32 = arith.constant 1 : i32
    %c0_i32 = arith.constant 0 : i32
    %c0_i32_0 = arith.constant 0 : i32
    return %c1_i32, %arg0, %c0_i32 : i32, i32, i32
  }
  func.func @transform_2(%arg0: i32) -> (i32, i32) {
    %c0_i32 = arith.constant 0 : i32
    %c0_i32_0 = arith.constant 0 : i32
    %c0_i32_1 = arith.constant 0 : i32
    return %c0_i32, %c0_i32_0 : i32, i32
  }
  func.func @transform_3(%arg0: i32) -> (i32, i32) {
    %c0_i32 = arith.constant 0 : i32
    %c0_i32_0 = arith.constant 0 : i32
    %c0_i32_1 = arith.constant 0 : i32
    return %c0_i32, %c0_i32_0 : i32, i32
  }
  func.func @transform_4(%arg0: i32) -> (i32, i32, i32) {
    %c0_i32 = arith.constant 0 : i32
    %c0_i32_0 = arith.constant 0 : i32
    %c0_i32_1 = arith.constant 0 : i32
    return %arg0, %c0_i32, %c0_i32_0 : i32, i32, i32
  }
  func.func @transform_5(%arg0: i32) -> (i32, i32) {
    %c0_i32 = arith.constant 0 : i32
    %c0_i32_0 = arith.constant 0 : i32
    return %arg0, %c0_i32 : i32, i32
  }
  func.func @transform_6(%arg0: i32) -> (i32, i32) {
    %c0_i32 = arith.constant 0 : i32
    %c0_i32_0 = arith.constant 0 : i32
    %c0_i32_1 = arith.constant 0 : i32
    return %c0_i32, %c0_i32_0 : i32, i32
  }
}

module attributes {stable_mosaic.version = 14 : i64} {
  func.func @_tc_layer_body(%arg0: i32, %arg1: memref<1x2000x128xf32, #tpu.memory_space<vmem>>, %arg2: memref<1x2000x128xf32, #tpu.memory_space<vmem>>, %arg3: memref<128x128xf32, #tpu.memory_space<vmem>>, %arg4: memref<1x128xf32, #tpu.memory_space<vmem>>, %arg5: memref<1x1x2000xi32, #tpu.memory_space<vmem>>, %arg6: memref<2000x128xf32, #tpu.memory_space<vmem>>, %arg7: memref<64x128xf32, #tpu.memory_space<vmem>>) attributes {dimension_semantics = [#tpu.dimension_semantics<arbitrary>], iteration_bounds = array<i64: 5>, scalar_prefetch = 0 : i64, scratch_operands = 0 : i64, tpu.core_type = #tpu.core_type<tc>, window_params = [{transform_indices = @transform_0, window_bounds = array<i64: 1, 2000, 128>}, {transform_indices = @transform_1, window_bounds = array<i64: 1, 2000, 128>}, {pipeline_mode = #tpu.pipeline_mode<synchronous>, transform_indices = @transform_2, window_bounds = array<i64: 128, 128>}, {pipeline_mode = #tpu.pipeline_mode<synchronous>, transform_indices = @transform_3, window_bounds = array<i64: 1, 128>}, {transform_indices = @transform_4, window_bounds = array<i64: 1, 1, 2000>}, {transform_indices = @transform_5, window_bounds = array<i64: 2000, 128>}, {pipeline_mode = #tpu.pipeline_mode<synchronous>, transform_indices = @transform_6, window_bounds = array<i64: 64, 128>}]} {
    %get3A = arith.constant 0 : index
    %get3A_0 = arith.constant 0 : index
    %get3A_1 = arith.constant 0 : index
    %get3A_2 = vector.load %arg1[%get3A, %get3A_0, %get3A_1] : memref<1x2000x128xf32, #tpu.memory_space<vmem>>, vector<1x2000x128xf32>
    %get3A_3 = vector.shape_cast %get3A_2 : vector<1x2000x128xf32> to vector<2000x128xf32>
    %get3A_4 = arith.constant 0 : index
    %get3A_5 = arith.constant 0 : index
    %get3A_6 = arith.constant 0 : index
    %get3A_7 = vector.load %arg2[%get3A_4, %get3A_5, %get3A_6] : memref<1x2000x128xf32, #tpu.memory_space<vmem>>, vector<1x2000x128xf32>
    %get3A_8 = vector.shape_cast %get3A_7 : vector<1x2000x128xf32> to vector<2000x128xf32>
    %add3A = arith.addf %get3A_3, %get3A_8 : vector<2000x128xf32>
    %get3A_9 = arith.constant 0 : index
    %get3A_10 = arith.constant 0 : index
    %get3A_11 = vector.load %arg3[%get3A_9, %get3A_10] : memref<128x128xf32, #tpu.memory_space<vmem>>, vector<128x128xf32>
    %dot_general3A = arith.constant dense<0.000000e+00> : vector<2000x128xf32>
    %dot_general3A_12 = tpu.matmul %add3A, %get3A_11, %dot_general3A {dimension_numbers = #tpu.dot_dimension_numbers<[1], [0], [0], [1], [0, 0, 1, 1], [], []>, transpose_lhs_hint = false} : vector<2000x128xf32>, vector<128x128xf32>, vector<2000x128xf32> -> vector<2000x128xf32>
    %get3A_13 = arith.constant 0 : index
    %get3A_14 = arith.constant 0 : index
    %get3A_15 = vector.load %arg4[%get3A_13, %get3A_14] : memref<1x128xf32, #tpu.memory_space<vmem>>, vector<1x128xf32>
    %add3A_16 = vector.broadcast %get3A_15 : vector<1x128xf32> to vector<2000x128xf32>
    %add3A_17 = arith.addf %dot_general3A_12, %add3A_16 : vector<2000x128xf32>
    %max3A = arith.constant 0.000000e+00 : f32
    %max3A_18 = vector.broadcast %max3A : f32 to vector<2000x128xf32>
    %max3A_19 = arith.maximumf %add3A_17, %max3A_18 : vector<2000x128xf32>
    %swap3A = arith.constant 0 : index
    %swap3A_20 = arith.constant 0 : index
    %swap3A_21 = vector.load %arg6[%swap3A, %swap3A_20] : memref<2000x128xf32, #tpu.memory_space<vmem>>, vector<2000x128xf32>
    tpu.vector_store %arg6[%swap3A, %swap3A_20], %max3A_19 {strides = array<i32>} : memref<2000x128xf32, #tpu.memory_space<vmem>>, vector<2000x128xf32>,
    %get3A_22 = arith.constant 0 : index
    %get3A_23 = arith.constant 0 : index
    %get3A_24 = arith.constant 0 : index
    %get3A_25 = vector.load %arg5[%get3A_22, %get3A_23, %get3A_24] : memref<1x1x2000xi32, #tpu.memory_space<vmem>>, vector<1x1x2000xi32>
    %get3A_26 = vector.shape_cast %get3A_25 : vector<1x1x2000xi32> to vector<2000xi32>
    %broadcast_in_dim3A = vector.shape_cast %get3A_26 : vector<2000xi32> to vector<2000x1xi32>
    %iota3A = tpu.iota {dimensions = array<i32: 1>} : vector<2000x64xi32>
    %eq3A = vector.broadcast %broadcast_in_dim3A : vector<2000x1xi32> to vector<2000x64xi32>
    %eq3A_27 = arith.cmpi eq, %eq3A, %iota3A : vector<2000x64xi32>
    %convert_element_type3A = arith.extui %eq3A_27 : vector<2000x64xi1> to vector<2000x64xi32>
    %convert_element_type3A_28 = arith.sitofp %convert_element_type3A : vector<2000x64xi32> to vector<2000x64xf32>
    %dot_general3A_29 = arith.constant dense<0.000000e+00> : vector<64x128xf32>
    %dot_general3A_30 = tpu.matmul %convert_element_type3A_28, %max3A_19, %dot_general3A_29 {dimension_numbers = #tpu.dot_dimension_numbers<[0], [0], [1], [1], [0, 1, 1, 1], [], []>, transpose_lhs_hint = false} : vector<2000x64xf32>, vector<2000x128xf32>, vector<64x128xf32> -> vector<64x128xf32>
    %eq3A_31 = arith.constant 0 : i32
    %eq3A_32 = arith.cmpi eq, %arg0, %eq3A_31 : i32
    %convert_element_type3A_33 = arith.extui %eq3A_32 : i1 to i32
    %cond3A = arith.constant 0 : i32
    %cond3A_34 = arith.cmpi ne, %convert_element_type3A_33, %cond3A : i32
    scf.if %cond3A_34 {
      %broadcast_in_dim3A_42 = arith.constant 0.000000e+00 : f32
      %broadcast_in_dim3A_43 = vector.broadcast %broadcast_in_dim3A_42 : f32 to vector<64x128xf32>
      %swap3A_44 = arith.constant 0 : index
      %swap3A_45 = arith.constant 0 : index
      %swap3A_46 = vector.load %arg7[%swap3A_44, %swap3A_45] : memref<64x128xf32, #tpu.memory_space<vmem>>, vector<64x128xf32>
      tpu.vector_store %arg7[%swap3A_44, %swap3A_45], %broadcast_in_dim3A_43 {strides = array<i32>} : memref<64x128xf32, #tpu.memory_space<vmem>>, vector<64x128xf32>,
    } else {
    }
    %get3A_35 = arith.constant 0 : index
    %get3A_36 = arith.constant 0 : index
    %get3A_37 = vector.load %arg7[%get3A_35, %get3A_36] : memref<64x128xf32, #tpu.memory_space<vmem>>, vector<64x128xf32>
    %add3A_38 = arith.addf %get3A_37, %dot_general3A_30 : vector<64x128xf32>
    %swap3A_39 = arith.constant 0 : index
    %swap3A_40 = arith.constant 0 : index
    %swap3A_41 = vector.load %arg7[%swap3A_39, %swap3A_40] : memref<64x128xf32, #tpu.memory_space<vmem>>, vector<64x128xf32>
    tpu.vector_store %arg7[%swap3A_39, %swap3A_40], %add3A_38 {strides = array<i32>} : memref<64x128xf32, #tpu.memory_space<vmem>>, vector<64x128xf32>,
    return
  }
  func.func @transform_0(%arg0: i32) -> (i32, i32, i32) {
    %c0_i32 = arith.constant 0 : i32
    %c0_i32_0 = arith.constant 0 : i32
    %c0_i32_1 = arith.constant 0 : i32
    return %c0_i32, %arg0, %c0_i32_0 : i32, i32, i32
  }
  func.func @transform_1(%arg0: i32) -> (i32, i32, i32) {
    %c1_i32 = arith.constant 1 : i32
    %c0_i32 = arith.constant 0 : i32
    %c0_i32_0 = arith.constant 0 : i32
    return %c1_i32, %arg0, %c0_i32 : i32, i32, i32
  }
  func.func @transform_2(%arg0: i32) -> (i32, i32) {
    %c0_i32 = arith.constant 0 : i32
    %c0_i32_0 = arith.constant 0 : i32
    %c0_i32_1 = arith.constant 0 : i32
    return %c0_i32, %c0_i32_0 : i32, i32
  }
  func.func @transform_3(%arg0: i32) -> (i32, i32) {
    %c0_i32 = arith.constant 0 : i32
    %c0_i32_0 = arith.constant 0 : i32
    %c0_i32_1 = arith.constant 0 : i32
    return %c0_i32, %c0_i32_0 : i32, i32
  }
  func.func @transform_4(%arg0: i32) -> (i32, i32, i32) {
    %c0_i32 = arith.constant 0 : i32
    %c0_i32_0 = arith.constant 0 : i32
    %c0_i32_1 = arith.constant 0 : i32
    return %arg0, %c0_i32, %c0_i32_0 : i32, i32, i32
  }
  func.func @transform_5(%arg0: i32) -> (i32, i32) {
    %c0_i32 = arith.constant 0 : i32
    %c0_i32_0 = arith.constant 0 : i32
    return %arg0, %c0_i32 : i32, i32
  }
  func.func @transform_6(%arg0: i32) -> (i32, i32) {
    %c0_i32 = arith.constant 0 : i32
    %c0_i32_0 = arith.constant 0 : i32
    %c0_i32_1 = arith.constant 0 : i32
    return %c0_i32, %c0_i32_0 : i32, i32
  }
}

module attributes {stable_mosaic.version = 14 : i64} {
  func.func @_head_body(%arg0: memref<64x128xf32, #tpu.memory_space<vmem>>, %arg1: memref<64x128xf32, #tpu.memory_space<vmem>>, %arg2: memref<64x128xf32, #tpu.memory_space<vmem>>, %arg3: memref<384x1xf32, #tpu.memory_space<vmem>>, %arg4: memref<1x1xf32, #tpu.memory_space<vmem>>, %arg5: memref<64x1xf32, #tpu.memory_space<vmem>>) attributes {dimension_semantics = [], scalar_prefetch = 0 : i64, scratch_operands = 0 : i64, tpu.core_type = #tpu.core_type<tc>} {
    %get3A = arith.constant 0 : index
    %get3A_0 = arith.constant 0 : index
    %get3A_1 = vector.load %arg0[%get3A, %get3A_0] : memref<64x128xf32, #tpu.memory_space<vmem>>, vector<64x128xf32>
    %get3A_2 = arith.constant 0 : index
    %get3A_3 = arith.constant 0 : index
    %get3A_4 = vector.load %arg3[%get3A_2, %get3A_3] : memref<384x1xf32, #tpu.memory_space<vmem>>, vector<128x1xf32>
    %dot_general3A = arith.constant dense<0.000000e+00> : vector<64x1xf32>
    %dot_general3A_5 = tpu.matmul %get3A_1, %get3A_4, %dot_general3A {dimension_numbers = #tpu.dot_dimension_numbers<[1], [0], [0], [1], [0, 0, 1, 1], [], []>, transpose_lhs_hint = false} : vector<64x128xf32>, vector<128x1xf32>, vector<64x1xf32> -> vector<64x1xf32>
    %get3A_6 = arith.constant 0 : index
    %get3A_7 = arith.constant 0 : index
    %get3A_8 = vector.load %arg1[%get3A_6, %get3A_7] : memref<64x128xf32, #tpu.memory_space<vmem>>, vector<64x128xf32>
    %get3A_9 = arith.constant 128 : index
    %get3A_10 = arith.constant 0 : index
    %get3A_11 = vector.load %arg3[%get3A_9, %get3A_10] : memref<384x1xf32, #tpu.memory_space<vmem>>, vector<128x1xf32>
    %dot_general3A_12 = arith.constant dense<0.000000e+00> : vector<64x1xf32>
    %dot_general3A_13 = tpu.matmul %get3A_8, %get3A_11, %dot_general3A_12 {dimension_numbers = #tpu.dot_dimension_numbers<[1], [0], [0], [1], [0, 0, 1, 1], [], []>, transpose_lhs_hint = false} : vector<64x128xf32>, vector<128x1xf32>, vector<64x1xf32> -> vector<64x1xf32>
    %add3A = arith.addf %dot_general3A_5, %dot_general3A_13 : vector<64x1xf32>
    %get3A_14 = arith.constant 0 : index
    %get3A_15 = arith.constant 0 : index
    %get3A_16 = vector.load %arg2[%get3A_14, %get3A_15] : memref<64x128xf32, #tpu.memory_space<vmem>>, vector<64x128xf32>
    %get3A_17 = arith.constant 256 : index
    %get3A_18 = arith.constant 0 : index
    %get3A_19 = vector.load %arg3[%get3A_17, %get3A_18] : memref<384x1xf32, #tpu.memory_space<vmem>>, vector<128x1xf32>
    %dot_general3A_20 = arith.constant dense<0.000000e+00> : vector<64x1xf32>
    %dot_general3A_21 = tpu.matmul %get3A_16, %get3A_19, %dot_general3A_20 {dimension_numbers = #tpu.dot_dimension_numbers<[1], [0], [0], [1], [0, 0, 1, 1], [], []>, transpose_lhs_hint = false} : vector<64x128xf32>, vector<128x1xf32>, vector<64x1xf32> -> vector<64x1xf32>
    %add3A_22 = arith.addf %add3A, %dot_general3A_21 : vector<64x1xf32>
    %get3A_23 = arith.constant 0 : index
    %get3A_24 = arith.constant 0 : index
    %get3A_25 = vector.load %arg4[%get3A_23, %get3A_24] : memref<1x1xf32, #tpu.memory_space<vmem>>, vector<1x1xf32>
    %get3A_26 = vector.extract %get3A_25[0, 0] : f32 from vector<1x1xf32>
    %add3A_27 = vector.broadcast %get3A_26 : f32 to vector<64x1xf32>
    %add3A_28 = arith.addf %add3A_22, %add3A_27 : vector<64x1xf32>
    %logistic3A = arith.negf %add3A_28 : vector<64x1xf32>
    %logistic3A_29 = math.exp %logistic3A : vector<64x1xf32>
    %logistic3A_30 = arith.constant 1.000000e+00 : f32
    %logistic3A_31 = vector.broadcast %logistic3A_30 : f32 to vector<64x1xf32>
    %logistic3A_32 = arith.addf %logistic3A_31, %logistic3A_29 : vector<64x1xf32>
    %logistic3A_33 = arith.divf %logistic3A_31, %logistic3A_32 : vector<64x1xf32>
    %swap3A = arith.constant 0 : index
    %swap3A_34 = arith.constant 0 : index
    %swap3A_35 = vector.load %arg5[%swap3A, %swap3A_34] : memref<64x1xf32, #tpu.memory_space<vmem>>, vector<64x1xf32>
    tpu.vector_store %arg5[%swap3A, %swap3A_34], %logistic3A_33 {strides = array<i32>} : memref<64x1xf32, #tpu.memory_space<vmem>>, vector<64x1xf32>,
    return
  }
}

</mosaic_0001>

<sc_bundles>
// kernel: kernel.12.cloned.1.call-start
scs
__scs_entry_jumppad:
0x0: {  	(pc) =	sbr.rel $0x88, $3  }
0x1: {  	(tag) =	ssettag $0x0;
	lr =	simm.s32 $0x1  }
0x2: {  	[smem:$0x3F96] =	sst lr;
	_ =	strace $0xD0000000  }
0x3: {  	_ = 	snop  }
0x4: {  	_ = 	snop  }
0x5: {  	_ = 	snop  }
0x6: {  	_ = 	snop  }
0x7: {  	_ = 	snop  }
__scs_overlays_trampoline_lowered:
0x8: {  	[smem:$0x3FA5] =	sst s0  }
0x9: {  	[smem:$0x3FA6] =	sst s1  }
0xa: {  	[smem:$0x3FA7] =	sst s2  }
0xb: {  	[smem:$0x3FA8] =	sst s3  }
0xc: {  	[smem:$0x3FA9] =	sst s4  }
0xd: {  	[smem:$0x3FAA] =	sst s5  }
0xe: {  	[smem:$0x3FAB] =	sst s6  }
0xf: {  	[smem:$0x3FAC] =	sst s7  }
0x10: {  	[smem:$0x3FAD] =	sst s8  }
0x11: {  	[smem:$0x3FAE] =	sst s9;
	s0 =	simm.s32 @!p0 $0x0  }
0x12: {  	s1 =	sld [smem:$0x3F94];
	s0 =	simm.s32 @p0 $0x1  }
0x13: {  	[smem:$0x3FAF] =	sst s0;
	s0 =	simm.s32 @!p1 $0x0  }
0x14: {  	s2 =	sld [smem:$0x3F93];
	s0 =	simm.s32 @p1 $0x1  }
0x15: {  	[smem:$0x3FB0] =	sst s0;
	s0 =	simm.s32 @!p2 $0x0  }
0x16: {  	s3 =	sld [smem:$0x3FDB];
	s0 =	simm.s32 @p2 $0x1  }
0x17: {  	s4 =	simm.s32 $0x1BF5;
	[smem:$0x3FB2] =	sst s0  }
0x18: {  	s0 =	sld [smem:$0x3F95];
	_ =	swait.ge [sflag:s4], $0x0  }
0x19: {  	s7 =	sld [smem:$0x3F96]  }
0x1a: {  	s8 =	sadd.s32 $0xFFFFE003, lr  }
0x1b: {  	s9 =	sadd.s32 $0xFFFFFEF7, lr;
	s5 =	simm.s32 $0xFFFFFFFF;
	p2 =	slt.u32 s8, $0xFFFFF086  }
0x1c: {  	p1 =	slt.u32 s9, $0xF7A;
	s5 =	simm.s32 @!p2 $0x0  }
0x1d: {  	s5 =	simm.s32 @p1 $0x1;
	p0 =	seq.s32 s7, s2  }
0x1e: {  	s7 =	smul.u32 @!p0 $0xF7A, s2;
	p2 =	seq.s32 @!p0 s5, $0x0  }
0x1f: {  	s9 =	smul.u32 $0xF7A, s1;
	s8 =	simm.s32 @!p0 $0x1BF5;
	p2 =	por !p2, p0  }
0x20: {  	[sflag:s8] =	ssyncset.s32 @!p0 $0xFFFFF086;
	s6 =	sadd.s32 @!p0 s3, s7;
	s7 =	simm.s32 @!p0 $0x108  }
0x21: {  	s3 =	sadd.s32 s3, s9;
	s6 =	sadd.s32 @!p0 $0x88, s6;
	s7 =	simm.s32 @p2 $0x1082  }
0x22: {  	[simem:s7], [sflag:s8] =	dma.local @!p0 [hbm:s6], $0xF7A  }
0x23: {  	s9 =	sor.u32 $0xD0000000, s2;
	s6 =	simm.s32 $0x108;
	_ =	swait.ge @!p0 [sflag:s8], $0x0  }
0x24: {  	s3 =	sadd.s32 $0x88, s3;
	s6 =	simm.s32 @!p1 $0x1082;
	[sflag:s4] =	ssyncset.s32 $0xFFFFF086  }
0x25: {  	[simem:s6], [sflag:s4] =	dma.local [hbm:s3], $0xF7A  }
0x26: {  	[smem:$0x3F96] =	sst s1;
	(tag) =	ssettag s2;
	_ =	strace s9  }
0x27: {  	s1 =	sld [smem:$0x3FA6]  }
0x28: {  	s2 =	sld [smem:$0x3FA7]  }
0x29: {  	s4 =	sld [smem:$0x3FA9]  }
0x2a: {  	p0 =	seq.s32 s5, $0x0;
	s5 =	sld [smem:$0x3FAA]  }
0x2b: {  	s6 =	sld [smem:$0x3FAB]  }
0x2c: {  	s7 =	sld [smem:$0x3FAC]  }
0x2d: {  	s3 =	simm.s32 $0x108;
	s8 =	sld [smem:$0x3FAD]  }
0x2e: {  	s3 =	simm.s32 @!p0 $0x1082;
	s9 =	sld [smem:$0x3FAE]  }
0x2f: {  	lr =	sadd.s32 s0, s3;
	s0 =	sld [smem:$0x3FA5]  }
0x30: {  	s3 =	sld [smem:$0x3FA8]  }
0x31: {  	[smem:$0x3FB1] =	sst s10  }
0x32: {  	s10 =	sld [smem:$0x3FAF];
	_ =	sdelay $0x3  }
0x33: {  	p0 =	seq.s32 s10, $0x1;
	s10 =	sld [smem:$0x3FB1];
	_ =	sdelay $0x3  }
0x34: {  	[smem:$0x3FB1] =	sst s10  }
0x35: {  	s10 =	sld [smem:$0x3FB0];
	_ =	sdelay $0x3  }
0x36: {  	p1 =	seq.s32 s10, $0x1;
	s10 =	sld [smem:$0x3FB1];
	_ =	sdelay $0x3  }
0x37: {  	[smem:$0x3FB1] =	sst s10  }
0x38: {  	s10 =	sld [smem:$0x3FB2]  }
0x39: {  	_ = 	snop;
	(pc) =	sbr.ind lr, $3  }
0x3a: {  	_ = 	snop  }
0x3b: {  	_ = 	snop  }
0x3c: {  	p2 =	seq.s32 s10, $0x1;
	s10 =	sld [smem:$0x3FB1]  }
0x3d: {  	_ =	shalt  }
0x3e: {  	_ =	shalt  }
0x3f: {  	_ =	shalt  }
0x40: {  	_ =	shalt  }
0x41: {  	_ =	shalt  }
0x42: {  	_ =	shalt  }
0x43: {  	_ =	shalt  }
0x44: {  	_ =	shalt  }
0x45: {  	_ =	shalt  }
0x46: {  	_ =	shalt  }
0x47: {  	_ =	shalt  }
0x48: {  	_ =	shalt  }
0x49: {  	_ =	shalt  }
0x4a: {  	_ =	shalt  }
0x4b: {  	_ =	shalt  }
0x4c: {  	_ =	shalt  }
0x4d: {  	_ =	shalt  }
0x4e: {  	_ =	shalt  }
0x4f: {  	_ =	shalt  }
0x50: {  	_ =	shalt  }
0x51: {  	_ =	shalt  }
0x52: {  	_ =	shalt  }
0x53: {  	_ =	shalt  }
0x54: {  	_ =	shalt  }
0x55: {  	_ =	shalt  }
0x56: {  	_ =	shalt  }
0x57: {  	_ =	shalt  }
0x58: {  	_ =	shalt  }
0x59: {  	_ =	shalt  }
0x5a: {  	_ =	shalt  }
0x5b: {  	_ =	shalt  }
0x5c: {  	_ =	shalt  }
0x5d: {  	_ =	shalt  }
0x5e: {  	_ =	shalt  }
0x5f: {  	_ =	shalt  }
0x60: {  	_ =	shalt  }
0x61: {  	_ =	shalt  }
0x62: {  	_ =	shalt  }
0x63: {  	_ =	shalt  }
0x64: {  	_ =	shalt  }
0x65: {  	_ =	shalt  }
0x66: {  	_ =	shalt  }
0x67: {  	_ =	shalt  }
0x68: {  	_ =	shalt  }
0x69: {  	_ =	shalt  }
0x6a: {  	_ =	shalt  }
0x6b: {  	_ =	shalt  }
0x6c: {  	_ =	shalt  }
0x6d: {  	_ =	shalt  }
0x6e: {  	_ =	shalt  }
0x6f: {  	_ =	shalt  }
0x70: {  	_ =	shalt  }
0x71: {  	_ =	shalt  }
0x72: {  	_ =	shalt  }
0x73: {  	_ =	shalt  }
0x74: {  	_ =	shalt  }
0x75: {  	_ =	shalt  }
0x76: {  	_ =	shalt  }
0x77: {  	_ =	shalt  }
0x78: {  	_ =	shalt  }
0x79: {  	_ =	shalt  }
0x7a: {  	_ =	shalt  }
0x7b: {  	_ =	shalt  }
0x7c: {  	_ =	shalt  }
0x7d: {  	_ =	shalt  }
0x7e: {  	_ =	shalt  }
0x7f: {  	_ =	shalt  }
0x80: {  	_ =	shalt  }
0x81: {  	_ =	shalt  }
0x82: {  	_ =	shalt  }
0x83: {  	_ =	shalt  }
0x84: {  	_ =	shalt  }
0x85: {  	_ =	shalt  }
0x86: {  	_ =	shalt  }
0x87: {  	_ =	shalt  }
.Lfunc_end0:
.L_simem_size_0:
called_computation.1_lowered:
.L_overlay_start_0:
0x88: {  	s2 =	sld [smem:$0x3FD9]  }
0x89: {  	s3 =	sld [smem:$0x3FFE];
	_ =	sdelay $0x1  }
0x8a: {  	s1 =	srdreg.scid  }
0x8b: {  	s0 =	sand.u32 $0x1, s1  }
0x8c: {  	s16 =	sshll.u32 s0, $0xA;
	s2 =	sadd.s32 s3, s2  }
0x8d: {  	s2 =	sadd.s32 s2, s16  }
0x8e: {  	[smem:$0x3FBD] =	sst s2  }
0x8f: {  	_ = 	snop  }
0x90: {  	(tm) =	ssettm $0x1  }
0x91: {  	s17 =	sld [smem:$0x3FFB];
	_ =	sdelay $0x3  }
0x92: {  	_ =	strace s17  }
0x93: {  	s2 =	sld [smem:$0x3FFC];
	_ =	sdelay $0x3  }
0x94: {  	_ =	strace s2  }
0x95: {  	s2 =	sld [smem:$0x3FFD];
	_ =	sdelay $0x3  }
0x96: {  	_ =	strace s2  }
0x97: {  	_ =	strace $0x8FFFFFFF  }
0x98: {  	s18 =	sld [smem:$0x3FDB];
	_ =	sdelay $0x1  }
0x99: {  	s19 =	simm.s32 $_scs_section_size  }
0x9a: {  	s4 =	simm.s32 $_size__tile_overlayer_lowered;
	s5 =	simm.s32 $_tile_overlayer_lowered  }
0x9b: {  	s22 =	simm.s32 $0x1BFF;
	s21 =	sshll.u32 s5, $0x1;
	s2 =	sadd.s32 s19, s18  }
0x9c: {  	s6 =	simm.s32 $0x0;
	s20 =	sshll.u32 s4, $0x1;
	s4 =	sadd.s32 s21, s2  }
0x9d: {  	[timem:s6], [sflag:s22] =	dma.local [hbm:s4], s20  }
0x9e: {  	_ =	swait.ge [sflag:s22], s20  }
0x9f: {  	s3 =	ssub.s32 $0x0, s20;
	[sflag:s22] =	ssyncset.done $0x0  }
0xa0: {  	[sflag:s22] =	ssyncadd.s32 s3;
	_ =	sdelay $0x1  }
0xa1: {  	s23 =	simm.s32 $0x1B8B  }
0xa2: {  	_ =	swait.ge [sflag:s23], $0x1  }
0xa3: {  	[sflag:s23] =	ssyncset.done $0x0  }
0xa4: {  	s25 =	simm.s32 $0x1B8E;
	s24 =	sld [smem:$0x3FFE];
	[sflag:s23] =	ssyncadd.s32 $0xFFFFFFFF  }
0xa5: {  	s26 =	simm.s32 $execute0_lowered;
	[smem:$0x3FD2] =	sst s25  }
0xa6: {  	s4 =	sshll.u32 s26, $0x1;
	_ =	strace $0x80000049;
	[dreg:$0x1] =	wrdreg $0xFFFFFFFF  }
0xa7: {  	s28 =	simm.s32 $_size_execute0_lowered;
	s2 =	sadd.s32 s2, s4;
	[dreg:$0x0] =	wrdreg $0x0  }
0xa8: {  	s4 =	sshll.u32 s28, $0x1;
	[dreg:$0x2] =	wrdreg s2  }
0xa9: {  	[dreg:$0x3] =	wrdreg s4  }
0xaa: {  	[dreg:$0x4] =	wrdreg $0xC0  }
0xab: {  	_ =	task [dreg:s6], $0x5FFFF  }
0xac: {  	[dreg:$0x1] =	wrdreg $0xFFFFFFFF  }
0xad: {  	[dreg:$0x0] =	wrdreg $0x60  }
0xae: {  	[dreg:$0x2] =	wrdreg s24  }
0xaf: {  	[dreg:$0x3] =	wrdreg $0x0  }
0xb0: {  	[dreg:$0x4] =	wrdreg $0x9  }
0xb1: {  	_ =	task.clear_ibuf [dreg:s6], $0x5FFFF;
	_ =	strace $0x90000049  }
0xb2: {  	s29 =	simm.s32 $0x9;
	_ =	strace $0x8000004B  }
0xb3: {  	_ =	swait.ge [sflag:s29], $0x1  }
0xb4: {  	[sflag:s29] =	ssyncadd.s32 $0xFFFFFFFF  }
0xb5: {  	_ =	strace $0x9000004B  }
0xb6: {  	_ =	sfence  }
0xb7: {  	s30 =	sld [smem:$0x0];
	_ =	sdelay $0x2  }
0xb8: {  	s31 =	sshll.u32 s1, $0xD;
	s1 =	sshrl.u32 s1, $0x2  }
0xb9: {  	s3 =	sand.u32 $0x4000, s31;
	s1 =	sadd.s32 s1, s30  }
0xba: {  	s0 =	sor.u32 s3, s0;
	s1 =	sshll.u32 s1, $0x11  }
0xbb: {  	s0 =	sor.u32 s1, s0  }
0xbc: {  	s0 =	sadd.s32 $0x8F2B, s0  }
0xbd: {  	[sflag:s0] =	ssyncadd.remote.s32 $0x1  }
0xbe: {  	_ =	sfence.sel $0xFFFF  }
0xbf: {  	[dreg:$0x0] =	wrdreg $0xFFFFFFFF;
	(pc) =	sbr.abs _section_cstart, $3  }
0xc0: {  	[dreg:$0x1] =	wrdreg $0xFFFFFFFF  }
0xc1: {  	_ =	task.clear_ibuf [dreg:s6], $0x2FFFF;
	_ =	strace $0x9FFFFFFF  }
0xc2: {  	(tm) =	ssettm $0x7FFFFFFF  }
0xc3: {  	_ =	shalt  }
tec
execute0_lowered:
.L_overlay_start_1:
0x0: {  	(tag) =	ssettag $0x1  }
0x1: {  	s0 =	srdreg.scid;
	s1 =	rddreg [dreg:$0x0]  }
0x2: {  	s2 =	rddreg [dreg:$0x1];
	s9 =	stileid.u32;
	s4 =	simm.s32 $0x0  }
0x3: {  	s28 =	simm.s32 $0x3;
	s29 =	simm.s32 $0x15400;
	s30 =	simm.s32 $0x80  }
0x4: {  	s31 =	simm.s32 $0x16800;
	s10 =	simm.s32 $0x0;
	s0 =	sand.u32 $0x1, s0  }
0x5: {  	[smem:$0x7FF] =	sst s4;
	s4 =	sadd.s32 $0x16800, s1;
	s8 =	smul.u32 $0x50000, s9  }
0x6: {  	s3 =	sshll.u32 s0, $0x4;
	s5 =	smul.u32 $0x28000, s0;
	s0 =	ssub.s32 $0x2, s0  }
0x7: {  	s16 =	smul.u32 $0x2800, s9;
	_ =	strace $0x8000004A;
	s7 =	sshrl.u32 s0, $0x1  }
0x8: {  	s3 =	sor.u32 s9, s3;
	s15 =	sshrl.u32 s8, $0x2;
	s0 =	ssub.s32 s0, s7  }
0x9: {  	s8 =	simm.s32 $0x16700;
	s7 =	sadd.s32 s15, s2;
	s0 =	smax.u32 s0, $0x1  }
0xa: {  	s9 =	simm.s32 $0x16780;
	s19 =	sadd.s32 $0x1400, s7;
	[dreg:$0x5] =	wrdreg s0  }
0xb: {  	s3 =	smul.u32 $0x500, s3;
	s20 =	sadd.s32 $0x2800, s7;
	[dreg:$0x6] =	wrdreg s19  }
0xc: {  	s5 =	sadd.s32 s5, s1;
	s21 =	sadd.s32 $0x3C00, s7;
	[dreg:$0x7] =	wrdreg s20  }
0xd: {  	s5 =	sadd.s32 $0x3DA00, s5;
	s22 =	sadd.s32 $0x5000, s7;
	[dreg:$0x8] =	wrdreg s21  }
0xe: {  	s23 =	sadd.s32 $0x6400, s7;
	s24 =	sadd.s32 $0x7800, s7;
	[dreg:$0x9] =	wrdreg s22  }
0xf: {  	s25 =	sadd.s32 $0x8C00, s7;
	s26 =	sadd.s32 $0xA000, s7;
	[dreg:$0xa] =	wrdreg s23  }
0x10: {  	s17 =	sadd.s32 $0xB400, s7;
	s18 =	sadd.s32 $0xC800, s7;
	[dreg:$0xb] =	wrdreg s24  }
0x11: {  	s6 =	sadd.s32 s3, s1;
	s1 =	sadd.s32 $0xC800, s1;
	[dreg:$0xc] =	wrdreg s25  }
0x12: {  	[dreg:$0xd] =	wrdreg s26;
	s19 =	sadd.s32 $0xDC00, s7;
	s20 =	sadd.s32 $0xF000, s7  }
0x13: {  	s21 =	sadd.s32 $0x10400, s7;
	s23 =	sadd.s32 $0x11800, s7;
	s24 =	sadd.s32 s16, s5  }
0x14: {  	s25 =	sadd.s32 $0x12C00, s7;
	s26 =	simm.s32 $0x14000;
	s0 =	simm.s32 $0x1E800  }
0x15: {  	s5 =	simm.s32 $0x2;
	s14 =	sadd.s32 $0x2800, s6;
	s6 =	sadd.s32 $0x2A80, s6  }
0x16: {  	s22 =	sadd.s32 s3, s1;
	s1 =	simm.s32 $0x1A800;
	[dreg:$0x3] =	wrdreg s14  }
0x17: {  	v0 =	vimm.f32 $0.0e+00;
	s3 =	simm.s32 $0x1;
	[dreg:$0x4] =	wrdreg s6;
	s6 =	simm.s32 $0x15380  }
.LBB2_1:
0x18: {  	s11 =	simm.s32 $0x0;
	s12 =	rddreg [dreg:$0x3]  }
0x19: {  	[tilespmem:s26], [sflag:$0x3] =	stream.linear.gather [hbm4b:s12+s11], $0x1400, $0x38;
	[tilespmem:$0x1FC00] =	vst v63  }
0x1a: {  	_ =	swait.ge [sflag:s28], $0x1400  }
0x1b: {  	[sflag:s28] =	ssyncset.done $0x0  }
0x1c: {  	[sflag:s28] =	ssyncadd.s32 $0xFFFFEC00  }
0x1d: {  	[tilespmem:s29], [sflag:$0x3] =	stream.linear.gather [hbm4b:s22+s11], $0x1400, $0x38;
	[tilespmem:$0x1FC00] =	vst v63  }
0x1e: {  	_ =	swait.ge [sflag:s28], $0x1400  }
0x1f: {  	[sflag:s28] =	ssyncset.done $0x0  }
0x20: {  	s12 =	simm.s32 $0x3C0;
	s11 =	simm.s32 $0x70;
	[sflag:s28] =	ssyncadd.s32 $0xFFFFEC00  }
0x21: {  	[tilespmem:s31], [sflag:$0x1] =	stream.indirect.gather [hbm4b:s4+s30], $0x80, s26, s30, $0xb8;
	[tilespmem:$0x1FC00] =	vst v63  }
.LBB2_2:
0x22: {  	p0 =	sne.s32 s12, $0x4FC0;
	[tilespmem:s11+$0x1E800] =	vst v0  }
0x23: {  	[tilespmem:s11+$0x1E790] =	vst v0  }
0x24: {  	[tilespmem:s11+$0x1E7A0] =	vst v0  }
.Ltmp0:
0x25: {  	[tilespmem:s11+$0x1E7B0] =	vst v0;
	(pc) =	sbr.rel @p0 .LBB2_2-.Ltmp0, $4  }
0x26: {  	[tilespmem:s11+$0x1E7C0] =	vst v0  }
0x27: {  	[tilespmem:s11+$0x1E7D0] =	vst v0  }
0x28: {  	[tilespmem:s11+$0x1E7E0] =	vst v0  }
0x29: {  	[tilespmem:s11+$0x1E7F0] =	vst v0;
	s11 =	sshra.s32 s12, $0x2;
	s12 =	sadd.s32 $0x200, s12  }
0x2a: {  	[tilespmem:s11+$0x1E800] =	vst v0  }
0x2b: {  	[tilespmem:s11+$0x1E790] =	vst v0  }
0x2c: {  	[tilespmem:s11+$0x1E7A0] =	vst v0  }
0x2d: {  	[tilespmem:s11+$0x1E7B0] =	vst v0  }
0x2e: {  	[tilespmem:s11+$0x1E7C0] =	vst v0  }
0x2f: {  	[tilespmem:s11+$0x1E7D0] =	vst v0  }
0x30: {  	[tilespmem:s11+$0x1E7E0] =	vst v0  }
0x31: {  	[tilespmem:s11+$0x1E7F0] =	vst v0  }
0x32: {  	[spmem:s7] =	stream.linear.scatter [tilespmem:s0], [sflag:$0x3], $0x1400, $0x38;
	[tilespmem:$0x1FC00] =	vst v63  }
0x33: {  	_ =	swait.ge [sflag:s28], $0x1400  }
0x34: {  	[sflag:s28] =	ssyncset.done $0x0  }
0x35: {  	s15 =	rddreg [dreg:$0x6];
	[sflag:s28] =	ssyncadd.s32 $0xFFFFEC00  }
0x36: {  	[spmem:s15] =	stream.linear.scatter [tilespmem:s0], [sflag:$0x3], $0x1400, $0x38;
	[tilespmem:$0x1FC00] =	vst v63  }
0x37: {  	_ =	swait.ge [sflag:s28], $0x1400  }
0x38: {  	[sflag:s28] =	ssyncset.done $0x0  }
0x39: {  	s16 =	rddreg [dreg:$0x7];
	[sflag:s28] =	ssyncadd.s32 $0xFFFFEC00  }
0x3a: {  	[spmem:s16] =	stream.linear.scatter [tilespmem:s0], [sflag:$0x3], $0x1400, $0x38;
	[tilespmem:$0x1FC00] =	vst v63  }
0x3b: {  	_ =	swait.ge [sflag:s28], $0x1400  }
0x3c: {  	[sflag:s28] =	ssyncset.done $0x0  }
0x3d: {  	s12 =	rddreg [dreg:$0x8];
	[sflag:s28] =	ssyncadd.s32 $0xFFFFEC00  }
0x3e: {  	[spmem:s12] =	stream.linear.scatter [tilespmem:s0], [sflag:$0x3], $0x1400, $0x38;
	[tilespmem:$0x1FC00] =	vst v63  }
0x3f: {  	_ =	swait.ge [sflag:s28], $0x1400  }
0x40: {  	[sflag:s28] =	ssyncset.done $0x0  }
0x41: {  	s13 =	rddreg [dreg:$0x9];
	[sflag:s28] =	ssyncadd.s32 $0xFFFFEC00  }
0x42: {  	[spmem:s13] =	stream.linear.scatter [tilespmem:s0], [sflag:$0x3], $0x1400, $0x38;
	[tilespmem:$0x1FC00] =	vst v63  }
0x43: {  	_ =	swait.ge [sflag:s28], $0x1400  }
0x44: {  	[sflag:s28] =	ssyncset.done $0x0  }
0x45: {  	s14 =	rddreg [dreg:$0xa];
	[sflag:s28] =	ssyncadd.s32 $0xFFFFEC00  }
0x46: {  	[spmem:s14] =	stream.linear.scatter [tilespmem:s0], [sflag:$0x3], $0x1400, $0x38;
	[tilespmem:$0x1FC00] =	vst v63  }
0x47: {  	_ =	swait.ge [sflag:s28], $0x1400  }
0x48: {  	[sflag:s28] =	ssyncset.done $0x0  }
0x49: {  	s15 =	rddreg [dreg:$0xb];
	[sflag:s28] =	ssyncadd.s32 $0xFFFFEC00  }
0x4a: {  	[spmem:s15] =	stream.linear.scatter [tilespmem:s0], [sflag:$0x3], $0x1400, $0x38;
	[tilespmem:$0x1FC00] =	vst v63  }
0x4b: {  	_ =	swait.ge [sflag:s28], $0x1400  }
0x4c: {  	[sflag:s28] =	ssyncset.done $0x0  }
0x4d: {  	s16 =	rddreg [dreg:$0xc];
	[sflag:s28] =	ssyncadd.s32 $0xFFFFEC00  }
0x4e: {  	[spmem:s16] =	stream.linear.scatter [tilespmem:s0], [sflag:$0x3], $0x1400, $0x38;
	[tilespmem:$0x1FC00] =	vst v63  }
0x4f: {  	_ =	swait.ge [sflag:s28], $0x1400  }
0x50: {  	[sflag:s28] =	ssyncset.done $0x0  }
0x51: {  	s12 =	rddreg [dreg:$0xd];
	[sflag:s28] =	ssyncadd.s32 $0xFFFFEC00  }
0x52: {  	[spmem:s12] =	stream.linear.scatter [tilespmem:s0], [sflag:$0x3], $0x1400, $0x38;
	[tilespmem:$0x1FC00] =	vst v63  }
0x53: {  	_ =	swait.ge [sflag:s28], $0x1400  }
0x54: {  	[sflag:s28] =	ssyncset.done $0x0  }
0x55: {  	[sflag:s28] =	ssyncadd.s32 $0xFFFFEC00  }
0x56: {  	[spmem:s17] =	stream.linear.scatter [tilespmem:s0], [sflag:$0x3], $0x1400, $0x38;
	[tilespmem:$0x1FC00] =	vst v63  }
0x57: {  	_ =	swait.ge [sflag:s28], $0x1400  }
0x58: {  	[sflag:s28] =	ssyncset.done $0x0  }
0x59: {  	[sflag:s28] =	ssyncadd.s32 $0xFFFFEC00  }
0x5a: {  	[spmem:s18] =	stream.linear.scatter [tilespmem:s0], [sflag:$0x3], $0x1400, $0x38;
	[tilespmem:$0x1FC00] =	vst v63  }
0x5b: {  	_ =	swait.ge [sflag:s28], $0x1400  }
0x5c: {  	[sflag:s28] =	ssyncset.done $0x0  }
0x5d: {  	[sflag:s28] =	ssyncadd.s32 $0xFFFFEC00  }
0x5e: {  	[spmem:s19] =	stream.linear.scatter [tilespmem:s0], [sflag:$0x3], $0x1400, $0x38;
	[tilespmem:$0x1FC00] =	vst v63  }
0x5f: {  	_ =	swait.ge [sflag:s28], $0x1400  }
0x60: {  	[sflag:s28] =	ssyncset.done $0x0  }
0x61: {  	[sflag:s28] =	ssyncadd.s32 $0xFFFFEC00  }
0x62: {  	[spmem:s20] =	stream.linear.scatter [tilespmem:s0], [sflag:$0x3], $0x1400, $0x38;
	[tilespmem:$0x1FC00] =	vst v63  }
0x63: {  	_ =	swait.ge [sflag:s28], $0x1400  }
0x64: {  	[sflag:s28] =	ssyncset.done $0x0  }
0x65: {  	[sflag:s28] =	ssyncadd.s32 $0xFFFFEC00  }
0x66: {  	[spmem:s21] =	stream.linear.scatter [tilespmem:s0], [sflag:$0x3], $0x1400, $0x38;
	[tilespmem:$0x1FC00] =	vst v63  }
0x67: {  	_ =	swait.ge [sflag:s28], $0x1400  }
0x68: {  	[sflag:s28] =	ssyncset.done $0x0  }
0x69: {  	[sflag:s28] =	ssyncadd.s32 $0xFFFFEC00  }
0x6a: {  	[spmem:s23] =	stream.linear.scatter [tilespmem:s0], [sflag:$0x3], $0x1400, $0x38;
	[tilespmem:$0x1FC00] =	vst v63  }
0x6b: {  	_ =	swait.ge [sflag:s28], $0x1400  }
0x6c: {  	[sflag:s28] =	ssyncset.done $0x0  }
0x6d: {  	[sflag:s28] =	ssyncadd.s32 $0xFFFFEC00  }
0x6e: {  	[spmem:s25] =	stream.linear.scatter [tilespmem:s0], [sflag:$0x3], $0x1400, $0x38;
	[tilespmem:$0x1FC00] =	vst v63  }
0x6f: {  	_ =	swait.ge [sflag:s28], $0x1400  }
0x70: {  	[sflag:s28] =	ssyncset.done $0x0  }
0x71: {  	[sflag:s28] =	ssyncadd.s32 $0xFFFFEC00  }
0x72: {  	s13 =	simm.s32 $0x14080;
	[bflag:$0x0] =	sbarrier.arrive $0xFFFF  }
0x73: {  	[tilespmem:s1], [sflag:$0x2] =	stream.indirect.gather [hbm4b:s4+s30], $0x80, s13, s30, $0xb8;
	[tilespmem:$0x1FC00] =	vst v63  }
0x74: {  	_ =	swait.ge [sflag:s3], $0x4000  }
0x75: {  	[sflag:s3] =	ssyncset.done $0x0  }
0x76: {  	s14 =	simm.s32 $0x15400;
	[sflag:s3] =	ssyncadd.s32 $0xFFFFC000  }
0x77: {  	[spmem:s2] =	stream.indirect.scatter.add.f32 [tilespmem:s31], [sflag:$0x3], $0x80, s14, s30, $0xb8;
	[tilespmem:$0x1FC00] =	vst v63  }
0x78: {  	_ =	swait.ge [sflag:s28], $0x4000  }
0x79: {  	[sflag:s28] =	ssyncset.done $0x0  }
0x7a: {  	s15 =	simm.s32 $0x14100;
	[sflag:s28] =	ssyncadd.s32 $0xFFFFC000  }
0x7b: {  	[tilespmem:s31], [sflag:$0x1] =	stream.indirect.gather [hbm4b:s4+s30], $0x80, s15, s30, $0xb8;
	[tilespmem:$0x1FC00] =	vst v63  }
0x7c: {  	_ =	swait.ge [sflag:s5], $0x4000  }
0x7d: {  	[sflag:s5] =	ssyncset.done $0x0  }
0x7e: {  	s16 =	simm.s32 $0x15480;
	[sflag:s5] =	ssyncadd.s32 $0xFFFFC000  }
0x7f: {  	[spmem:s2] =	stream.indirect.scatter.add.f32 [tilespmem:s1], [sflag:$0x3], $0x80, s16, s30, $0xb8;
	[tilespmem:$0x1FC00] =	vst v63  }
0x80: {  	s11 =	sadd.s32 $0x280, s22;
	_ =	swait.ge [sflag:s28], $0x4000  }
0x81: {  	s12 =	simm.s32 $0x100;
	s13 =	simm.s32 $0x800;
	[sflag:s28] =	ssyncset.done $0x0  }
.LBB2_4:
0x82: {  	s14 =	sadd.s32 $0x14080, s12  }
0x83: {  	[sflag:s28] =	ssyncadd.s32 $0xFFFFC000;
	s15 =	smov.u32 s13;
	s16 =	sadd.s32 $0x400, s13  }
0x84: {  	[tilespmem:s1], [sflag:$0x2] =	stream.indirect.gather [hbm4b:s4+s30], $0x80, s14, s30, $0xb8;
	[tilespmem:$0x1FC00] =	vst v63  }
0x85: {  	p0 =	sne.s32 s13, $0x4800;
	_ =	swait.ge [sflag:s3], $0x4000  }
0x86: {  	[sflag:s3] =	ssyncset.done $0x0  }
0x87: {  	s13 =	sadd.s32 $0x15400, s12;
	[sflag:s3] =	ssyncadd.s32 $0xFFFFC000  }
0x88: {  	[spmem:s2] =	stream.indirect.scatter.add.f32 [tilespmem:s31], [sflag:$0x3], $0x80, s13, s30, $0xb8;
	[tilespmem:$0x1FC00] =	vst v63  }
0x89: {  	_ =	swait.ge [sflag:s28], $0x4000  }
0x8a: {  	[sflag:s28] =	ssyncset.done $0x0  }
0x8b: {  	s13 =	sadd.s32 $0x14100, s12;
	[sflag:s28] =	ssyncadd.s32 $0xFFFFC000  }
0x8c: {  	[tilespmem:s31], [sflag:$0x1] =	stream.indirect.gather [hbm4b:s4+s30], $0x80, s13, s30, $0xb8;
	[tilespmem:$0x1FC00] =	vst v63  }
0x8d: {  	_ =	swait.ge [sflag:s5], $0x4000  }
.Ltmp1:
0x8e: {  	[sflag:s5] =	ssyncset.done $0x0;
	(pc) =	sbr.rel @p0 .LBB2_4-.Ltmp1, $4  }
0x8f: {  	s12 =	sadd.s32 $0x15480, s12;
	[sflag:s5] =	ssyncadd.s32 $0xFFFFC000  }
0x90: {  	[spmem:s2] =	stream.indirect.scatter.add.f32 [tilespmem:s1], [sflag:$0x3], $0x80, s12, s30, $0xb8;
	[tilespmem:$0x1FC00] =	vst v63  }
0x91: {  	_ =	swait.ge [sflag:s28], $0x4000  }
0x92: {  	s13 =	smov.u32 s16;
	s12 =	sshra.s32 s15, $0x2;
	[sflag:s28] =	ssyncset.done $0x0  }
0x93: {  	s13 =	sadd.s32 $0x14080, s12;
	[sflag:s28] =	ssyncadd.s32 $0xFFFFC000  }
0x94: {  	[tilespmem:s1], [sflag:$0x2] =	stream.indirect.gather [hbm4b:s4+s30], $0x80, s13, s30, $0xb8;
	[tilespmem:$0x1FC00] =	vst v63  }
0x95: {  	_ =	swait.ge [sflag:s3], $0x4000  }
0x96: {  	[sflag:s3] =	ssyncset.done $0x0  }
0x97: {  	s15 =	sadd.s32 $0x15400, s12;
	[sflag:s3] =	ssyncadd.s32 $0xFFFFC000  }
0x98: {  	[spmem:s2] =	stream.indirect.scatter.add.f32 [tilespmem:s31], [sflag:$0x3], $0x80, s15, s30, $0xb8;
	[tilespmem:$0x1FC00] =	vst v63  }
0x99: {  	_ =	swait.ge [sflag:s28], $0x4000  }
0x9a: {  	[sflag:s28] =	ssyncset.done $0x0  }
0x9b: {  	s16 =	sadd.s32 $0x14100, s12;
	[sflag:s28] =	ssyncadd.s32 $0xFFFFC000  }
0x9c: {  	[tilespmem:s31], [sflag:$0x1] =	stream.indirect.gather [hbm4b:s4+s30], $0x80, s16, s30, $0xb8;
	[tilespmem:$0x1FC00] =	vst v63  }
0x9d: {  	_ =	swait.ge [sflag:s5], $0x4000  }
0x9e: {  	[sflag:s5] =	ssyncset.done $0x0  }
0x9f: {  	s14 =	sadd.s32 $0x15480, s12;
	[sflag:s5] =	ssyncadd.s32 $0xFFFFC000  }
0xa0: {  	[spmem:s2] =	stream.indirect.scatter.add.f32 [tilespmem:s1], [sflag:$0x3], $0x80, s14, s30, $0xb8;
	[tilespmem:$0x1FC00] =	vst v63  }
0xa1: {  	_ =	swait.ge [sflag:s28], $0x4000  }
0xa2: {  	[sflag:s28] =	ssyncset.done $0x0  }
0xa3: {  	[sflag:s28] =	ssyncadd.s32 $0xFFFFC000  }
0xa4: {  	[tilespmem:s1], [sflag:$0x2] =	stream.indirect.gather [hbm4b:s4+s30], $0x80, s6, s30, $0xb8;
	[tilespmem:$0x1FC00] =	vst v63  }
0xa5: {  	_ =	swait.ge [sflag:s3], $0x4000  }
0xa6: {  	[sflag:s3] =	ssyncset.done $0x0  }
0xa7: {  	[sflag:s3] =	ssyncadd.s32 $0xFFFFC000  }
0xa8: {  	[spmem:s2] =	stream.indirect.scatter.add.f32 [tilespmem:s31], [sflag:$0x3], $0x80, s8, s30, $0xb8;
	[tilespmem:$0x1FC00] =	vst v63  }
0xa9: {  	_ =	swait.ge [sflag:s28], $0x4000  }
0xaa: {  	[sflag:s28] =	ssyncset.done $0x0  }
0xab: {  	[sflag:s28] =	ssyncadd.s32 $0xFFFFC000  }
0xac: {  	_ =	swait.ge [sflag:s5], $0x4000  }
0xad: {  	[sflag:s5] =	ssyncset.done $0x0  }
0xae: {  	[sflag:s5] =	ssyncadd.s32 $0xFFFFC000  }
0xaf: {  	[spmem:s2] =	stream.indirect.scatter.add.f32 [tilespmem:s1], [sflag:$0x3], $0x80, s9, s30, $0xb8;
	[tilespmem:$0x1FC00] =	vst v63  }
0xb0: {  	_ =	swait.ge [sflag:s28], $0x4000  }
0xb1: {  	[sflag:s28] =	ssyncset.done $0x0  }
0xb2: {  	s15 =	simm.s32 $0x0;
	s16 =	rddreg [dreg:$0x4];
	[sflag:s28] =	ssyncadd.s32 $0xFFFFC000  }
0xb3: {  	[tilespmem:s26], [sflag:$0x3] =	stream.linear.gather [hbm4b:s16+s15], $0x1400, $0x38;
	[tilespmem:$0x1FC00] =	vst v63  }
0xb4: {  	_ =	swait.ge [sflag:s28], $0x1400  }
0xb5: {  	[sflag:s28] =	ssyncset.done $0x0  }
0xb6: {  	[sflag:s28] =	ssyncadd.s32 $0xFFFFEC00  }
0xb7: {  	[tilespmem:s29], [sflag:$0x3] =	stream.linear.gather [hbm4b:s11+s15], $0x1400, $0x38;
	[tilespmem:$0x1FC00] =	vst v63  }
0xb8: {  	_ =	swait.ge [sflag:s28], $0x1400  }
0xb9: {  	[sflag:s28] =	ssyncset.done $0x0  }
0xba: {  	[sflag:s28] =	ssyncadd.s32 $0xFFFFEC00  }
0xbb: {  	[tilespmem:s31], [sflag:$0x1] =	stream.indirect.gather [hbm4b:s4+s30], $0x80, s26, s30, $0xb8;
	[tilespmem:$0x1FC00] =	vst v63  }
0xbc: {  	s13 =	simm.s32 $0x14080  }
0xbd: {  	[tilespmem:s1], [sflag:$0x2] =	stream.indirect.gather [hbm4b:s4+s30], $0x80, s13, s30, $0xb8;
	[tilespmem:$0x1FC00] =	vst v63  }
0xbe: {  	_ =	swait.ge [sflag:s3], $0x4000  }
0xbf: {  	[sflag:s3] =	ssyncset.done $0x0  }
0xc0: {  	s14 =	simm.s32 $0x15400;
	[sflag:s3] =	ssyncadd.s32 $0xFFFFC000  }
0xc1: {  	[spmem:s2] =	stream.indirect.scatter.add.f32 [tilespmem:s31], [sflag:$0x3], $0x80, s14, s30, $0xb8;
	[tilespmem:$0x1FC00] =	vst v63  }
0xc2: {  	_ =	swait.ge [sflag:s28], $0x4000  }
0xc3: {  	[sflag:s28] =	ssyncset.done $0x0  }
0xc4: {  	s15 =	simm.s32 $0x14100;
	[sflag:s28] =	ssyncadd.s32 $0xFFFFC000  }
0xc5: {  	[tilespmem:s31], [sflag:$0x1] =	stream.indirect.gather [hbm4b:s4+s30], $0x80, s15, s30, $0xb8;
	[tilespmem:$0x1FC00] =	vst v63  }
0xc6: {  	_ =	swait.ge [sflag:s5], $0x4000  }
0xc7: {  	[sflag:s5] =	ssyncset.done $0x0  }
0xc8: {  	s16 =	simm.s32 $0x15480;
	[sflag:s5] =	ssyncadd.s32 $0xFFFFC000  }
0xc9: {  	[spmem:s2] =	stream.indirect.scatter.add.f32 [tilespmem:s1], [sflag:$0x3], $0x80, s16, s30, $0xb8;
	[tilespmem:$0x1FC00] =	vst v63  }
0xca: {  	_ =	swait.ge [sflag:s28], $0x4000  }
0xcb: {  	s12 =	simm.s32 $0x800;
	s11 =	simm.s32 $0x100;
	[sflag:s28] =	ssyncset.done $0x0  }
.LBB2_6:
0xcc: {  	s13 =	sadd.s32 $0x14080, s11  }
0xcd: {  	[sflag:s28] =	ssyncadd.s32 $0xFFFFC000;
	s14 =	smov.u32 s12;
	s15 =	sadd.s32 $0x400, s12  }
0xce: {  	[tilespmem:s1], [sflag:$0x2] =	stream.indirect.gather [hbm4b:s4+s30], $0x80, s13, s30, $0xb8;
	[tilespmem:$0x1FC00] =	vst v63  }
0xcf: {  	p0 =	sne.s32 s12, $0x4800;
	_ =	swait.ge [sflag:s3], $0x4000  }
0xd0: {  	[sflag:s3] =	ssyncset.done $0x0  }
0xd1: {  	s12 =	sadd.s32 $0x15400, s11;
	[sflag:s3] =	ssyncadd.s32 $0xFFFFC000  }
0xd2: {  	[spmem:s2] =	stream.indirect.scatter.add.f32 [tilespmem:s31], [sflag:$0x3], $0x80, s12, s30, $0xb8;
	[tilespmem:$0x1FC00] =	vst v63  }
0xd3: {  	_ =	swait.ge [sflag:s28], $0x4000  }
0xd4: {  	[sflag:s28] =	ssyncset.done $0x0  }
0xd5: {  	s12 =	sadd.s32 $0x14100, s11;
	[sflag:s28] =	ssyncadd.s32 $0xFFFFC000  }
0xd6: {  	[tilespmem:s31], [sflag:$0x1] =	stream.indirect.gather [hbm4b:s4+s30], $0x80, s12, s30, $0xb8;
	[tilespmem:$0x1FC00] =	vst v63  }
0xd7: {  	_ =	swait.ge [sflag:s5], $0x4000  }
.Ltmp2:
0xd8: {  	[sflag:s5] =	ssyncset.done $0x0;
	(pc) =	sbr.rel @p0 .LBB2_6-.Ltmp2, $4  }
0xd9: {  	s11 =	sadd.s32 $0x15480, s11;
	[sflag:s5] =	ssyncadd.s32 $0xFFFFC000  }
0xda: {  	[spmem:s2] =	stream.indirect.scatter.add.f32 [tilespmem:s1], [sflag:$0x3], $0x80, s11, s30, $0xb8;
	[tilespmem:$0x1FC00] =	vst v63  }
0xdb: {  	_ =	swait.ge [sflag:s28], $0x4000  }
0xdc: {  	s12 =	smov.u32 s15;
	s11 =	sshra.s32 s14, $0x2;
	[sflag:s28] =	ssyncset.done $0x0  }
0xdd: {  	s12 =	sadd.s32 $0x14080, s11;
	[sflag:s28] =	ssyncadd.s32 $0xFFFFC000  }
0xde: {  	[tilespmem:s1], [sflag:$0x2] =	stream.indirect.gather [hbm4b:s4+s30], $0x80, s12, s30, $0xb8;
	[tilespmem:$0x1FC00] =	vst v63  }
0xdf: {  	_ =	swait.ge [sflag:s3], $0x4000  }
0xe0: {  	[sflag:s3] =	ssyncset.done $0x0  }
0xe1: {  	s15 =	sadd.s32 $0x15400, s11;
	[sflag:s3] =	ssyncadd.s32 $0xFFFFC000  }
0xe2: {  	[spmem:s2] =	stream.indirect.scatter.add.f32 [tilespmem:s31], [sflag:$0x3], $0x80, s15, s30, $0xb8;
	[tilespmem:$0x1FC00] =	vst v63  }
0xe3: {  	_ =	swait.ge [sflag:s28], $0x4000  }
0xe4: {  	[sflag:s28] =	ssyncset.done $0x0  }
0xe5: {  	s16 =	sadd.s32 $0x14100, s11;
	[sflag:s28] =	ssyncadd.s32 $0xFFFFC000  }
0xe6: {  	[tilespmem:s31], [sflag:$0x1] =	stream.indirect.gather [hbm4b:s4+s30], $0x80, s16, s30, $0xb8;
	[tilespmem:$0x1FC00] =	vst v63  }
0xe7: {  	_ =	swait.ge [sflag:s5], $0x4000  }
0xe8: {  	[sflag:s5] =	ssyncset.done $0x0  }
0xe9: {  	s13 =	sadd.s32 $0x15480, s11;
	[sflag:s5] =	ssyncadd.s32 $0xFFFFC000  }
0xea: {  	[spmem:s2] =	stream.indirect.scatter.add.f32 [tilespmem:s1], [sflag:$0x3], $0x80, s13, s30, $0xb8;
	[tilespmem:$0x1FC00] =	vst v63  }
0xeb: {  	_ =	swait.ge [sflag:s28], $0x4000  }
0xec: {  	[sflag:s28] =	ssyncset.done $0x0  }
0xed: {  	[sflag:s28] =	ssyncadd.s32 $0xFFFFC000  }
0xee: {  	[tilespmem:s1], [sflag:$0x2] =	stream.indirect.gather [hbm4b:s4+s30], $0x80, s6, s30, $0xb8;
	[tilespmem:$0x1FC00] =	vst v63  }
0xef: {  	_ =	swait.ge [sflag:s3], $0x4000  }
0xf0: {  	[sflag:s3] =	ssyncset.done $0x0  }
0xf1: {  	[sflag:s3] =	ssyncadd.s32 $0xFFFFC000  }
0xf2: {  	[spmem:s2] =	stream.indirect.scatter.add.f32 [tilespmem:s31], [sflag:$0x3], $0x80, s8, s30, $0xb8;
	[tilespmem:$0x1FC00] =	vst v63  }
0xf3: {  	_ =	swait.ge [sflag:s28], $0x4000  }
0xf4: {  	[sflag:s28] =	ssyncset.done $0x0  }
0xf5: {  	[sflag:s28] =	ssyncadd.s32 $0xFFFFC000  }
0xf6: {  	_ =	swait.ge [sflag:s5], $0x4000  }
0xf7: {  	[sflag:s5] =	ssyncset.done $0x0  }
0xf8: {  	[sflag:s5] =	ssyncadd.s32 $0xFFFFC000  }
0xf9: {  	[spmem:s2] =	stream.indirect.scatter.add.f32 [tilespmem:s1], [sflag:$0x3], $0x80, s9, s30, $0xb8;
	[tilespmem:$0x1FC00] =	vst v63  }
0xfa: {  	_ =	swait.ge [sflag:s28], $0x4000  }
0xfb: {  	s14 =	stileid.u32;
	[sflag:s28] =	ssyncset.done $0x0  }
0xfc: {  	s11 =	sshll.u32 s14, $0x6;
	[sflag:s28] =	ssyncadd.s32 $0xFFFFC000  }
0xfd: {  	s11 =	sor.u32 $0x1C03, s11;
	s15 =	sshrl.u32 s7, $0x3;
	[bflag:$0x0] =	sbarrier.arrive $0xFFFF  }
0xfe: {  	[hbm:s24], [sflag:s11] =	dma.local [spmem:s15], $0x2800  }
0xff: {  	_ =	swait.ge [sflag:s28], $0x2800  }
0x100: {  	s10 =	sadd.s32 $0x1, s10;
	s16 =	rddreg [dreg:$0x5]  }
0x101: {  	p0 =	sne.s32 s10, s16  }
.Ltmp3:
0x102: {  	_ = 	snop;
	(pc) =	sbr.rel @p0 .LBB2_1-.Ltmp3, $3  }
0x103: {  	_ =	sdelay $0x1  }
0x104: {  	[sflag:s28] =	ssyncset.done $0x0  }
0x105: {  	[sflag:s28] =	ssyncadd.s32 $0xFFFFD800  }
0x106: {  	_ =	sfence.sel $0x180000  }
0x107: {  	[bflag:$0x0] =	sbarrier.arrive $0xFFFF  }
0x108: {  	_ =	strace $0x9000004A  }
0x109: {  	s0 =	stileid.u32;
	[bflag:$0x2] =	sbarrier.arrive $0xFFFF  }
0x10a: {  	p0 =	sne.s32 s0, $0x0;
	s0 =	rddreg [dreg:$0x2]  }
0x10b: {  	s0 =	sadd.s32 @!p0 $0x100000, s0  }
0x10c: {  	[sflag:s0] =	ssyncadd.tile.s32 @!p0 $0x1;
	_ =	shalt  }
.Lfunc_end2:
_tile_overlayer_lowered:
.L_overlay_start_2:
0x10d: {  	(tag) =	ssettag $0x2  }
0x10e: {  	s0 =	rddreg [dreg:$0x0];
	s2 =	stileid.u32  }
0x10f: {  	s1 =	rddreg [dreg:$0x1];
	p0 =	sne.s32 s2, $0x0  }
0x110: {  	s3 =	rddreg [dreg:$0x2];
	[bflag:$0x3] =	sbarrier.arrive $0xFFFF;
	s2 =	simm.s32 @!p0 $0x1C03  }
0x111: {  	[timem:s3], [sflag:s2] =	dma.local @!p0 [hbm:s0], s1  }
0x112: {  	s0 =	simm.s32 @!p0 $0x3  }
0x113: {  	_ =	swait.ge @!p0 [sflag:s0], s1  }
0x114: {  	s1 =	ssub.s32 @!p0 $0x0, s1;
	[sflag:s0] =	ssyncset.done @!p0 $0x0  }
0x115: {  	[sflag:s0] =	ssyncadd.s32 @!p0 s1  }
0x116: {  	[bflag:$0x3] =	sbarrier.arrive $0xFFFF  }
0x117: {  	_ =	shalt  }

// kernel: kernel.15.cloned.1.call-start
scs
__scs_entry_jumppad:
0x0: {  	(pc) =	sbr.rel $0x88, $3  }
0x1: {  	(tag) =	ssettag $0x0;
	lr =	simm.s32 $0x1  }
0x2: {  	[smem:$0x3F96] =	sst lr;
	_ =	strace $0xD0000000  }
0x3: {  	_ = 	snop  }
0x4: {  	_ = 	snop  }
0x5: {  	_ = 	snop  }
0x6: {  	_ = 	snop  }
0x7: {  	_ = 	snop  }
__scs_overlays_trampoline_lowered:
0x8: {  	[smem:$0x3FA5] =	sst s0  }
0x9: {  	[smem:$0x3FA6] =	sst s1  }
0xa: {  	[smem:$0x3FA7] =	sst s2  }
0xb: {  	[smem:$0x3FA8] =	sst s3  }
0xc: {  	[smem:$0x3FA9] =	sst s4  }
0xd: {  	[smem:$0x3FAA] =	sst s5  }
0xe: {  	[smem:$0x3FAB] =	sst s6  }
0xf: {  	[smem:$0x3FAC] =	sst s7  }
0x10: {  	[smem:$0x3FAD] =	sst s8  }
0x11: {  	[smem:$0x3FAE] =	sst s9;
	s0 =	simm.s32 @!p0 $0x0  }
0x12: {  	s1 =	sld [smem:$0x3F94];
	s0 =	simm.s32 @p0 $0x1  }
0x13: {  	[smem:$0x3FAF] =	sst s0;
	s0 =	simm.s32 @!p1 $0x0  }
0x14: {  	s2 =	sld [smem:$0x3F93];
	s0 =	simm.s32 @p1 $0x1  }
0x15: {  	[smem:$0x3FB0] =	sst s0;
	s0 =	simm.s32 @!p2 $0x0  }
0x16: {  	s3 =	sld [smem:$0x3FDB];
	s0 =	simm.s32 @p2 $0x1  }
0x17: {  	s4 =	simm.s32 $0x1BF5;
	[smem:$0x3FB2] =	sst s0  }
0x18: {  	s0 =	sld [smem:$0x3F95];
	_ =	swait.ge [sflag:s4], $0x0  }
0x19: {  	s7 =	sld [smem:$0x3F96]  }
0x1a: {  	s8 =	sadd.s32 $0xFFFFE003, lr  }
0x1b: {  	s9 =	sadd.s32 $0xFFFFFEF7, lr;
	s5 =	simm.s32 $0xFFFFFFFF;
	p2 =	slt.u32 s8, $0xFFFFF086  }
0x1c: {  	p1 =	slt.u32 s9, $0xF7A;
	s5 =	simm.s32 @!p2 $0x0  }
0x1d: {  	s5 =	simm.s32 @p1 $0x1;
	p0 =	seq.s32 s7, s2  }
0x1e: {  	s7 =	smul.u32 @!p0 $0xF7A, s2;
	p2 =	seq.s32 @!p0 s5, $0x0  }
0x1f: {  	s9 =	smul.u32 $0xF7A, s1;
	s8 =	simm.s32 @!p0 $0x1BF5;
	p2 =	por !p2, p0  }
0x20: {  	[sflag:s8] =	ssyncset.s32 @!p0 $0xFFFFF086;
	s6 =	sadd.s32 @!p0 s3, s7;
	s7 =	simm.s32 @!p0 $0x108  }
0x21: {  	s3 =	sadd.s32 s3, s9;
	s6 =	sadd.s32 @!p0 $0x88, s6;
	s7 =	simm.s32 @p2 $0x1082  }
0x22: {  	[simem:s7], [sflag:s8] =	dma.local @!p0 [hbm:s6], $0xF7A  }
0x23: {  	s9 =	sor.u32 $0xD0000000, s2;
	s6 =	simm.s32 $0x108;
	_ =	swait.ge @!p0 [sflag:s8], $0x0  }
0x24: {  	s3 =	sadd.s32 $0x88, s3;
	s6 =	simm.s32 @!p1 $0x1082;
	[sflag:s4] =	ssyncset.s32 $0xFFFFF086  }
0x25: {  	[simem:s6], [sflag:s4] =	dma.local [hbm:s3], $0xF7A  }
0x26: {  	[smem:$0x3F96] =	sst s1;
	(tag) =	ssettag s2;
	_ =	strace s9  }
0x27: {  	s1 =	sld [smem:$0x3FA6]  }
0x28: {  	s2 =	sld [smem:$0x3FA7]  }
0x29: {  	s4 =	sld [smem:$0x3FA9]  }
0x2a: {  	p0 =	seq.s32 s5, $0x0;
	s5 =	sld [smem:$0x3FAA]  }
0x2b: {  	s6 =	sld [smem:$0x3FAB]  }
0x2c: {  	s7 =	sld [smem:$0x3FAC]  }
0x2d: {  	s3 =	simm.s32 $0x108;
	s8 =	sld [smem:$0x3FAD]  }
0x2e: {  	s3 =	simm.s32 @!p0 $0x1082;
	s9 =	sld [smem:$0x3FAE]  }
0x2f: {  	lr =	sadd.s32 s0, s3;
	s0 =	sld [smem:$0x3FA5]  }
0x30: {  	s3 =	sld [smem:$0x3FA8]  }
0x31: {  	[smem:$0x3FB1] =	sst s10  }
0x32: {  	s10 =	sld [smem:$0x3FAF];
	_ =	sdelay $0x3  }
0x33: {  	p0 =	seq.s32 s10, $0x1;
	s10 =	sld [smem:$0x3FB1];
	_ =	sdelay $0x3  }
0x34: {  	[smem:$0x3FB1] =	sst s10  }
0x35: {  	s10 =	sld [smem:$0x3FB0];
	_ =	sdelay $0x3  }
0x36: {  	p1 =	seq.s32 s10, $0x1;
	s10 =	sld [smem:$0x3FB1];
	_ =	sdelay $0x3  }
0x37: {  	[smem:$0x3FB1] =	sst s10  }
0x38: {  	s10 =	sld [smem:$0x3FB2]  }
0x39: {  	_ = 	snop;
	(pc) =	sbr.ind lr, $3  }
0x3a: {  	_ = 	snop  }
0x3b: {  	_ = 	snop  }
0x3c: {  	p2 =	seq.s32 s10, $0x1;
	s10 =	sld [smem:$0x3FB1]  }
0x3d: {  	_ =	shalt  }
0x3e: {  	_ =	shalt  }
0x3f: {  	_ =	shalt  }
0x40: {  	_ =	shalt  }
0x41: {  	_ =	shalt  }
0x42: {  	_ =	shalt  }
0x43: {  	_ =	shalt  }
0x44: {  	_ =	shalt  }
0x45: {  	_ =	shalt  }
0x46: {  	_ =	shalt  }
0x47: {  	_ =	shalt  }
0x48: {  	_ =	shalt  }
0x49: {  	_ =	shalt  }
0x4a: {  	_ =	shalt  }
0x4b: {  	_ =	shalt  }
0x4c: {  	_ =	shalt  }
0x4d: {  	_ =	shalt  }
0x4e: {  	_ =	shalt  }
0x4f: {  	_ =	shalt  }
0x50: {  	_ =	shalt  }
0x51: {  	_ =	shalt  }
0x52: {  	_ =	shalt  }
0x53: {  	_ =	shalt  }
0x54: {  	_ =	shalt  }
0x55: {  	_ =	shalt  }
0x56: {  	_ =	shalt  }
0x57: {  	_ =	shalt  }
0x58: {  	_ =	shalt  }
0x59: {  	_ =	shalt  }
0x5a: {  	_ =	shalt  }
0x5b: {  	_ =	shalt  }
0x5c: {  	_ =	shalt  }
0x5d: {  	_ =	shalt  }
0x5e: {  	_ =	shalt  }
0x5f: {  	_ =	shalt  }
0x60: {  	_ =	shalt  }
0x61: {  	_ =	shalt  }
0x62: {  	_ =	shalt  }
0x63: {  	_ =	shalt  }
0x64: {  	_ =	shalt  }
0x65: {  	_ =	shalt  }
0x66: {  	_ =	shalt  }
0x67: {  	_ =	shalt  }
0x68: {  	_ =	shalt  }
0x69: {  	_ =	shalt  }
0x6a: {  	_ =	shalt  }
0x6b: {  	_ =	shalt  }
0x6c: {  	_ =	shalt  }
0x6d: {  	_ =	shalt  }
0x6e: {  	_ =	shalt  }
0x6f: {  	_ =	shalt  }
0x70: {  	_ =	shalt  }
0x71: {  	_ =	shalt  }
0x72: {  	_ =	shalt  }
0x73: {  	_ =	shalt  }
0x74: {  	_ =	shalt  }
0x75: {  	_ =	shalt  }
0x76: {  	_ =	shalt  }
0x77: {  	_ =	shalt  }
0x78: {  	_ =	shalt  }
0x79: {  	_ =	shalt  }
0x7a: {  	_ =	shalt  }
0x7b: {  	_ =	shalt  }
0x7c: {  	_ =	shalt  }
0x7d: {  	_ =	shalt  }
0x7e: {  	_ =	shalt  }
0x7f: {  	_ =	shalt  }
0x80: {  	_ =	shalt  }
0x81: {  	_ =	shalt  }
0x82: {  	_ =	shalt  }
0x83: {  	_ =	shalt  }
0x84: {  	_ =	shalt  }
0x85: {  	_ =	shalt  }
0x86: {  	_ =	shalt  }
0x87: {  	_ =	shalt  }
.Lfunc_end0:
.L_simem_size_0:
called_computation.2_lowered:
.L_overlay_start_0:
0x88: {  	s2 =	sld [smem:$0x3FD9]  }
0x89: {  	s3 =	sld [smem:$0x3FFE];
	_ =	sdelay $0x1  }
0x8a: {  	s1 =	srdreg.scid  }
0x8b: {  	s0 =	sand.u32 $0x1, s1  }
0x8c: {  	s16 =	sshll.u32 s0, $0xA;
	s2 =	sadd.s32 s3, s2  }
0x8d: {  	s2 =	sadd.s32 s2, s16  }
0x8e: {  	[smem:$0x3FBD] =	sst s2  }
0x8f: {  	_ = 	snop  }
0x90: {  	(tm) =	ssettm $0x1  }
0x91: {  	s17 =	sld [smem:$0x3FFB];
	_ =	sdelay $0x3  }
0x92: {  	_ =	strace s17  }
0x93: {  	s2 =	sld [smem:$0x3FFC];
	_ =	sdelay $0x3  }
0x94: {  	_ =	strace s2  }
0x95: {  	s2 =	sld [smem:$0x3FFD];
	_ =	sdelay $0x3  }
0x96: {  	_ =	strace s2  }
0x97: {  	_ =	strace $0x8FFFFFFF  }
0x98: {  	s18 =	sld [smem:$0x3FDB];
	_ =	sdelay $0x1  }
0x99: {  	s19 =	simm.s32 $_scs_section_size  }
0x9a: {  	s4 =	simm.s32 $_size__tile_overlayer_lowered;
	s5 =	simm.s32 $_tile_overlayer_lowered  }
0x9b: {  	s22 =	simm.s32 $0x1BFF;
	s21 =	sshll.u32 s5, $0x1;
	s2 =	sadd.s32 s19, s18  }
0x9c: {  	s6 =	simm.s32 $0x0;
	s20 =	sshll.u32 s4, $0x1;
	s4 =	sadd.s32 s21, s2  }
0x9d: {  	[timem:s6], [sflag:s22] =	dma.local [hbm:s4], s20  }
0x9e: {  	_ =	swait.ge [sflag:s22], s20  }
0x9f: {  	s3 =	ssub.s32 $0x0, s20;
	[sflag:s22] =	ssyncset.done $0x0  }
0xa0: {  	[sflag:s22] =	ssyncadd.s32 s3;
	_ =	sdelay $0x1  }
0xa1: {  	s23 =	simm.s32 $0x1B8B  }
0xa2: {  	_ =	swait.ge [sflag:s23], $0x1  }
0xa3: {  	[sflag:s23] =	ssyncset.done $0x0  }
0xa4: {  	s25 =	simm.s32 $0x1B8E;
	s24 =	sld [smem:$0x3FFE];
	[sflag:s23] =	ssyncadd.s32 $0xFFFFFFFF  }
0xa5: {  	s26 =	simm.s32 $execute0_lowered;
	[smem:$0x3FD2] =	sst s25  }
0xa6: {  	s4 =	sshll.u32 s26, $0x1;
	_ =	strace $0x8000004C;
	[dreg:$0x1] =	wrdreg $0xFFFFFFFF  }
0xa7: {  	s28 =	simm.s32 $_size_execute0_lowered;
	s2 =	sadd.s32 s2, s4;
	[dreg:$0x0] =	wrdreg $0x0  }
0xa8: {  	s4 =	sshll.u32 s28, $0x1;
	[dreg:$0x2] =	wrdreg s2  }
0xa9: {  	[dreg:$0x3] =	wrdreg s4  }
0xaa: {  	[dreg:$0x4] =	wrdreg $0xC0  }
0xab: {  	_ =	task [dreg:s6], $0x5FFFF  }
0xac: {  	[dreg:$0x1] =	wrdreg $0xFFFFFFFF  }
0xad: {  	[dreg:$0x0] =	wrdreg $0x60  }
0xae: {  	[dreg:$0x2] =	wrdreg s24  }
0xaf: {  	[dreg:$0x3] =	wrdreg $0x0  }
0xb0: {  	[dreg:$0x4] =	wrdreg $0x9  }
0xb1: {  	_ =	task.clear_ibuf [dreg:s6], $0x5FFFF;
	_ =	strace $0x9000004C  }
0xb2: {  	s29 =	simm.s32 $0x9;
	_ =	strace $0x8000004E  }
0xb3: {  	_ =	swait.ge [sflag:s29], $0x1  }
0xb4: {  	[sflag:s29] =	ssyncadd.s32 $0xFFFFFFFF  }
0xb5: {  	_ =	strace $0x9000004E  }
0xb6: {  	_ =	sfence  }
0xb7: {  	s30 =	sld [smem:$0x0];
	_ =	sdelay $0x2  }
0xb8: {  	s31 =	sshll.u32 s1, $0xD;
	s1 =	sshrl.u32 s1, $0x2  }
0xb9: {  	s3 =	sand.u32 $0x4000, s31;
	s1 =	sadd.s32 s1, s30  }
0xba: {  	s0 =	sor.u32 s3, s0;
	s1 =	sshll.u32 s1, $0x11  }
0xbb: {  	s0 =	sor.u32 s1, s0  }
0xbc: {  	s0 =	sadd.s32 $0x8F2B, s0  }
0xbd: {  	[sflag:s0] =	ssyncadd.remote.s32 $0x1  }
0xbe: {  	_ =	sfence.sel $0xFFFF  }
0xbf: {  	[dreg:$0x0] =	wrdreg $0xFFFFFFFF;
	(pc) =	sbr.abs _section_cstart, $3  }
0xc0: {  	[dreg:$0x1] =	wrdreg $0xFFFFFFFF  }
0xc1: {  	_ =	task.clear_ibuf [dreg:s6], $0x2FFFF;
	_ =	strace $0x9FFFFFFF  }
0xc2: {  	(tm) =	ssettm $0x7FFFFFFF  }
0xc3: {  	_ =	shalt  }
tec
execute0_lowered:
.L_overlay_start_1:
0x0: {  	(tag) =	ssettag $0x1  }
0x1: {  	s0 =	srdreg.scid;
	s1 =	rddreg [dreg:$0x0]  }
0x2: {  	s2 =	rddreg [dreg:$0x1];
	s9 =	stileid.u32;
	s4 =	simm.s32 $0x0  }
0x3: {  	s28 =	simm.s32 $0x3;
	s29 =	simm.s32 $0x15400;
	s30 =	simm.s32 $0x80  }
0x4: {  	s31 =	simm.s32 $0x16800;
	s10 =	simm.s32 $0x0;
	s0 =	sand.u32 $0x1, s0  }
0x5: {  	[smem:$0x7FF] =	sst s4;
	s4 =	sadd.s32 $0x16800, s1;
	s8 =	smul.u32 $0x50000, s9  }
0x6: {  	s3 =	sshll.u32 s0, $0x4;
	s5 =	smul.u32 $0x28000, s0;
	s0 =	ssub.s32 $0x2, s0  }
0x7: {  	s16 =	smul.u32 $0x2800, s9;
	_ =	strace $0x8000004D;
	s7 =	sshrl.u32 s0, $0x1  }
0x8: {  	s3 =	sor.u32 s9, s3;
	s15 =	sshrl.u32 s8, $0x2;
	s0 =	ssub.s32 s0, s7  }
0x9: {  	s8 =	simm.s32 $0x16700;
	s7 =	sadd.s32 s15, s2;
	s0 =	smax.u32 s0, $0x1  }
0xa: {  	s9 =	simm.s32 $0x16780;
	s19 =	sadd.s32 $0x1400, s7;
	[dreg:$0x5] =	wrdreg s0  }
0xb: {  	s3 =	smul.u32 $0x500, s3;
	s20 =	sadd.s32 $0x2800, s7;
	[dreg:$0x6] =	wrdreg s19  }
0xc: {  	s5 =	sadd.s32 s5, s1;
	s21 =	sadd.s32 $0x3C00, s7;
	[dreg:$0x7] =	wrdreg s20  }
0xd: {  	s5 =	sadd.s32 $0x3DA00, s5;
	s22 =	sadd.s32 $0x5000, s7;
	[dreg:$0x8] =	wrdreg s21  }
0xe: {  	s23 =	sadd.s32 $0x6400, s7;
	s24 =	sadd.s32 $0x7800, s7;
	[dreg:$0x9] =	wrdreg s22  }
0xf: {  	s25 =	sadd.s32 $0x8C00, s7;
	s26 =	sadd.s32 $0xA000, s7;
	[dreg:$0xa] =	wrdreg s23  }
0x10: {  	s17 =	sadd.s32 $0xB400, s7;
	s18 =	sadd.s32 $0xC800, s7;
	[dreg:$0xb] =	wrdreg s24  }
0x11: {  	s6 =	sadd.s32 s3, s1;
	s1 =	sadd.s32 $0xC800, s1;
	[dreg:$0xc] =	wrdreg s25  }
0x12: {  	[dreg:$0xd] =	wrdreg s26;
	s19 =	sadd.s32 $0xDC00, s7;
	s20 =	sadd.s32 $0xF000, s7  }
0x13: {  	s21 =	sadd.s32 $0x10400, s7;
	s23 =	sadd.s32 $0x11800, s7;
	s24 =	sadd.s32 s16, s5  }
0x14: {  	s25 =	sadd.s32 $0x12C00, s7;
	s26 =	simm.s32 $0x14000;
	s0 =	simm.s32 $0x1E800  }
0x15: {  	s5 =	simm.s32 $0x2;
	s14 =	sadd.s32 $0x2800, s6;
	s6 =	sadd.s32 $0x2A80, s6  }
0x16: {  	s22 =	sadd.s32 s3, s1;
	s1 =	simm.s32 $0x1A800;
	[dreg:$0x3] =	wrdreg s14  }
0x17: {  	v0 =	vimm.f32 $0.0e+00;
	s3 =	simm.s32 $0x1;
	[dreg:$0x4] =	wrdreg s6;
	s6 =	simm.s32 $0x15380  }
.LBB2_1:
0x18: {  	s11 =	simm.s32 $0x0;
	s12 =	rddreg [dreg:$0x3]  }
0x19: {  	[tilespmem:s26], [sflag:$0x3] =	stream.linear.gather [hbm4b:s12+s11], $0x1400, $0x38;
	[tilespmem:$0x1FC00] =	vst v63  }
0x1a: {  	_ =	swait.ge [sflag:s28], $0x1400  }
0x1b: {  	[sflag:s28] =	ssyncset.done $0x0  }
0x1c: {  	[sflag:s28] =	ssyncadd.s32 $0xFFFFEC00  }
0x1d: {  	[tilespmem:s29], [sflag:$0x3] =	stream.linear.gather [hbm4b:s22+s11], $0x1400, $0x38;
	[tilespmem:$0x1FC00] =	vst v63  }
0x1e: {  	_ =	swait.ge [sflag:s28], $0x1400  }
0x1f: {  	[sflag:s28] =	ssyncset.done $0x0  }
0x20: {  	s12 =	simm.s32 $0x3C0;
	s11 =	simm.s32 $0x70;
	[sflag:s28] =	ssyncadd.s32 $0xFFFFEC00  }
0x21: {  	[tilespmem:s31], [sflag:$0x1] =	stream.indirect.gather [hbm4b:s4+s30], $0x80, s26, s30, $0xb8;
	[tilespmem:$0x1FC00] =	vst v63  }
.LBB2_2:
0x22: {  	p0 =	sne.s32 s12, $0x4FC0;
	[tilespmem:s11+$0x1E800] =	vst v0  }
0x23: {  	[tilespmem:s11+$0x1E790] =	vst v0  }
0x24: {  	[tilespmem:s11+$0x1E7A0] =	vst v0  }
.Ltmp0:
0x25: {  	[tilespmem:s11+$0x1E7B0] =	vst v0;
	(pc) =	sbr.rel @p0 .LBB2_2-.Ltmp0, $4  }
0x26: {  	[tilespmem:s11+$0x1E7C0] =	vst v0  }
0x27: {  	[tilespmem:s11+$0x1E7D0] =	vst v0  }
0x28: {  	[tilespmem:s11+$0x1E7E0] =	vst v0  }
0x29: {  	[tilespmem:s11+$0x1E7F0] =	vst v0;
	s11 =	sshra.s32 s12, $0x2;
	s12 =	sadd.s32 $0x200, s12  }
0x2a: {  	[tilespmem:s11+$0x1E800] =	vst v0  }
0x2b: {  	[tilespmem:s11+$0x1E790] =	vst v0  }
0x2c: {  	[tilespmem:s11+$0x1E7A0] =	vst v0  }
0x2d: {  	[tilespmem:s11+$0x1E7B0] =	vst v0  }
0x2e: {  	[tilespmem:s11+$0x1E7C0] =	vst v0  }
0x2f: {  	[tilespmem:s11+$0x1E7D0] =	vst v0  }
0x30: {  	[tilespmem:s11+$0x1E7E0] =	vst v0  }
0x31: {  	[tilespmem:s11+$0x1E7F0] =	vst v0  }
0x32: {  	[spmem:s7] =	stream.linear.scatter [tilespmem:s0], [sflag:$0x3], $0x1400, $0x38;
	[tilespmem:$0x1FC00] =	vst v63  }
0x33: {  	_ =	swait.ge [sflag:s28], $0x1400  }
0x34: {  	[sflag:s28] =	ssyncset.done $0x0  }
0x35: {  	s15 =	rddreg [dreg:$0x6];
	[sflag:s28] =	ssyncadd.s32 $0xFFFFEC00  }
0x36: {  	[spmem:s15] =	stream.linear.scatter [tilespmem:s0], [sflag:$0x3], $0x1400, $0x38;
	[tilespmem:$0x1FC00] =	vst v63  }
0x37: {  	_ =	swait.ge [sflag:s28], $0x1400  }
0x38: {  	[sflag:s28] =	ssyncset.done $0x0  }
0x39: {  	s16 =	rddreg [dreg:$0x7];
	[sflag:s28] =	ssyncadd.s32 $0xFFFFEC00  }
0x3a: {  	[spmem:s16] =	stream.linear.scatter [tilespmem:s0], [sflag:$0x3], $0x1400, $0x38;
	[tilespmem:$0x1FC00] =	vst v63  }
0x3b: {  	_ =	swait.ge [sflag:s28], $0x1400  }
0x3c: {  	[sflag:s28] =	ssyncset.done $0x0  }
0x3d: {  	s12 =	rddreg [dreg:$0x8];
	[sflag:s28] =	ssyncadd.s32 $0xFFFFEC00  }
0x3e: {  	[spmem:s12] =	stream.linear.scatter [tilespmem:s0], [sflag:$0x3], $0x1400, $0x38;
	[tilespmem:$0x1FC00] =	vst v63  }
0x3f: {  	_ =	swait.ge [sflag:s28], $0x1400  }
0x40: {  	[sflag:s28] =	ssyncset.done $0x0  }
0x41: {  	s13 =	rddreg [dreg:$0x9];
	[sflag:s28] =	ssyncadd.s32 $0xFFFFEC00  }
0x42: {  	[spmem:s13] =	stream.linear.scatter [tilespmem:s0], [sflag:$0x3], $0x1400, $0x38;
	[tilespmem:$0x1FC00] =	vst v63  }
0x43: {  	_ =	swait.ge [sflag:s28], $0x1400  }
0x44: {  	[sflag:s28] =	ssyncset.done $0x0  }
0x45: {  	s14 =	rddreg [dreg:$0xa];
	[sflag:s28] =	ssyncadd.s32 $0xFFFFEC00  }
0x46: {  	[spmem:s14] =	stream.linear.scatter [tilespmem:s0], [sflag:$0x3], $0x1400, $0x38;
	[tilespmem:$0x1FC00] =	vst v63  }
0x47: {  	_ =	swait.ge [sflag:s28], $0x1400  }
0x48: {  	[sflag:s28] =	ssyncset.done $0x0  }
0x49: {  	s15 =	rddreg [dreg:$0xb];
	[sflag:s28] =	ssyncadd.s32 $0xFFFFEC00  }
0x4a: {  	[spmem:s15] =	stream.linear.scatter [tilespmem:s0], [sflag:$0x3], $0x1400, $0x38;
	[tilespmem:$0x1FC00] =	vst v63  }
0x4b: {  	_ =	swait.ge [sflag:s28], $0x1400  }
0x4c: {  	[sflag:s28] =	ssyncset.done $0x0  }
0x4d: {  	s16 =	rddreg [dreg:$0xc];
	[sflag:s28] =	ssyncadd.s32 $0xFFFFEC00  }
0x4e: {  	[spmem:s16] =	stream.linear.scatter [tilespmem:s0], [sflag:$0x3], $0x1400, $0x38;
	[tilespmem:$0x1FC00] =	vst v63  }
0x4f: {  	_ =	swait.ge [sflag:s28], $0x1400  }
0x50: {  	[sflag:s28] =	ssyncset.done $0x0  }
0x51: {  	s12 =	rddreg [dreg:$0xd];
	[sflag:s28] =	ssyncadd.s32 $0xFFFFEC00  }
0x52: {  	[spmem:s12] =	stream.linear.scatter [tilespmem:s0], [sflag:$0x3], $0x1400, $0x38;
	[tilespmem:$0x1FC00] =	vst v63  }
0x53: {  	_ =	swait.ge [sflag:s28], $0x1400  }
0x54: {  	[sflag:s28] =	ssyncset.done $0x0  }
0x55: {  	[sflag:s28] =	ssyncadd.s32 $0xFFFFEC00  }
0x56: {  	[spmem:s17] =	stream.linear.scatter [tilespmem:s0], [sflag:$0x3], $0x1400, $0x38;
	[tilespmem:$0x1FC00] =	vst v63  }
0x57: {  	_ =	swait.ge [sflag:s28], $0x1400  }
0x58: {  	[sflag:s28] =	ssyncset.done $0x0  }
0x59: {  	[sflag:s28] =	ssyncadd.s32 $0xFFFFEC00  }
0x5a: {  	[spmem:s18] =	stream.linear.scatter [tilespmem:s0], [sflag:$0x3], $0x1400, $0x38;
	[tilespmem:$0x1FC00] =	vst v63  }
0x5b: {  	_ =	swait.ge [sflag:s28], $0x1400  }
0x5c: {  	[sflag:s28] =	ssyncset.done $0x0  }
0x5d: {  	[sflag:s28] =	ssyncadd.s32 $0xFFFFEC00  }
0x5e: {  	[spmem:s19] =	stream.linear.scatter [tilespmem:s0], [sflag:$0x3], $0x1400, $0x38;
	[tilespmem:$0x1FC00] =	vst v63  }
0x5f: {  	_ =	swait.ge [sflag:s28], $0x1400  }
0x60: {  	[sflag:s28] =	ssyncset.done $0x0  }
0x61: {  	[sflag:s28] =	ssyncadd.s32 $0xFFFFEC00  }
0x62: {  	[spmem:s20] =	stream.linear.scatter [tilespmem:s0], [sflag:$0x3], $0x1400, $0x38;
	[tilespmem:$0x1FC00] =	vst v63  }
0x63: {  	_ =	swait.ge [sflag:s28], $0x1400  }
0x64: {  	[sflag:s28] =	ssyncset.done $0x0  }
0x65: {  	[sflag:s28] =	ssyncadd.s32 $0xFFFFEC00  }
0x66: {  	[spmem:s21] =	stream.linear.scatter [tilespmem:s0], [sflag:$0x3], $0x1400, $0x38;
	[tilespmem:$0x1FC00] =	vst v63  }
0x67: {  	_ =	swait.ge [sflag:s28], $0x1400  }
0x68: {  	[sflag:s28] =	ssyncset.done $0x0  }
0x69: {  	[sflag:s28] =	ssyncadd.s32 $0xFFFFEC00  }
0x6a: {  	[spmem:s23] =	stream.linear.scatter [tilespmem:s0], [sflag:$0x3], $0x1400, $0x38;
	[tilespmem:$0x1FC00] =	vst v63  }
0x6b: {  	_ =	swait.ge [sflag:s28], $0x1400  }
0x6c: {  	[sflag:s28] =	ssyncset.done $0x0  }
0x6d: {  	[sflag:s28] =	ssyncadd.s32 $0xFFFFEC00  }
0x6e: {  	[spmem:s25] =	stream.linear.scatter [tilespmem:s0], [sflag:$0x3], $0x1400, $0x38;
	[tilespmem:$0x1FC00] =	vst v63  }
0x6f: {  	_ =	swait.ge [sflag:s28], $0x1400  }
0x70: {  	[sflag:s28] =	ssyncset.done $0x0  }
0x71: {  	[sflag:s28] =	ssyncadd.s32 $0xFFFFEC00  }
0x72: {  	s13 =	simm.s32 $0x14080;
	[bflag:$0x0] =	sbarrier.arrive $0xFFFF  }
0x73: {  	[tilespmem:s1], [sflag:$0x2] =	stream.indirect.gather [hbm4b:s4+s30], $0x80, s13, s30, $0xb8;
	[tilespmem:$0x1FC00] =	vst v63  }
0x74: {  	_ =	swait.ge [sflag:s3], $0x4000  }
0x75: {  	[sflag:s3] =	ssyncset.done $0x0  }
0x76: {  	s14 =	simm.s32 $0x15400;
	[sflag:s3] =	ssyncadd.s32 $0xFFFFC000  }
0x77: {  	[spmem:s2] =	stream.indirect.scatter.add.f32 [tilespmem:s31], [sflag:$0x3], $0x80, s14, s30, $0xb8;
	[tilespmem:$0x1FC00] =	vst v63  }
0x78: {  	_ =	swait.ge [sflag:s28], $0x4000  }
0x79: {  	[sflag:s28] =	ssyncset.done $0x0  }
0x7a: {  	s15 =	simm.s32 $0x14100;
	[sflag:s28] =	ssyncadd.s32 $0xFFFFC000  }
0x7b: {  	[tilespmem:s31], [sflag:$0x1] =	stream.indirect.gather [hbm4b:s4+s30], $0x80, s15, s30, $0xb8;
	[tilespmem:$0x1FC00] =	vst v63  }
0x7c: {  	_ =	swait.ge [sflag:s5], $0x4000  }
0x7d: {  	[sflag:s5] =	ssyncset.done $0x0  }
0x7e: {  	s16 =	simm.s32 $0x15480;
	[sflag:s5] =	ssyncadd.s32 $0xFFFFC000  }
0x7f: {  	[spmem:s2] =	stream.indirect.scatter.add.f32 [tilespmem:s1], [sflag:$0x3], $0x80, s16, s30, $0xb8;
	[tilespmem:$0x1FC00] =	vst v63  }
0x80: {  	s11 =	sadd.s32 $0x280, s22;
	_ =	swait.ge [sflag:s28], $0x4000  }
0x81: {  	s12 =	simm.s32 $0x100;
	s13 =	simm.s32 $0x800;
	[sflag:s28] =	ssyncset.done $0x0  }
.LBB2_4:
0x82: {  	s14 =	sadd.s32 $0x14080, s12  }
0x83: {  	[sflag:s28] =	ssyncadd.s32 $0xFFFFC000;
	s15 =	smov.u32 s13;
	s16 =	sadd.s32 $0x400, s13  }
0x84: {  	[tilespmem:s1], [sflag:$0x2] =	stream.indirect.gather [hbm4b:s4+s30], $0x80, s14, s30, $0xb8;
	[tilespmem:$0x1FC00] =	vst v63  }
0x85: {  	p0 =	sne.s32 s13, $0x4800;
	_ =	swait.ge [sflag:s3], $0x4000  }
0x86: {  	[sflag:s3] =	ssyncset.done $0x0  }
0x87: {  	s13 =	sadd.s32 $0x15400, s12;
	[sflag:s3] =	ssyncadd.s32 $0xFFFFC000  }
0x88: {  	[spmem:s2] =	stream.indirect.scatter.add.f32 [tilespmem:s31], [sflag:$0x3], $0x80, s13, s30, $0xb8;
	[tilespmem:$0x1FC00] =	vst v63  }
0x89: {  	_ =	swait.ge [sflag:s28], $0x4000  }
0x8a: {  	[sflag:s28] =	ssyncset.done $0x0  }
0x8b: {  	s13 =	sadd.s32 $0x14100, s12;
	[sflag:s28] =	ssyncadd.s32 $0xFFFFC000  }
0x8c: {  	[tilespmem:s31], [sflag:$0x1] =	stream.indirect.gather [hbm4b:s4+s30], $0x80, s13, s30, $0xb8;
	[tilespmem:$0x1FC00] =	vst v63  }
0x8d: {  	_ =	swait.ge [sflag:s5], $0x4000  }
.Ltmp1:
0x8e: {  	[sflag:s5] =	ssyncset.done $0x0;
	(pc) =	sbr.rel @p0 .LBB2_4-.Ltmp1, $4  }
0x8f: {  	s12 =	sadd.s32 $0x15480, s12;
	[sflag:s5] =	ssyncadd.s32 $0xFFFFC000  }
0x90: {  	[spmem:s2] =	stream.indirect.scatter.add.f32 [tilespmem:s1], [sflag:$0x3], $0x80, s12, s30, $0xb8;
	[tilespmem:$0x1FC00] =	vst v63  }
0x91: {  	_ =	swait.ge [sflag:s28], $0x4000  }
0x92: {  	s13 =	smov.u32 s16;
	s12 =	sshra.s32 s15, $0x2;
	[sflag:s28] =	ssyncset.done $0x0  }
0x93: {  	s13 =	sadd.s32 $0x14080, s12;
	[sflag:s28] =	ssyncadd.s32 $0xFFFFC000  }
0x94: {  	[tilespmem:s1], [sflag:$0x2] =	stream.indirect.gather [hbm4b:s4+s30], $0x80, s13, s30, $0xb8;
	[tilespmem:$0x1FC00] =	vst v63  }
0x95: {  	_ =	swait.ge [sflag:s3], $0x4000  }
0x96: {  	[sflag:s3] =	ssyncset.done $0x0  }
0x97: {  	s15 =	sadd.s32 $0x15400, s12;
	[sflag:s3] =	ssyncadd.s32 $0xFFFFC000  }
0x98: {  	[spmem:s2] =	stream.indirect.scatter.add.f32 [tilespmem:s31], [sflag:$0x3], $0x80, s15, s30, $0xb8;
	[tilespmem:$0x1FC00] =	vst v63  }
0x99: {  	_ =	swait.ge [sflag:s28], $0x4000  }
0x9a: {  	[sflag:s28] =	ssyncset.done $0x0  }
0x9b: {  	s16 =	sadd.s32 $0x14100, s12;
	[sflag:s28] =	ssyncadd.s32 $0xFFFFC000  }
0x9c: {  	[tilespmem:s31], [sflag:$0x1] =	stream.indirect.gather [hbm4b:s4+s30], $0x80, s16, s30, $0xb8;
	[tilespmem:$0x1FC00] =	vst v63  }
0x9d: {  	_ =	swait.ge [sflag:s5], $0x4000  }
0x9e: {  	[sflag:s5] =	ssyncset.done $0x0  }
0x9f: {  	s14 =	sadd.s32 $0x15480, s12;
	[sflag:s5] =	ssyncadd.s32 $0xFFFFC000  }
0xa0: {  	[spmem:s2] =	stream.indirect.scatter.add.f32 [tilespmem:s1], [sflag:$0x3], $0x80, s14, s30, $0xb8;
	[tilespmem:$0x1FC00] =	vst v63  }
0xa1: {  	_ =	swait.ge [sflag:s28], $0x4000  }
0xa2: {  	[sflag:s28] =	ssyncset.done $0x0  }
0xa3: {  	[sflag:s28] =	ssyncadd.s32 $0xFFFFC000  }
0xa4: {  	[tilespmem:s1], [sflag:$0x2] =	stream.indirect.gather [hbm4b:s4+s30], $0x80, s6, s30, $0xb8;
	[tilespmem:$0x1FC00] =	vst v63  }
0xa5: {  	_ =	swait.ge [sflag:s3], $0x4000  }
0xa6: {  	[sflag:s3] =	ssyncset.done $0x0  }
0xa7: {  	[sflag:s3] =	ssyncadd.s32 $0xFFFFC000  }
0xa8: {  	[spmem:s2] =	stream.indirect.scatter.add.f32 [tilespmem:s31], [sflag:$0x3], $0x80, s8, s30, $0xb8;
	[tilespmem:$0x1FC00] =	vst v63  }
0xa9: {  	_ =	swait.ge [sflag:s28], $0x4000  }
0xaa: {  	[sflag:s28] =	ssyncset.done $0x0  }
0xab: {  	[sflag:s28] =	ssyncadd.s32 $0xFFFFC000  }
0xac: {  	_ =	swait.ge [sflag:s5], $0x4000  }
0xad: {  	[sflag:s5] =	ssyncset.done $0x0  }
0xae: {  	[sflag:s5] =	ssyncadd.s32 $0xFFFFC000  }
0xaf: {  	[spmem:s2] =	stream.indirect.scatter.add.f32 [tilespmem:s1], [sflag:$0x3], $0x80, s9, s30, $0xb8;
	[tilespmem:$0x1FC00] =	vst v63  }
0xb0: {  	_ =	swait.ge [sflag:s28], $0x4000  }
0xb1: {  	[sflag:s28] =	ssyncset.done $0x0  }
0xb2: {  	s15 =	simm.s32 $0x0;
	s16 =	rddreg [dreg:$0x4];
	[sflag:s28] =	ssyncadd.s32 $0xFFFFC000  }
0xb3: {  	[tilespmem:s26], [sflag:$0x3] =	stream.linear.gather [hbm4b:s16+s15], $0x1400, $0x38;
	[tilespmem:$0x1FC00] =	vst v63  }
0xb4: {  	_ =	swait.ge [sflag:s28], $0x1400  }
0xb5: {  	[sflag:s28] =	ssyncset.done $0x0  }
0xb6: {  	[sflag:s28] =	ssyncadd.s32 $0xFFFFEC00  }
0xb7: {  	[tilespmem:s29], [sflag:$0x3] =	stream.linear.gather [hbm4b:s11+s15], $0x1400, $0x38;
	[tilespmem:$0x1FC00] =	vst v63  }
0xb8: {  	_ =	swait.ge [sflag:s28], $0x1400  }
0xb9: {  	[sflag:s28] =	ssyncset.done $0x0  }
0xba: {  	[sflag:s28] =	ssyncadd.s32 $0xFFFFEC00  }
0xbb: {  	[tilespmem:s31], [sflag:$0x1] =	stream.indirect.gather [hbm4b:s4+s30], $0x80, s26, s30, $0xb8;
	[tilespmem:$0x1FC00] =	vst v63  }
0xbc: {  	s13 =	simm.s32 $0x14080  }
0xbd: {  	[tilespmem:s1], [sflag:$0x2] =	stream.indirect.gather [hbm4b:s4+s30], $0x80, s13, s30, $0xb8;
	[tilespmem:$0x1FC00] =	vst v63  }
0xbe: {  	_ =	swait.ge [sflag:s3], $0x4000  }
0xbf: {  	[sflag:s3] =	ssyncset.done $0x0  }
0xc0: {  	s14 =	simm.s32 $0x15400;
	[sflag:s3] =	ssyncadd.s32 $0xFFFFC000  }
0xc1: {  	[spmem:s2] =	stream.indirect.scatter.add.f32 [tilespmem:s31], [sflag:$0x3], $0x80, s14, s30, $0xb8;
	[tilespmem:$0x1FC00] =	vst v63  }
0xc2: {  	_ =	swait.ge [sflag:s28], $0x4000  }
0xc3: {  	[sflag:s28] =	ssyncset.done $0x0  }
0xc4: {  	s15 =	simm.s32 $0x14100;
	[sflag:s28] =	ssyncadd.s32 $0xFFFFC000  }
0xc5: {  	[tilespmem:s31], [sflag:$0x1] =	stream.indirect.gather [hbm4b:s4+s30], $0x80, s15, s30, $0xb8;
	[tilespmem:$0x1FC00] =	vst v63  }
0xc6: {  	_ =	swait.ge [sflag:s5], $0x4000  }
0xc7: {  	[sflag:s5] =	ssyncset.done $0x0  }
0xc8: {  	s16 =	simm.s32 $0x15480;
	[sflag:s5] =	ssyncadd.s32 $0xFFFFC000  }
0xc9: {  	[spmem:s2] =	stream.indirect.scatter.add.f32 [tilespmem:s1], [sflag:$0x3], $0x80, s16, s30, $0xb8;
	[tilespmem:$0x1FC00] =	vst v63  }
0xca: {  	_ =	swait.ge [sflag:s28], $0x4000  }
0xcb: {  	s12 =	simm.s32 $0x800;
	s11 =	simm.s32 $0x100;
	[sflag:s28] =	ssyncset.done $0x0  }
.LBB2_6:
0xcc: {  	s13 =	sadd.s32 $0x14080, s11  }
0xcd: {  	[sflag:s28] =	ssyncadd.s32 $0xFFFFC000;
	s14 =	smov.u32 s12;
	s15 =	sadd.s32 $0x400, s12  }
0xce: {  	[tilespmem:s1], [sflag:$0x2] =	stream.indirect.gather [hbm4b:s4+s30], $0x80, s13, s30, $0xb8;
	[tilespmem:$0x1FC00] =	vst v63  }
0xcf: {  	p0 =	sne.s32 s12, $0x4800;
	_ =	swait.ge [sflag:s3], $0x4000  }
0xd0: {  	[sflag:s3] =	ssyncset.done $0x0  }
0xd1: {  	s12 =	sadd.s32 $0x15400, s11;
	[sflag:s3] =	ssyncadd.s32 $0xFFFFC000  }
0xd2: {  	[spmem:s2] =	stream.indirect.scatter.add.f32 [tilespmem:s31], [sflag:$0x3], $0x80, s12, s30, $0xb8;
	[tilespmem:$0x1FC00] =	vst v63  }
0xd3: {  	_ =	swait.ge [sflag:s28], $0x4000  }
0xd4: {  	[sflag:s28] =	ssyncset.done $0x0  }
0xd5: {  	s12 =	sadd.s32 $0x14100, s11;
	[sflag:s28] =	ssyncadd.s32 $0xFFFFC000  }
0xd6: {  	[tilespmem:s31], [sflag:$0x1] =	stream.indirect.gather [hbm4b:s4+s30], $0x80, s12, s30, $0xb8;
	[tilespmem:$0x1FC00] =	vst v63  }
0xd7: {  	_ =	swait.ge [sflag:s5], $0x4000  }
.Ltmp2:
0xd8: {  	[sflag:s5] =	ssyncset.done $0x0;
	(pc) =	sbr.rel @p0 .LBB2_6-.Ltmp2, $4  }
0xd9: {  	s11 =	sadd.s32 $0x15480, s11;
	[sflag:s5] =	ssyncadd.s32 $0xFFFFC000  }
0xda: {  	[spmem:s2] =	stream.indirect.scatter.add.f32 [tilespmem:s1], [sflag:$0x3], $0x80, s11, s30, $0xb8;
	[tilespmem:$0x1FC00] =	vst v63  }
0xdb: {  	_ =	swait.ge [sflag:s28], $0x4000  }
0xdc: {  	s12 =	smov.u32 s15;
	s11 =	sshra.s32 s14, $0x2;
	[sflag:s28] =	ssyncset.done $0x0  }
0xdd: {  	s12 =	sadd.s32 $0x14080, s11;
	[sflag:s28] =	ssyncadd.s32 $0xFFFFC000  }
0xde: {  	[tilespmem:s1], [sflag:$0x2] =	stream.indirect.gather [hbm4b:s4+s30], $0x80, s12, s30, $0xb8;
	[tilespmem:$0x1FC00] =	vst v63  }
0xdf: {  	_ =	swait.ge [sflag:s3], $0x4000  }
0xe0: {  	[sflag:s3] =	ssyncset.done $0x0  }
0xe1: {  	s15 =	sadd.s32 $0x15400, s11;
	[sflag:s3] =	ssyncadd.s32 $0xFFFFC000  }
0xe2: {  	[spmem:s2] =	stream.indirect.scatter.add.f32 [tilespmem:s31], [sflag:$0x3], $0x80, s15, s30, $0xb8;
	[tilespmem:$0x1FC00] =	vst v63  }
0xe3: {  	_ =	swait.ge [sflag:s28], $0x4000  }
0xe4: {  	[sflag:s28] =	ssyncset.done $0x0  }
0xe5: {  	s16 =	sadd.s32 $0x14100, s11;
	[sflag:s28] =	ssyncadd.s32 $0xFFFFC000  }
0xe6: {  	[tilespmem:s31], [sflag:$0x1] =	stream.indirect.gather [hbm4b:s4+s30], $0x80, s16, s30, $0xb8;
	[tilespmem:$0x1FC00] =	vst v63  }
0xe7: {  	_ =	swait.ge [sflag:s5], $0x4000  }
0xe8: {  	[sflag:s5] =	ssyncset.done $0x0  }
0xe9: {  	s13 =	sadd.s32 $0x15480, s11;
	[sflag:s5] =	ssyncadd.s32 $0xFFFFC000  }
0xea: {  	[spmem:s2] =	stream.indirect.scatter.add.f32 [tilespmem:s1], [sflag:$0x3], $0x80, s13, s30, $0xb8;
	[tilespmem:$0x1FC00] =	vst v63  }
0xeb: {  	_ =	swait.ge [sflag:s28], $0x4000  }
0xec: {  	[sflag:s28] =	ssyncset.done $0x0  }
0xed: {  	[sflag:s28] =	ssyncadd.s32 $0xFFFFC000  }
0xee: {  	[tilespmem:s1], [sflag:$0x2] =	stream.indirect.gather [hbm4b:s4+s30], $0x80, s6, s30, $0xb8;
	[tilespmem:$0x1FC00] =	vst v63  }
0xef: {  	_ =	swait.ge [sflag:s3], $0x4000  }
0xf0: {  	[sflag:s3] =	ssyncset.done $0x0  }
0xf1: {  	[sflag:s3] =	ssyncadd.s32 $0xFFFFC000  }
0xf2: {  	[spmem:s2] =	stream.indirect.scatter.add.f32 [tilespmem:s31], [sflag:$0x3], $0x80, s8, s30, $0xb8;
	[tilespmem:$0x1FC00] =	vst v63  }
0xf3: {  	_ =	swait.ge [sflag:s28], $0x4000  }
0xf4: {  	[sflag:s28] =	ssyncset.done $0x0  }
0xf5: {  	[sflag:s28] =	ssyncadd.s32 $0xFFFFC000  }
0xf6: {  	_ =	swait.ge [sflag:s5], $0x4000  }
0xf7: {  	[sflag:s5] =	ssyncset.done $0x0  }
0xf8: {  	[sflag:s5] =	ssyncadd.s32 $0xFFFFC000  }
0xf9: {  	[spmem:s2] =	stream.indirect.scatter.add.f32 [tilespmem:s1], [sflag:$0x3], $0x80, s9, s30, $0xb8;
	[tilespmem:$0x1FC00] =	vst v63  }
0xfa: {  	_ =	swait.ge [sflag:s28], $0x4000  }
0xfb: {  	s14 =	stileid.u32;
	[sflag:s28] =	ssyncset.done $0x0  }
0xfc: {  	s11 =	sshll.u32 s14, $0x6;
	[sflag:s28] =	ssyncadd.s32 $0xFFFFC000  }
0xfd: {  	s11 =	sor.u32 $0x1C03, s11;
	s15 =	sshrl.u32 s7, $0x3;
	[bflag:$0x0] =	sbarrier.arrive $0xFFFF  }
0xfe: {  	[hbm:s24], [sflag:s11] =	dma.local [spmem:s15], $0x2800  }
0xff: {  	_ =	swait.ge [sflag:s28], $0x2800  }
0x100: {  	s10 =	sadd.s32 $0x1, s10;
	s16 =	rddreg [dreg:$0x5]  }
0x101: {  	p0 =	sne.s32 s10, s16  }
.Ltmp3:
0x102: {  	_ = 	snop;
	(pc) =	sbr.rel @p0 .LBB2_1-.Ltmp3, $3  }
0x103: {  	_ =	sdelay $0x1  }
0x104: {  	[sflag:s28] =	ssyncset.done $0x0  }
0x105: {  	[sflag:s28] =	ssyncadd.s32 $0xFFFFD800  }
0x106: {  	_ =	sfence.sel $0x180000  }
0x107: {  	[bflag:$0x0] =	sbarrier.arrive $0xFFFF  }
0x108: {  	_ =	strace $0x9000004D  }
0x109: {  	s0 =	stileid.u32;
	[bflag:$0x2] =	sbarrier.arrive $0xFFFF  }
0x10a: {  	p0 =	sne.s32 s0, $0x0;
	s0 =	rddreg [dreg:$0x2]  }
0x10b: {  	s0 =	sadd.s32 @!p0 $0x100000, s0  }
0x10c: {  	[sflag:s0] =	ssyncadd.tile.s32 @!p0 $0x1;
	_ =	shalt  }
.Lfunc_end2:
_tile_overlayer_lowered:
.L_overlay_start_2:
0x10d: {  	(tag) =	ssettag $0x2  }
0x10e: {  	s0 =	rddreg [dreg:$0x0];
	s2 =	stileid.u32  }
0x10f: {  	s1 =	rddreg [dreg:$0x1];
	p0 =	sne.s32 s2, $0x0  }
0x110: {  	s3 =	rddreg [dreg:$0x2];
	[bflag:$0x3] =	sbarrier.arrive $0xFFFF;
	s2 =	simm.s32 @!p0 $0x1C03  }
0x111: {  	[timem:s3], [sflag:s2] =	dma.local @!p0 [hbm:s0], s1  }
0x112: {  	s0 =	simm.s32 @!p0 $0x3  }
0x113: {  	_ =	swait.ge @!p0 [sflag:s0], s1  }
0x114: {  	s1 =	ssub.s32 @!p0 $0x0, s1;
	[sflag:s0] =	ssyncset.done @!p0 $0x0  }
0x115: {  	[sflag:s0] =	ssyncadd.s32 @!p0 s1  }
0x116: {  	[bflag:$0x3] =	sbarrier.arrive $0xFFFF  }
0x117: {  	_ =	shalt  }

// kernel: kernel.9.cloned.1.call-start
scs
__scs_entry_jumppad:
0x0: {  	(pc) =	sbr.rel $0x88, $3  }
0x1: {  	(tag) =	ssettag $0x0;
	lr =	simm.s32 $0x1  }
0x2: {  	[smem:$0x3F96] =	sst lr;
	_ =	strace $0xD0000000  }
0x3: {  	_ = 	snop  }
0x4: {  	_ = 	snop  }
0x5: {  	_ = 	snop  }
0x6: {  	_ = 	snop  }
0x7: {  	_ = 	snop  }
__scs_overlays_trampoline_lowered:
0x8: {  	[smem:$0x3FA5] =	sst s0  }
0x9: {  	[smem:$0x3FA6] =	sst s1  }
0xa: {  	[smem:$0x3FA7] =	sst s2  }
0xb: {  	[smem:$0x3FA8] =	sst s3  }
0xc: {  	[smem:$0x3FA9] =	sst s4  }
0xd: {  	[smem:$0x3FAA] =	sst s5  }
0xe: {  	[smem:$0x3FAB] =	sst s6  }
0xf: {  	[smem:$0x3FAC] =	sst s7  }
0x10: {  	[smem:$0x3FAD] =	sst s8  }
0x11: {  	[smem:$0x3FAE] =	sst s9;
	s0 =	simm.s32 @!p0 $0x0  }
0x12: {  	s1 =	sld [smem:$0x3F94];
	s0 =	simm.s32 @p0 $0x1  }
0x13: {  	[smem:$0x3FAF] =	sst s0;
	s0 =	simm.s32 @!p1 $0x0  }
0x14: {  	s2 =	sld [smem:$0x3F93];
	s0 =	simm.s32 @p1 $0x1  }
0x15: {  	[smem:$0x3FB0] =	sst s0;
	s0 =	simm.s32 @!p2 $0x0  }
0x16: {  	s3 =	sld [smem:$0x3FDB];
	s0 =	simm.s32 @p2 $0x1  }
0x17: {  	s4 =	simm.s32 $0x1BF5;
	[smem:$0x3FB2] =	sst s0  }
0x18: {  	s0 =	sld [smem:$0x3F95];
	_ =	swait.ge [sflag:s4], $0x0  }
0x19: {  	s7 =	sld [smem:$0x3F96]  }
0x1a: {  	s8 =	sadd.s32 $0xFFFFE003, lr  }
0x1b: {  	s9 =	sadd.s32 $0xFFFFFEF7, lr;
	s5 =	simm.s32 $0xFFFFFFFF;
	p2 =	slt.u32 s8, $0xFFFFF086  }
0x1c: {  	p1 =	slt.u32 s9, $0xF7A;
	s5 =	simm.s32 @!p2 $0x0  }
0x1d: {  	s5 =	simm.s32 @p1 $0x1;
	p0 =	seq.s32 s7, s2  }
0x1e: {  	s7 =	smul.u32 @!p0 $0xF7A, s2;
	p2 =	seq.s32 @!p0 s5, $0x0  }
0x1f: {  	s9 =	smul.u32 $0xF7A, s1;
	s8 =	simm.s32 @!p0 $0x1BF5;
	p2 =	por !p2, p0  }
0x20: {  	[sflag:s8] =	ssyncset.s32 @!p0 $0xFFFFF086;
	s6 =	sadd.s32 @!p0 s3, s7;
	s7 =	simm.s32 @!p0 $0x108  }
0x21: {  	s3 =	sadd.s32 s3, s9;
	s6 =	sadd.s32 @!p0 $0x88, s6;
	s7 =	simm.s32 @p2 $0x1082  }
0x22: {  	[simem:s7], [sflag:s8] =	dma.local @!p0 [hbm:s6], $0xF7A  }
0x23: {  	s9 =	sor.u32 $0xD0000000, s2;
	s6 =	simm.s32 $0x108;
	_ =	swait.ge @!p0 [sflag:s8], $0x0  }
0x24: {  	s3 =	sadd.s32 $0x88, s3;
	s6 =	simm.s32 @!p1 $0x1082;
	[sflag:s4] =	ssyncset.s32 $0xFFFFF086  }
0x25: {  	[simem:s6], [sflag:s4] =	dma.local [hbm:s3], $0xF7A  }
0x26: {  	[smem:$0x3F96] =	sst s1;
	(tag) =	ssettag s2;
	_ =	strace s9  }
0x27: {  	s1 =	sld [smem:$0x3FA6]  }
0x28: {  	s2 =	sld [smem:$0x3FA7]  }
0x29: {  	s4 =	sld [smem:$0x3FA9]  }
0x2a: {  	p0 =	seq.s32 s5, $0x0;
	s5 =	sld [smem:$0x3FAA]  }
0x2b: {  	s6 =	sld [smem:$0x3FAB]  }
0x2c: {  	s7 =	sld [smem:$0x3FAC]  }
0x2d: {  	s3 =	simm.s32 $0x108;
	s8 =	sld [smem:$0x3FAD]  }
0x2e: {  	s3 =	simm.s32 @!p0 $0x1082;
	s9 =	sld [smem:$0x3FAE]  }
0x2f: {  	lr =	sadd.s32 s0, s3;
	s0 =	sld [smem:$0x3FA5]  }
0x30: {  	s3 =	sld [smem:$0x3FA8]  }
0x31: {  	[smem:$0x3FB1] =	sst s10  }
0x32: {  	s10 =	sld [smem:$0x3FAF];
	_ =	sdelay $0x3  }
0x33: {  	p0 =	seq.s32 s10, $0x1;
	s10 =	sld [smem:$0x3FB1];
	_ =	sdelay $0x3  }
0x34: {  	[smem:$0x3FB1] =	sst s10  }
0x35: {  	s10 =	sld [smem:$0x3FB0];
	_ =	sdelay $0x3  }
0x36: {  	p1 =	seq.s32 s10, $0x1;
	s10 =	sld [smem:$0x3FB1];
	_ =	sdelay $0x3  }
0x37: {  	[smem:$0x3FB1] =	sst s10  }
0x38: {  	s10 =	sld [smem:$0x3FB2]  }
0x39: {  	_ = 	snop;
	(pc) =	sbr.ind lr, $3  }
0x3a: {  	_ = 	snop  }
0x3b: {  	_ = 	snop  }
0x3c: {  	p2 =	seq.s32 s10, $0x1;
	s10 =	sld [smem:$0x3FB1]  }
0x3d: {  	_ =	shalt  }
0x3e: {  	_ =	shalt  }
0x3f: {  	_ =	shalt  }
0x40: {  	_ =	shalt  }
0x41: {  	_ =	shalt  }
0x42: {  	_ =	shalt  }
0x43: {  	_ =	shalt  }
0x44: {  	_ =	shalt  }
0x45: {  	_ =	shalt  }
0x46: {  	_ =	shalt  }
0x47: {  	_ =	shalt  }
0x48: {  	_ =	shalt  }
0x49: {  	_ =	shalt  }
0x4a: {  	_ =	shalt  }
0x4b: {  	_ =	shalt  }
0x4c: {  	_ =	shalt  }
0x4d: {  	_ =	shalt  }
0x4e: {  	_ =	shalt  }
0x4f: {  	_ =	shalt  }
0x50: {  	_ =	shalt  }
0x51: {  	_ =	shalt  }
0x52: {  	_ =	shalt  }
0x53: {  	_ =	shalt  }
0x54: {  	_ =	shalt  }
0x55: {  	_ =	shalt  }
0x56: {  	_ =	shalt  }
0x57: {  	_ =	shalt  }
0x58: {  	_ =	shalt  }
0x59: {  	_ =	shalt  }
0x5a: {  	_ =	shalt  }
0x5b: {  	_ =	shalt  }
0x5c: {  	_ =	shalt  }
0x5d: {  	_ =	shalt  }
0x5e: {  	_ =	shalt  }
0x5f: {  	_ =	shalt  }
0x60: {  	_ =	shalt  }
0x61: {  	_ =	shalt  }
0x62: {  	_ =	shalt  }
0x63: {  	_ =	shalt  }
0x64: {  	_ =	shalt  }
0x65: {  	_ =	shalt  }
0x66: {  	_ =	shalt  }
0x67: {  	_ =	shalt  }
0x68: {  	_ =	shalt  }
0x69: {  	_ =	shalt  }
0x6a: {  	_ =	shalt  }
0x6b: {  	_ =	shalt  }
0x6c: {  	_ =	shalt  }
0x6d: {  	_ =	shalt  }
0x6e: {  	_ =	shalt  }
0x6f: {  	_ =	shalt  }
0x70: {  	_ =	shalt  }
0x71: {  	_ =	shalt  }
0x72: {  	_ =	shalt  }
0x73: {  	_ =	shalt  }
0x74: {  	_ =	shalt  }
0x75: {  	_ =	shalt  }
0x76: {  	_ =	shalt  }
0x77: {  	_ =	shalt  }
0x78: {  	_ =	shalt  }
0x79: {  	_ =	shalt  }
0x7a: {  	_ =	shalt  }
0x7b: {  	_ =	shalt  }
0x7c: {  	_ =	shalt  }
0x7d: {  	_ =	shalt  }
0x7e: {  	_ =	shalt  }
0x7f: {  	_ =	shalt  }
0x80: {  	_ =	shalt  }
0x81: {  	_ =	shalt  }
0x82: {  	_ =	shalt  }
0x83: {  	_ =	shalt  }
0x84: {  	_ =	shalt  }
0x85: {  	_ =	shalt  }
0x86: {  	_ =	shalt  }
0x87: {  	_ =	shalt  }
.Lfunc_end0:
.L_simem_size_0:
called_computation_lowered:
.L_overlay_start_0:
0x88: {  	s2 =	sld [smem:$0x3FD9]  }
0x89: {  	s3 =	sld [smem:$0x3FFE];
	_ =	sdelay $0x1  }
0x8a: {  	s1 =	srdreg.scid  }
0x8b: {  	s0 =	sand.u32 $0x1, s1  }
0x8c: {  	s17 =	sshll.u32 s0, $0xA;
	s2 =	sadd.s32 s3, s2  }
0x8d: {  	s2 =	sadd.s32 s2, s17  }
0x8e: {  	[smem:$0x3FBD] =	sst s2  }
0x8f: {  	_ = 	snop  }
0x90: {  	s2 =	sld [smem:$0x3FC9];
	(tm) =	ssettm $0x1  }
0x91: {  	s18 =	sld [smem:$0x3FFB];
	_ =	sdelay $0x3  }
0x92: {  	_ =	strace s18  }
0x93: {  	s3 =	sld [smem:$0x3FFC];
	_ =	sdelay $0x3  }
0x94: {  	_ =	strace s3  }
0x95: {  	s3 =	sld [smem:$0x3FFD];
	_ =	sdelay $0x3  }
0x96: {  	_ =	strace s3  }
0x97: {  	_ =	strace $0x8FFFFFFF  }
0x98: {  	s19 =	sld [smem:$0x3FDB];
	_ =	sdelay $0x1  }
0x99: {  	s4 =	simm.s32 $_scs_section_size  }
0x9a: {  	s5 =	simm.s32 $_size__tile_overlayer_lowered;
	s6 =	simm.s32 $_tile_overlayer_lowered  }
0x9b: {  	s22 =	simm.s32 $0x1BFF;
	s21 =	sshll.u32 s6, $0x1;
	s3 =	sadd.s32 s4, s19  }
0x9c: {  	s7 =	simm.s32 $0x0;
	s20 =	sshll.u32 s5, $0x1;
	s5 =	sadd.s32 s21, s3  }
0x9d: {  	[timem:s7], [sflag:s22] =	dma.local [hbm:s5], s20  }
0x9e: {  	_ =	swait.ge [sflag:s22], s20  }
0x9f: {  	s4 =	ssub.s32 $0x0, s20;
	[sflag:s22] =	ssyncset.done $0x0  }
0xa0: {  	[sflag:s22] =	ssyncadd.s32 s4;
	_ =	sdelay $0x1  }
0xa1: {  	s23 =	simm.s32 $0x1B8B  }
0xa2: {  	_ =	swait.ge [sflag:s23], $0x1  }
0xa3: {  	[sflag:s23] =	ssyncset.done $0x0  }
0xa4: {  	s25 =	simm.s32 $0x1B8E;
	s24 =	sld [smem:$0x3FFE];
	[sflag:s23] =	ssyncadd.s32 $0xFFFFFFFF  }
0xa5: {  	s26 =	simm.s32 $execute0_lowered;
	[smem:$0x3FD2] =	sst s25  }
0xa6: {  	s5 =	sshll.u32 s26, $0x1;
	_ =	strace $0x80000046;
	[dreg:$0x1] =	wrdreg $0xFFFFFFFF  }
0xa7: {  	s28 =	simm.s32 $_size_execute0_lowered;
	s3 =	sadd.s32 s3, s5;
	[dreg:$0x0] =	wrdreg $0x0  }
0xa8: {  	s5 =	sshll.u32 s28, $0x1;
	[dreg:$0x2] =	wrdreg s3  }
0xa9: {  	[dreg:$0x3] =	wrdreg s5  }
0xaa: {  	[dreg:$0x4] =	wrdreg $0xC0  }
0xab: {  	_ =	task [dreg:s7], $0x5FFFF  }
0xac: {  	[dreg:$0x1] =	wrdreg $0xFFFFFFFF  }
0xad: {  	[dreg:$0x0] =	wrdreg $0x60  }
0xae: {  	[dreg:$0x2] =	wrdreg s2  }
0xaf: {  	[dreg:$0x3] =	wrdreg s24  }
0xb0: {  	[dreg:$0x4] =	wrdreg $0x0  }
0xb1: {  	[dreg:$0x5] =	wrdreg $0x9  }
0xb2: {  	_ =	task.clear_ibuf [dreg:s7], $0x6FFFF;
	_ =	strace $0x90000046  }
0xb3: {  	s29 =	simm.s32 $0x9;
	_ =	strace $0x80000048  }
0xb4: {  	_ =	swait.ge [sflag:s29], $0x1  }
0xb5: {  	[sflag:s29] =	ssyncadd.s32 $0xFFFFFFFF  }
0xb6: {  	_ =	strace $0x90000048  }
0xb7: {  	_ =	sfence  }
0xb8: {  	s30 =	sld [smem:$0x0];
	_ =	sdelay $0x2  }
0xb9: {  	s31 =	sshll.u32 s1, $0xD;
	s1 =	sshrl.u32 s1, $0x2  }
0xba: {  	s3 =	sand.u32 $0x4000, s31;
	s1 =	sadd.s32 s1, s30  }
0xbb: {  	s0 =	sor.u32 s3, s0;
	s1 =	sshll.u32 s1, $0x11  }
0xbc: {  	s0 =	sor.u32 s1, s0  }
0xbd: {  	s0 =	sadd.s32 $0x8F2B, s0  }
0xbe: {  	[sflag:s0] =	ssyncadd.remote.s32 $0x1  }
0xbf: {  	_ =	sfence.sel $0xFFFF  }
0xc0: {  	[dreg:$0x0] =	wrdreg $0xFFFFFFFF;
	(pc) =	sbr.abs _section_cstart, $3  }
0xc1: {  	[dreg:$0x1] =	wrdreg $0xFFFFFFFF  }
0xc2: {  	_ =	task.clear_ibuf [dreg:s7], $0x2FFFF;
	_ =	strace $0x9FFFFFFF  }
0xc3: {  	(tm) =	ssettm $0x7FFFFFFF  }
tec
execute0_lowered:
.L_overlay_start_1:
0x0: {  	(tag) =	ssettag $0x1  }
0x1: {  	s1 =	rddreg [dreg:$0x0]  }
0x2: {  	s0 =	srdreg.scid;
	s2 =	rddreg [dreg:$0x1]  }
0x3: {  	s9 =	stileid.u32;
	s3 =	rddreg [dreg:$0x2]  }
0x4: {  	s5 =	simm.s32 $0x0;
	s28 =	simm.s32 $0x3;
	s29 =	simm.s32 $0x15400  }
0x5: {  	s30 =	simm.s32 $0x80;
	s31 =	simm.s32 $0x16800;
	s10 =	simm.s32 $0x0  }
0x6: {  	s0 =	sand.u32 $0x1, s0;
	[smem:$0x7FF] =	sst s5;
	s8 =	smul.u32 $0x50000, s9  }
0x7: {  	s4 =	sshll.u32 s0, $0x4;
	s13 =	smul.u32 $0x28000, s0;
	s0 =	ssub.s32 $0x2, s0  }
0x8: {  	s16 =	smul.u32 $0x2800, s9;
	_ =	strace $0x80000047;
	s7 =	sshrl.u32 s0, $0x1  }
0x9: {  	s4 =	sor.u32 s9, s4;
	s15 =	sshrl.u32 s8, $0x2;
	s0 =	ssub.s32 s0, s7  }
0xa: {  	s8 =	simm.s32 $0x16700;
	s7 =	sadd.s32 s15, s3;
	s0 =	smax.u32 s0, $0x1  }
0xb: {  	s9 =	simm.s32 $0x16780;
	s19 =	sadd.s32 $0x1400, s7;
	[dreg:$0x6] =	wrdreg s0  }
0xc: {  	s4 =	smul.u32 $0x500, s4;
	s20 =	sadd.s32 $0x2800, s7;
	[dreg:$0x7] =	wrdreg s19  }
0xd: {  	s5 =	sadd.s32 s13, s2;
	s21 =	sadd.s32 $0x3C00, s7;
	[dreg:$0x8] =	wrdreg s20  }
0xe: {  	s5 =	sadd.s32 $0x16800, s5;
	s22 =	sadd.s32 $0x5000, s7;
	[dreg:$0x9] =	wrdreg s21  }
0xf: {  	s23 =	sadd.s32 $0x6400, s7;
	s24 =	sadd.s32 $0x7800, s7;
	[dreg:$0xa] =	wrdreg s22  }
0x10: {  	s25 =	sadd.s32 $0x8C00, s7;
	s26 =	sadd.s32 $0xA000, s7;
	[dreg:$0xb] =	wrdreg s23  }
0x11: {  	s17 =	sadd.s32 $0xB400, s7;
	s18 =	sadd.s32 $0xC800, s7;
	[dreg:$0xc] =	wrdreg s24  }
0x12: {  	s6 =	sadd.s32 s4, s2;
	s2 =	sadd.s32 $0xC800, s2;
	[dreg:$0xd] =	wrdreg s25  }
0x13: {  	[dreg:$0xe] =	wrdreg s26;
	s19 =	sadd.s32 $0xDC00, s7;
	s20 =	sadd.s32 $0xF000, s7  }
0x14: {  	s21 =	sadd.s32 $0x10400, s7;
	s23 =	sadd.s32 $0x11800, s7;
	s24 =	sadd.s32 s16, s5  }
0x15: {  	s25 =	sadd.s32 $0x12C00, s7;
	s26 =	simm.s32 $0x14000;
	s0 =	simm.s32 $0x1A800  }
0x16: {  	s5 =	simm.s32 $0x2;
	s14 =	sadd.s32 $0x2800, s6;
	s6 =	sadd.s32 $0x2A80, s6  }
0x17: {  	s22 =	sadd.s32 s4, s2;
	s2 =	simm.s32 $0x1E800;
	[dreg:$0x4] =	wrdreg s14  }
0x18: {  	v0 =	vimm.f32 $0.0e+00;
	s4 =	simm.s32 $0x1;
	[dreg:$0x5] =	wrdreg s6;
	s6 =	simm.s32 $0x15380  }
.LBB2_1:
0x19: {  	s11 =	simm.s32 $0x0;
	s12 =	rddreg [dreg:$0x4]  }
0x1a: {  	[tilespmem:s26], [sflag:$0x3] =	stream.linear.gather [hbm4b:s12+s11], $0x1400, $0x38;
	[tilespmem:$0x1FC00] =	vst v63  }
0x1b: {  	_ =	swait.ge [sflag:s28], $0x1400  }
0x1c: {  	[sflag:s28] =	ssyncset.done $0x0  }
0x1d: {  	[sflag:s28] =	ssyncadd.s32 $0xFFFFEC00  }
0x1e: {  	[tilespmem:s29], [sflag:$0x3] =	stream.linear.gather [hbm4b:s22+s11], $0x1400, $0x38;
	[tilespmem:$0x1FC00] =	vst v63  }
0x1f: {  	_ =	swait.ge [sflag:s28], $0x1400  }
0x20: {  	[sflag:s28] =	ssyncset.done $0x0  }
0x21: {  	s12 =	simm.s32 $0x3C0;
	s11 =	simm.s32 $0x70;
	[sflag:s28] =	ssyncadd.s32 $0xFFFFEC00  }
0x22: {  	[tilespmem:s31], [sflag:$0x1] =	stream.indirect.gather [hbm4b:s1+s30], $0x80, s26, s30, $0xb8;
	[tilespmem:$0x1FC00] =	vst v63  }
.LBB2_2:
0x23: {  	p0 =	sne.s32 s12, $0x4FC0;
	[tilespmem:s11+$0x1E800] =	vst v0  }
0x24: {  	[tilespmem:s11+$0x1E790] =	vst v0  }
0x25: {  	[tilespmem:s11+$0x1E7A0] =	vst v0  }
.Ltmp0:
0x26: {  	[tilespmem:s11+$0x1E7B0] =	vst v0;
	(pc) =	sbr.rel @p0 .LBB2_2-.Ltmp0, $4  }
0x27: {  	[tilespmem:s11+$0x1E7C0] =	vst v0  }
0x28: {  	[tilespmem:s11+$0x1E7D0] =	vst v0  }
0x29: {  	[tilespmem:s11+$0x1E7E0] =	vst v0  }
0x2a: {  	[tilespmem:s11+$0x1E7F0] =	vst v0;
	s11 =	sshra.s32 s12, $0x2;
	s12 =	sadd.s32 $0x200, s12  }
0x2b: {  	[tilespmem:s11+$0x1E800] =	vst v0  }
0x2c: {  	[tilespmem:s11+$0x1E790] =	vst v0  }
0x2d: {  	[tilespmem:s11+$0x1E7A0] =	vst v0  }
0x2e: {  	[tilespmem:s11+$0x1E7B0] =	vst v0  }
0x2f: {  	[tilespmem:s11+$0x1E7C0] =	vst v0  }
0x30: {  	[tilespmem:s11+$0x1E7D0] =	vst v0  }
0x31: {  	[tilespmem:s11+$0x1E7E0] =	vst v0  }
0x32: {  	[tilespmem:s11+$0x1E7F0] =	vst v0  }
0x33: {  	[spmem:s7] =	stream.linear.scatter [tilespmem:s2], [sflag:$0x3], $0x1400, $0x38;
	[tilespmem:$0x1FC00] =	vst v63  }
0x34: {  	_ =	swait.ge [sflag:s28], $0x1400  }
0x35: {  	[sflag:s28] =	ssyncset.done $0x0  }
0x36: {  	s15 =	rddreg [dreg:$0x7];
	[sflag:s28] =	ssyncadd.s32 $0xFFFFEC00  }
0x37: {  	[spmem:s15] =	stream.linear.scatter [tilespmem:s2], [sflag:$0x3], $0x1400, $0x38;
	[tilespmem:$0x1FC00] =	vst v63  }
0x38: {  	_ =	swait.ge [sflag:s28], $0x1400  }
0x39: {  	[sflag:s28] =	ssyncset.done $0x0  }
0x3a: {  	s16 =	rddreg [dreg:$0x8];
	[sflag:s28] =	ssyncadd.s32 $0xFFFFEC00  }
0x3b: {  	[spmem:s16] =	stream.linear.scatter [tilespmem:s2], [sflag:$0x3], $0x1400, $0x38;
	[tilespmem:$0x1FC00] =	vst v63  }
0x3c: {  	_ =	swait.ge [sflag:s28], $0x1400  }
0x3d: {  	[sflag:s28] =	ssyncset.done $0x0  }
0x3e: {  	s12 =	rddreg [dreg:$0x9];
	[sflag:s28] =	ssyncadd.s32 $0xFFFFEC00  }
0x3f: {  	[spmem:s12] =	stream.linear.scatter [tilespmem:s2], [sflag:$0x3], $0x1400, $0x38;
	[tilespmem:$0x1FC00] =	vst v63  }
0x40: {  	_ =	swait.ge [sflag:s28], $0x1400  }
0x41: {  	[sflag:s28] =	ssyncset.done $0x0  }
0x42: {  	s13 =	rddreg [dreg:$0xa];
	[sflag:s28] =	ssyncadd.s32 $0xFFFFEC00  }
0x43: {  	[spmem:s13] =	stream.linear.scatter [tilespmem:s2], [sflag:$0x3], $0x1400, $0x38;
	[tilespmem:$0x1FC00] =	vst v63  }
0x44: {  	_ =	swait.ge [sflag:s28], $0x1400  }
0x45: {  	[sflag:s28] =	ssyncset.done $0x0  }
0x46: {  	s14 =	rddreg [dreg:$0xb];
	[sflag:s28] =	ssyncadd.s32 $0xFFFFEC00  }
0x47: {  	[spmem:s14] =	stream.linear.scatter [tilespmem:s2], [sflag:$0x3], $0x1400, $0x38;
	[tilespmem:$0x1FC00] =	vst v63  }
0x48: {  	_ =	swait.ge [sflag:s28], $0x1400  }
0x49: {  	[sflag:s28] =	ssyncset.done $0x0  }
0x4a: {  	s15 =	rddreg [dreg:$0xc];
	[sflag:s28] =	ssyncadd.s32 $0xFFFFEC00  }
0x4b: {  	[spmem:s15] =	stream.linear.scatter [tilespmem:s2], [sflag:$0x3], $0x1400, $0x38;
	[tilespmem:$0x1FC00] =	vst v63  }
0x4c: {  	_ =	swait.ge [sflag:s28], $0x1400  }
0x4d: {  	[sflag:s28] =	ssyncset.done $0x0  }
0x4e: {  	s16 =	rddreg [dreg:$0xd];
	[sflag:s28] =	ssyncadd.s32 $0xFFFFEC00  }
0x4f: {  	[spmem:s16] =	stream.linear.scatter [tilespmem:s2], [sflag:$0x3], $0x1400, $0x38;
	[tilespmem:$0x1FC00] =	vst v63  }
0x50: {  	_ =	swait.ge [sflag:s28], $0x1400  }
0x51: {  	[sflag:s28] =	ssyncset.done $0x0  }
0x52: {  	s12 =	rddreg [dreg:$0xe];
	[sflag:s28] =	ssyncadd.s32 $0xFFFFEC00  }
0x53: {  	[spmem:s12] =	stream.linear.scatter [tilespmem:s2], [sflag:$0x3], $0x1400, $0x38;
	[tilespmem:$0x1FC00] =	vst v63  }
0x54: {  	_ =	swait.ge [sflag:s28], $0x1400  }
0x55: {  	[sflag:s28] =	ssyncset.done $0x0  }
0x56: {  	[sflag:s28] =	ssyncadd.s32 $0xFFFFEC00  }
0x57: {  	[spmem:s17] =	stream.linear.scatter [tilespmem:s2], [sflag:$0x3], $0x1400, $0x38;
	[tilespmem:$0x1FC00] =	vst v63  }
0x58: {  	_ =	swait.ge [sflag:s28], $0x1400  }
0x59: {  	[sflag:s28] =	ssyncset.done $0x0  }
0x5a: {  	[sflag:s28] =	ssyncadd.s32 $0xFFFFEC00  }
0x5b: {  	[spmem:s18] =	stream.linear.scatter [tilespmem:s2], [sflag:$0x3], $0x1400, $0x38;
	[tilespmem:$0x1FC00] =	vst v63  }
0x5c: {  	_ =	swait.ge [sflag:s28], $0x1400  }
0x5d: {  	[sflag:s28] =	ssyncset.done $0x0  }
0x5e: {  	[sflag:s28] =	ssyncadd.s32 $0xFFFFEC00  }
0x5f: {  	[spmem:s19] =	stream.linear.scatter [tilespmem:s2], [sflag:$0x3], $0x1400, $0x38;
	[tilespmem:$0x1FC00] =	vst v63  }
0x60: {  	_ =	swait.ge [sflag:s28], $0x1400  }
0x61: {  	[sflag:s28] =	ssyncset.done $0x0  }
0x62: {  	[sflag:s28] =	ssyncadd.s32 $0xFFFFEC00  }
0x63: {  	[spmem:s20] =	stream.linear.scatter [tilespmem:s2], [sflag:$0x3], $0x1400, $0x38;
	[tilespmem:$0x1FC00] =	vst v63  }
0x64: {  	_ =	swait.ge [sflag:s28], $0x1400  }
0x65: {  	[sflag:s28] =	ssyncset.done $0x0  }
0x66: {  	[sflag:s28] =	ssyncadd.s32 $0xFFFFEC00  }
0x67: {  	[spmem:s21] =	stream.linear.scatter [tilespmem:s2], [sflag:$0x3], $0x1400, $0x38;
	[tilespmem:$0x1FC00] =	vst v63  }
0x68: {  	_ =	swait.ge [sflag:s28], $0x1400  }
0x69: {  	[sflag:s28] =	ssyncset.done $0x0  }
0x6a: {  	[sflag:s28] =	ssyncadd.s32 $0xFFFFEC00  }
0x6b: {  	[spmem:s23] =	stream.linear.scatter [tilespmem:s2], [sflag:$0x3], $0x1400, $0x38;
	[tilespmem:$0x1FC00] =	vst v63  }
0x6c: {  	_ =	swait.ge [sflag:s28], $0x1400  }
0x6d: {  	[sflag:s28] =	ssyncset.done $0x0  }
0x6e: {  	[sflag:s28] =	ssyncadd.s32 $0xFFFFEC00  }
0x6f: {  	[spmem:s25] =	stream.linear.scatter [tilespmem:s2], [sflag:$0x3], $0x1400, $0x38;
	[tilespmem:$0x1FC00] =	vst v63  }
0x70: {  	_ =	swait.ge [sflag:s28], $0x1400  }
0x71: {  	[sflag:s28] =	ssyncset.done $0x0  }
0x72: {  	[sflag:s28] =	ssyncadd.s32 $0xFFFFEC00  }
0x73: {  	s13 =	simm.s32 $0x14080;
	[bflag:$0x0] =	sbarrier.arrive $0xFFFF  }
0x74: {  	[tilespmem:s0], [sflag:$0x2] =	stream.indirect.gather [hbm4b:s1+s30], $0x80, s13, s30, $0xb8;
	[tilespmem:$0x1FC00] =	vst v63  }
0x75: {  	_ =	swait.ge [sflag:s4], $0x4000  }
0x76: {  	[sflag:s4] =	ssyncset.done $0x0  }
0x77: {  	s14 =	simm.s32 $0x15400;
	[sflag:s4] =	ssyncadd.s32 $0xFFFFC000  }
0x78: {  	[spmem:s3] =	stream.indirect.scatter.add.f32 [tilespmem:s31], [sflag:$0x3], $0x80, s14, s30, $0xb8;
	[tilespmem:$0x1FC00] =	vst v63  }
0x79: {  	_ =	swait.ge [sflag:s28], $0x4000  }
0x7a: {  	[sflag:s28] =	ssyncset.done $0x0  }
0x7b: {  	s15 =	simm.s32 $0x14100;
	[sflag:s28] =	ssyncadd.s32 $0xFFFFC000  }
0x7c: {  	[tilespmem:s31], [sflag:$0x1] =	stream.indirect.gather [hbm4b:s1+s30], $0x80, s15, s30, $0xb8;
	[tilespmem:$0x1FC00] =	vst v63  }
0x7d: {  	_ =	swait.ge [sflag:s5], $0x4000  }
0x7e: {  	[sflag:s5] =	ssyncset.done $0x0  }
0x7f: {  	s16 =	simm.s32 $0x15480;
	[sflag:s5] =	ssyncadd.s32 $0xFFFFC000  }
0x80: {  	[spmem:s3] =	stream.indirect.scatter.add.f32 [tilespmem:s0], [sflag:$0x3], $0x80, s16, s30, $0xb8;
	[tilespmem:$0x1FC00] =	vst v63  }
0x81: {  	s11 =	sadd.s32 $0x280, s22;
	_ =	swait.ge [sflag:s28], $0x4000  }
0x82: {  	s12 =	simm.s32 $0x100;
	s13 =	simm.s32 $0x800;
	[sflag:s28] =	ssyncset.done $0x0  }
.LBB2_4:
0x83: {  	s14 =	sadd.s32 $0x14080, s12  }
0x84: {  	[sflag:s28] =	ssyncadd.s32 $0xFFFFC000;
	s15 =	smov.u32 s13;
	s16 =	sadd.s32 $0x400, s13  }
0x85: {  	[tilespmem:s0], [sflag:$0x2] =	stream.indirect.gather [hbm4b:s1+s30], $0x80, s14, s30, $0xb8;
	[tilespmem:$0x1FC00] =	vst v63  }
0x86: {  	p0 =	sne.s32 s13, $0x4800;
	_ =	swait.ge [sflag:s4], $0x4000  }
0x87: {  	[sflag:s4] =	ssyncset.done $0x0  }
0x88: {  	s13 =	sadd.s32 $0x15400, s12;
	[sflag:s4] =	ssyncadd.s32 $0xFFFFC000  }
0x89: {  	[spmem:s3] =	stream.indirect.scatter.add.f32 [tilespmem:s31], [sflag:$0x3], $0x80, s13, s30, $0xb8;
	[tilespmem:$0x1FC00] =	vst v63  }
0x8a: {  	_ =	swait.ge [sflag:s28], $0x4000  }
0x8b: {  	[sflag:s28] =	ssyncset.done $0x0  }
0x8c: {  	s13 =	sadd.s32 $0x14100, s12;
	[sflag:s28] =	ssyncadd.s32 $0xFFFFC000  }
0x8d: {  	[tilespmem:s31], [sflag:$0x1] =	stream.indirect.gather [hbm4b:s1+s30], $0x80, s13, s30, $0xb8;
	[tilespmem:$0x1FC00] =	vst v63  }
0x8e: {  	_ =	swait.ge [sflag:s5], $0x4000  }
.Ltmp1:
0x8f: {  	[sflag:s5] =	ssyncset.done $0x0;
	(pc) =	sbr.rel @p0 .LBB2_4-.Ltmp1, $4  }
0x90: {  	s12 =	sadd.s32 $0x15480, s12;
	[sflag:s5] =	ssyncadd.s32 $0xFFFFC000  }
0x91: {  	[spmem:s3] =	stream.indirect.scatter.add.f32 [tilespmem:s0], [sflag:$0x3], $0x80, s12, s30, $0xb8;
	[tilespmem:$0x1FC00] =	vst v63  }
0x92: {  	_ =	swait.ge [sflag:s28], $0x4000  }
0x93: {  	s13 =	smov.u32 s16;
	s12 =	sshra.s32 s15, $0x2;
	[sflag:s28] =	ssyncset.done $0x0  }
0x94: {  	s13 =	sadd.s32 $0x14080, s12;
	[sflag:s28] =	ssyncadd.s32 $0xFFFFC000  }
0x95: {  	[tilespmem:s0], [sflag:$0x2] =	stream.indirect.gather [hbm4b:s1+s30], $0x80, s13, s30, $0xb8;
	[tilespmem:$0x1FC00] =	vst v63  }
0x96: {  	_ =	swait.ge [sflag:s4], $0x4000  }
0x97: {  	[sflag:s4] =	ssyncset.done $0x0  }
0x98: {  	s15 =	sadd.s32 $0x15400, s12;
	[sflag:s4] =	ssyncadd.s32 $0xFFFFC000  }
0x99: {  	[spmem:s3] =	stream.indirect.scatter.add.f32 [tilespmem:s31], [sflag:$0x3], $0x80, s15, s30, $0xb8;
	[tilespmem:$0x1FC00] =	vst v63  }
0x9a: {  	_ =	swait.ge [sflag:s28], $0x4000  }
0x9b: {  	[sflag:s28] =	ssyncset.done $0x0  }
0x9c: {  	s16 =	sadd.s32 $0x14100, s12;
	[sflag:s28] =	ssyncadd.s32 $0xFFFFC000  }
0x9d: {  	[tilespmem:s31], [sflag:$0x1] =	stream.indirect.gather [hbm4b:s1+s30], $0x80, s16, s30, $0xb8;
	[tilespmem:$0x1FC00] =	vst v63  }
0x9e: {  	_ =	swait.ge [sflag:s5], $0x4000  }
0x9f: {  	[sflag:s5] =	ssyncset.done $0x0  }
0xa0: {  	s14 =	sadd.s32 $0x15480, s12;
	[sflag:s5] =	ssyncadd.s32 $0xFFFFC000  }
0xa1: {  	[spmem:s3] =	stream.indirect.scatter.add.f32 [tilespmem:s0], [sflag:$0x3], $0x80, s14, s30, $0xb8;
	[tilespmem:$0x1FC00] =	vst v63  }
0xa2: {  	_ =	swait.ge [sflag:s28], $0x4000  }
0xa3: {  	[sflag:s28] =	ssyncset.done $0x0  }
0xa4: {  	[sflag:s28] =	ssyncadd.s32 $0xFFFFC000  }
0xa5: {  	[tilespmem:s0], [sflag:$0x2] =	stream.indirect.gather [hbm4b:s1+s30], $0x80, s6, s30, $0xb8;
	[tilespmem:$0x1FC00] =	vst v63  }
0xa6: {  	_ =	swait.ge [sflag:s4], $0x4000  }
0xa7: {  	[sflag:s4] =	ssyncset.done $0x0  }
0xa8: {  	[sflag:s4] =	ssyncadd.s32 $0xFFFFC000  }
0xa9: {  	[spmem:s3] =	stream.indirect.scatter.add.f32 [tilespmem:s31], [sflag:$0x3], $0x80, s8, s30, $0xb8;
	[tilespmem:$0x1FC00] =	vst v63  }
0xaa: {  	_ =	swait.ge [sflag:s28], $0x4000  }
0xab: {  	[sflag:s28] =	ssyncset.done $0x0  }
0xac: {  	[sflag:s28] =	ssyncadd.s32 $0xFFFFC000  }
0xad: {  	_ =	swait.ge [sflag:s5], $0x4000  }
0xae: {  	[sflag:s5] =	ssyncset.done $0x0  }
0xaf: {  	[sflag:s5] =	ssyncadd.s32 $0xFFFFC000  }
0xb0: {  	[spmem:s3] =	stream.indirect.scatter.add.f32 [tilespmem:s0], [sflag:$0x3], $0x80, s9, s30, $0xb8;
	[tilespmem:$0x1FC00] =	vst v63  }
0xb1: {  	_ =	swait.ge [sflag:s28], $0x4000  }
0xb2: {  	[sflag:s28] =	ssyncset.done $0x0  }
0xb3: {  	s15 =	simm.s32 $0x0;
	s16 =	rddreg [dreg:$0x5];
	[sflag:s28] =	ssyncadd.s32 $0xFFFFC000  }
0xb4: {  	[tilespmem:s26], [sflag:$0x3] =	stream.linear.gather [hbm4b:s16+s15], $0x1400, $0x38;
	[tilespmem:$0x1FC00] =	vst v63  }
0xb5: {  	_ =	swait.ge [sflag:s28], $0x1400  }
0xb6: {  	[sflag:s28] =	ssyncset.done $0x0  }
0xb7: {  	[sflag:s28] =	ssyncadd.s32 $0xFFFFEC00  }
0xb8: {  	[tilespmem:s29], [sflag:$0x3] =	stream.linear.gather [hbm4b:s11+s15], $0x1400, $0x38;
	[tilespmem:$0x1FC00] =	vst v63  }
0xb9: {  	_ =	swait.ge [sflag:s28], $0x1400  }
0xba: {  	[sflag:s28] =	ssyncset.done $0x0  }
0xbb: {  	[sflag:s28] =	ssyncadd.s32 $0xFFFFEC00  }
0xbc: {  	[tilespmem:s31], [sflag:$0x1] =	stream.indirect.gather [hbm4b:s1+s30], $0x80, s26, s30, $0xb8;
	[tilespmem:$0x1FC00] =	vst v63  }
0xbd: {  	s13 =	simm.s32 $0x14080  }
0xbe: {  	[tilespmem:s0], [sflag:$0x2] =	stream.indirect.gather [hbm4b:s1+s30], $0x80, s13, s30, $0xb8;
	[tilespmem:$0x1FC00] =	vst v63  }
0xbf: {  	_ =	swait.ge [sflag:s4], $0x4000  }
0xc0: {  	[sflag:s4] =	ssyncset.done $0x0  }
0xc1: {  	s14 =	simm.s32 $0x15400;
	[sflag:s4] =	ssyncadd.s32 $0xFFFFC000  }
0xc2: {  	[spmem:s3] =	stream.indirect.scatter.add.f32 [tilespmem:s31], [sflag:$0x3], $0x80, s14, s30, $0xb8;
	[tilespmem:$0x1FC00] =	vst v63  }
0xc3: {  	_ =	swait.ge [sflag:s28], $0x4000  }
0xc4: {  	[sflag:s28] =	ssyncset.done $0x0  }
0xc5: {  	s15 =	simm.s32 $0x14100;
	[sflag:s28] =	ssyncadd.s32 $0xFFFFC000  }
0xc6: {  	[tilespmem:s31], [sflag:$0x1] =	stream.indirect.gather [hbm4b:s1+s30], $0x80, s15, s30, $0xb8;
	[tilespmem:$0x1FC00] =	vst v63  }
0xc7: {  	_ =	swait.ge [sflag:s5], $0x4000  }
0xc8: {  	[sflag:s5] =	ssyncset.done $0x0  }
0xc9: {  	s16 =	simm.s32 $0x15480;
	[sflag:s5] =	ssyncadd.s32 $0xFFFFC000  }
0xca: {  	[spmem:s3] =	stream.indirect.scatter.add.f32 [tilespmem:s0], [sflag:$0x3], $0x80, s16, s30, $0xb8;
	[tilespmem:$0x1FC00] =	vst v63  }
0xcb: {  	_ =	swait.ge [sflag:s28], $0x4000  }
0xcc: {  	s12 =	simm.s32 $0x800;
	s11 =	simm.s32 $0x100;
	[sflag:s28] =	ssyncset.done $0x0  }
.LBB2_6:
0xcd: {  	s13 =	sadd.s32 $0x14080, s11  }
0xce: {  	[sflag:s28] =	ssyncadd.s32 $0xFFFFC000;
	s14 =	smov.u32 s12;
	s15 =	sadd.s32 $0x400, s12  }
0xcf: {  	[tilespmem:s0], [sflag:$0x2] =	stream.indirect.gather [hbm4b:s1+s30], $0x80, s13, s30, $0xb8;
	[tilespmem:$0x1FC00] =	vst v63  }
0xd0: {  	p0 =	sne.s32 s12, $0x4800;
	_ =	swait.ge [sflag:s4], $0x4000  }
0xd1: {  	[sflag:s4] =	ssyncset.done $0x0  }
0xd2: {  	s12 =	sadd.s32 $0x15400, s11;
	[sflag:s4] =	ssyncadd.s32 $0xFFFFC000  }
0xd3: {  	[spmem:s3] =	stream.indirect.scatter.add.f32 [tilespmem:s31], [sflag:$0x3], $0x80, s12, s30, $0xb8;
	[tilespmem:$0x1FC00] =	vst v63  }
0xd4: {  	_ =	swait.ge [sflag:s28], $0x4000  }
0xd5: {  	[sflag:s28] =	ssyncset.done $0x0  }
0xd6: {  	s12 =	sadd.s32 $0x14100, s11;
	[sflag:s28] =	ssyncadd.s32 $0xFFFFC000  }
0xd7: {  	[tilespmem:s31], [sflag:$0x1] =	stream.indirect.gather [hbm4b:s1+s30], $0x80, s12, s30, $0xb8;
	[tilespmem:$0x1FC00] =	vst v63  }
0xd8: {  	_ =	swait.ge [sflag:s5], $0x4000  }
.Ltmp2:
0xd9: {  	[sflag:s5] =	ssyncset.done $0x0;
	(pc) =	sbr.rel @p0 .LBB2_6-.Ltmp2, $4  }
0xda: {  	s11 =	sadd.s32 $0x15480, s11;
	[sflag:s5] =	ssyncadd.s32 $0xFFFFC000  }
0xdb: {  	[spmem:s3] =	stream.indirect.scatter.add.f32 [tilespmem:s0], [sflag:$0x3], $0x80, s11, s30, $0xb8;
	[tilespmem:$0x1FC00] =	vst v63  }
0xdc: {  	_ =	swait.ge [sflag:s28], $0x4000  }
0xdd: {  	s12 =	smov.u32 s15;
	s11 =	sshra.s32 s14, $0x2;
	[sflag:s28] =	ssyncset.done $0x0  }
0xde: {  	s12 =	sadd.s32 $0x14080, s11;
	[sflag:s28] =	ssyncadd.s32 $0xFFFFC000  }
0xdf: {  	[tilespmem:s0], [sflag:$0x2] =	stream.indirect.gather [hbm4b:s1+s30], $0x80, s12, s30, $0xb8;
	[tilespmem:$0x1FC00] =	vst v63  }
0xe0: {  	_ =	swait.ge [sflag:s4], $0x4000  }
0xe1: {  	[sflag:s4] =	ssyncset.done $0x0  }
0xe2: {  	s15 =	sadd.s32 $0x15400, s11;
	[sflag:s4] =	ssyncadd.s32 $0xFFFFC000  }
0xe3: {  	[spmem:s3] =	stream.indirect.scatter.add.f32 [tilespmem:s31], [sflag:$0x3], $0x80, s15, s30, $0xb8;
	[tilespmem:$0x1FC00] =	vst v63  }
0xe4: {  	_ =	swait.ge [sflag:s28], $0x4000  }
0xe5: {  	[sflag:s28] =	ssyncset.done $0x0  }
0xe6: {  	s16 =	sadd.s32 $0x14100, s11;
	[sflag:s28] =	ssyncadd.s32 $0xFFFFC000  }
0xe7: {  	[tilespmem:s31], [sflag:$0x1] =	stream.indirect.gather [hbm4b:s1+s30], $0x80, s16, s30, $0xb8;
	[tilespmem:$0x1FC00] =	vst v63  }
0xe8: {  	_ =	swait.ge [sflag:s5], $0x4000  }
0xe9: {  	[sflag:s5] =	ssyncset.done $0x0  }
0xea: {  	s13 =	sadd.s32 $0x15480, s11;
	[sflag:s5] =	ssyncadd.s32 $0xFFFFC000  }
0xeb: {  	[spmem:s3] =	stream.indirect.scatter.add.f32 [tilespmem:s0], [sflag:$0x3], $0x80, s13, s30, $0xb8;
	[tilespmem:$0x1FC00] =	vst v63  }
0xec: {  	_ =	swait.ge [sflag:s28], $0x4000  }
0xed: {  	[sflag:s28] =	ssyncset.done $0x0  }
0xee: {  	[sflag:s28] =	ssyncadd.s32 $0xFFFFC000  }
0xef: {  	[tilespmem:s0], [sflag:$0x2] =	stream.indirect.gather [hbm4b:s1+s30], $0x80, s6, s30, $0xb8;
	[tilespmem:$0x1FC00] =	vst v63  }
0xf0: {  	_ =	swait.ge [sflag:s4], $0x4000  }
0xf1: {  	[sflag:s4] =	ssyncset.done $0x0  }
0xf2: {  	[sflag:s4] =	ssyncadd.s32 $0xFFFFC000  }
0xf3: {  	[spmem:s3] =	stream.indirect.scatter.add.f32 [tilespmem:s31], [sflag:$0x3], $0x80, s8, s30, $0xb8;
	[tilespmem:$0x1FC00] =	vst v63  }
0xf4: {  	_ =	swait.ge [sflag:s28], $0x4000  }
0xf5: {  	[sflag:s28] =	ssyncset.done $0x0  }
0xf6: {  	[sflag:s28] =	ssyncadd.s32 $0xFFFFC000  }
0xf7: {  	_ =	swait.ge [sflag:s5], $0x4000  }
0xf8: {  	[sflag:s5] =	ssyncset.done $0x0  }
0xf9: {  	[sflag:s5] =	ssyncadd.s32 $0xFFFFC000  }
0xfa: {  	[spmem:s3] =	stream.indirect.scatter.add.f32 [tilespmem:s0], [sflag:$0x3], $0x80, s9, s30, $0xb8;
	[tilespmem:$0x1FC00] =	vst v63  }
0xfb: {  	_ =	swait.ge [sflag:s28], $0x4000  }
0xfc: {  	s14 =	stileid.u32;
	[sflag:s28] =	ssyncset.done $0x0  }
0xfd: {  	s11 =	sshll.u32 s14, $0x6;
	[sflag:s28] =	ssyncadd.s32 $0xFFFFC000  }
0xfe: {  	s11 =	sor.u32 $0x1C03, s11;
	s15 =	sshrl.u32 s7, $0x3;
	[bflag:$0x0] =	sbarrier.arrive $0xFFFF  }
0xff: {  	[hbm:s24], [sflag:s11] =	dma.local [spmem:s15], $0x2800  }
0x100: {  	_ =	swait.ge [sflag:s28], $0x2800  }
0x101: {  	s10 =	sadd.s32 $0x1, s10;
	s16 =	rddreg [dreg:$0x6]  }
0x102: {  	p0 =	sne.s32 s10, s16  }
.Ltmp3:
0x103: {  	_ = 	snop;
	(pc) =	sbr.rel @p0 .LBB2_1-.Ltmp3, $3  }
0x104: {  	_ =	sdelay $0x1  }
0x105: {  	[sflag:s28] =	ssyncset.done $0x0  }
0x106: {  	[sflag:s28] =	ssyncadd.s32 $0xFFFFD800  }
0x107: {  	_ =	sfence.sel $0x180000  }
0x108: {  	[bflag:$0x0] =	sbarrier.arrive $0xFFFF  }
0x109: {  	_ =	strace $0x90000047  }
0x10a: {  	s0 =	stileid.u32;
	[bflag:$0x2] =	sbarrier.arrive $0xFFFF  }
0x10b: {  	p0 =	sne.s32 s0, $0x0;
	s0 =	rddreg [dreg:$0x3]  }
0x10c: {  	s0 =	sadd.s32 @!p0 $0x100000, s0  }
0x10d: {  	[sflag:s0] =	ssyncadd.tile.s32 @!p0 $0x1;
	_ =	shalt  }
.Lfunc_end2:
_tile_overlayer_lowered:
.L_overlay_start_2:
0x10e: {  	(tag) =	ssettag $0x2  }
0x10f: {  	s0 =	rddreg [dreg:$0x0];
	s2 =	stileid.u32  }
0x110: {  	s1 =	rddreg [dreg:$0x1];
	p0 =	sne.s32 s2, $0x0  }
0x111: {  	s3 =	rddreg [dreg:$0x2];
	[bflag:$0x3] =	sbarrier.arrive $0xFFFF;
	s2 =	simm.s32 @!p0 $0x1C03  }
0x112: {  	[timem:s3], [sflag:s2] =	dma.local @!p0 [hbm:s0], s1  }
0x113: {  	s0 =	simm.s32 @!p0 $0x3  }
0x114: {  	_ =	swait.ge @!p0 [sflag:s0], s1  }
0x115: {  	s1 =	ssub.s32 @!p0 $0x0, s1;
	[sflag:s0] =	ssyncset.done @!p0 $0x0  }
0x116: {  	[sflag:s0] =	ssyncadd.s32 @!p0 s1  }
0x117: {  	[bflag:$0x3] =	sbarrier.arrive $0xFFFF  }
0x118: {  	_ =	shalt  }

</sc_bundles>
